<compile_context>
chip_gen: v7x
topology: tpu7x:2x2x1
jax: 0.10.2.dev20260603
libtpu: 0.0.44.dev20260713+nightly
codegen_flags: <defaults>
</compile_context>

<pallas_src>
import functools

import jax
import jax.numpy as jnp
from jax import lax
from jax.experimental import pallas as pl
from jax.experimental.pallas import tpu as pltpu
from jax.experimental.pallas import tpu_sc as plsc

L = 16
NC, NS = 2, 16
NW = NC * NS
NBUF = 2
PB = 2


def _spline_body(T, D, Q, BPW, qt_hbm, knots_hbm, x0_hbm, x1_hbm, tv_hbm,
                 out_hbm, qt_v, tv_v, idx_v, c_v, xt_v, out_v, insem, outsem):
    NG = Q // L
    wid = lax.axis_index("s") * NC + lax.axis_index("c")
    base = wid * BPW

    pltpu.sync_copy(qt_hbm, qt_v)
    pltpu.sync_copy(tv_hbm, tv_v)

    for g in range(NG):
        qv = qt_v[pl.ds(g * L, L)]

        def jbody(j, left, qv=qv):
            tj = plsc.load_gather(tv_v, [jnp.full((L,), j, jnp.int32)])
            return left + jnp.where(tj < qv, 1, 0).astype(jnp.int32)

        left = lax.fori_loop(0, T, jbody, jnp.zeros((L,), jnp.int32))
        idx = jnp.clip(left - 1, 0, T - 2)
        tlo = plsc.load_gather(tv_v, [idx])
        thi = plsc.load_gather(tv_v, [idx + 1])
        c = (qv - tlo) / (thi - tlo + 1e-10)
        idx_v[pl.ds(g * L, L)] = idx
        c_v[pl.ds(g * L, L)] = c

    NSTEPS = BPW // PB

    def in_copies(st, s):
        b = base + st * PB
        return (
            pltpu.make_async_copy(
                x0_hbm.at[pl.ds(b, PB)], xt_v.at[s, :, 0], insem.at[s]),
            pltpu.make_async_copy(
                knots_hbm.at[pl.ds(b, PB)],
                xt_v.at[s, :, pl.ds(1, T - 2)], insem.at[s]),
            pltpu.make_async_copy(
                x1_hbm.at[pl.ds(b, PB)], xt_v.at[s, :, T - 1], insem.at[s]),
        )

    def start_in(st, s):
        for cp in in_copies(st, s):
            cp.start()

    def wait_in(st, s):
        for cp in in_copies(st, s):
            cp.wait()

    for _s in range(NBUF):
        start_in(_s, _s)

    lane = lax.iota(jnp.int32, L)

    def pair_body(g, _):
        for s in range(NBUF):
            st = g * NBUF + s
            b = base + st * PB
            wait_in(st, s)
            pl.when(g > 0)(lambda s=s, b=b: pltpu.make_async_copy(
                out_v.at[s], out_hbm.at[pl.ds(b - NBUF * PB, PB)],
                outsem.at[s]).wait())

            idxs = [idx_v[pl.ds(gg * L, L)] for gg in range(NG)]
            cs = [c_v[pl.ds(gg * L, L)] for gg in range(NG)]

            for sub in range(PB):
                xt_a = xt_v.at[s, sub]
                xt_b = xt_v.at[s, sub, pl.ds(1, T - 1)]

                @plsc.parallel_loop(0, D, step=1, unroll=2)
                def kbody(k, s=s, sub=sub, idxs=idxs, cs=cs,
                          xt_a=xt_a, xt_b=xt_b):
                    col = jnp.bitwise_and(lane + k, D - 1)
                    avs = [plsc.load_gather(xt_a, [idxs[gg], col])
                           for gg in range(NG)]
                    bvs = [plsc.load_gather(xt_b, [idxs[gg], col])
                           for gg in range(NG)]
                    vals = [a + (b2 - a) * c
                            for a, b2, c in zip(avs, bvs, cs)]
                    for gg in range(NG):
                        plsc.store_scatter(
                            out_v.at[s, sub, pl.ds(gg * L, L)],
                            [lane, col], vals[gg])
            pltpu.async_copy(
                out_v.at[s], out_hbm.at[pl.ds(b, PB)], outsem.at[s])
            pl.when(g < NSTEPS // NBUF - 1)(
                lambda st=st, s=s: start_in(st + NBUF, s))
        return 0

    lax.fori_loop(0, NSTEPS // NBUF, pair_body, 0)

    for s in range(NBUF):
        pltpu.make_async_copy(
            out_v.at[s],
            out_hbm.at[pl.ds(base + (NSTEPS - NBUF + s) * PB, PB)],
            outsem.at[s]).wait()


@jax.jit
def kernel(query_t, knots, x0, x1, spline_discr):
    B, K, D = knots.shape
    Q = query_t.shape[0]
    T = K + 2
    assert B % NW == 0 and Q % L == 0 and D % L == 0
    assert D & (D - 1) == 0
    BPW = B // NW
    assert BPW % (NBUF * PB) == 0

    mesh = plsc.VectorSubcoreMesh(
        core_axis_name="c", subcore_axis_name="s",
        num_cores=NC, num_subcores=NS)
    f = pl.kernel(
        functools.partial(_spline_body, T, D, Q, BPW),
        out_type=jax.ShapeDtypeStruct((B, Q, D), jnp.float32),
        mesh=mesh,
        compiler_params=pltpu.CompilerParams(needs_layout_passes=False),
        scratch_types=[
            pltpu.VMEM((Q,), jnp.float32),
            pltpu.VMEM((T,), jnp.float32),
            pltpu.VMEM((Q,), jnp.int32),
            pltpu.VMEM((Q,), jnp.float32),
            pltpu.VMEM((NBUF, PB, T, D), jnp.float32),
            pltpu.VMEM((NBUF, PB, Q, D), jnp.float32),
            pltpu.SemaphoreType.DMA((NBUF,)),
            pltpu.SemaphoreType.DMA((NBUF,)),
        ],
    )
    return f(query_t, knots, x0[0], x1[0], spline_discr[:, 0])

# --- scband reference (transcript-rebuilt; emitter-appended) ---
"""Pipeline reference for scband-end-point-spline-18124761989444 (READ-ONLY COPY).

The authoritative reference and input builder live on the scoring server;
editing this copy changes nothing except your own understanding.
"""

import jax, jax.numpy as jnp
import numpy as np


def linear_interp1d(t, xt, query_t):
    # t: [T, B] monotonically increasing knot times per batch
    # xt: [T, B, D] knot values
    # query_t: [Q, B] query times
    velocities = (xt[1:] - xt[:-1]) / (t[1:] - t[:-1] + 1e-10)[..., None]  # [T-1, B, D]

    def per_batch(t_b, xt_b, v_b, q_b):
        # t_b: [T], xt_b: [T, D], v_b: [T-1, D], q_b: [Q]
        left = jnp.searchsorted(t_b, q_b, side='left')
        idx = jnp.clip(left - 1, 0, t_b.shape[0] - 2)
        return xt_b[idx] + v_b[idx] * (q_b - t_b[idx])[:, None]  # [Q, D]

    # vmap over the batch axis (axis=1 of t/xt/velocities/query_t)
    yt = jax.vmap(per_batch, in_axes=(1, 1, 1, 1), out_axes=1)(t, xt, velocities, query_t)
    return yt  # [Q, B, D]


def setup_inputs(seed: int = 0) -> dict:
    key = jax.random.key(seed)
    k1, k2, k3, k4 = jax.random.split(key, 4)
    B, D, K, Q = 4096, 128, 62, 128
    T = K + 2  # total discretization points including endpoints
    knots = jax.random.normal(k1, (B, K, D), dtype=jnp.float32)  # learned param 'knots'
    x0 = jax.random.normal(k2, (1, B, D), dtype=jnp.float32)
    x1 = jax.random.normal(k3, (1, B, D), dtype=jnp.float32)
    # sorted time discretization in [0, 1], shared across batch (shape [T, B])
    spline_discr = jnp.broadcast_to(
        jnp.linspace(0.0, 1.0, T, dtype=jnp.float32)[:, None], (T, B)
    )
    query_t = jax.random.uniform(k4, (Q,), dtype=jnp.float32)
    return {
        'query_t': query_t,
        'knots': knots,
        'x0': x0,
        'x1': x1,
        'spline_discr': spline_discr,
    }


def reference(query_t, knots, x0, x1, spline_discr):
    # faithful translation of EndPointSpline.__call__
    qt = jnp.repeat(query_t[:, None], repeats=knots.shape[0], axis=-1)  # [Q, B]
    xt = jnp.concatenate([x0, knots.transpose(1, 0, 2), x1], axis=0)   # [T, B, D]
    yt = linear_interp1d(spline_discr, xt, qt)                         # [Q, B, D]
    return yt.transpose(1, 0, 2)                                       # [B, Q, D]

if __name__ == "__main__":
    import jax
    _d = setup_inputs()
    print(jax.jit(kernel)(*tuple(_d.values())))

</pallas_src>

<mosaic_0001>
#map = affine_map<(d0, d1) -> (0)>
#map1 = affine_map<(d0, d1) -> (0, 0, 0)>
#map2 = affine_map<(d0, d1) -> (0, 0)>
module attributes {stable_mosaic.version = 14 : i64} {
  func.func @_spline_body(%arg0: i32, %arg1: i32, %arg2: memref<128xf32, #tpu.memory_space<hbm>>, %arg3: memref<4096x62x128xf32, #tpu.memory_space<hbm>>, %arg4: memref<4096x128xf32, #tpu.memory_space<hbm>>, %arg5: memref<4096x128xf32, #tpu.memory_space<hbm>>, %arg6: memref<64xf32, #tpu.memory_space<hbm>>, %arg7: memref<4096x128x128xf32, #tpu.memory_space<hbm>>, %arg8: memref<128xf32, #tpu.memory_space<vmem>>, %arg9: memref<64xf32, #tpu.memory_space<vmem>>, %arg10: memref<128xi32, #tpu.memory_space<vmem>>, %arg11: memref<128xf32, #tpu.memory_space<vmem>>, %arg12: memref<2x2x64x128xf32, #tpu.memory_space<vmem>>, %arg13: memref<2x2x128x128xf32, #tpu.memory_space<vmem>>, %arg14: memref<2x!tpu.dma_semaphore, #tpu.memory_space<semaphore_mem>>, %arg15: memref<2x!tpu.dma_semaphore, #tpu.memory_space<semaphore_mem>>) attributes {dimension_semantics = [#tpu.dimension_semantics<core_parallel>, #tpu.dimension_semantics<subcore_parallel>], iteration_bounds = array<i64: 2, 16>, scalar_prefetch = 0 : i64, scratch_operands = 8 : i64, tpu.core_type = #tpu.core_type<sc_vector_subcore>, window_params = [{transform_indices = #map}, {transform_indices = #map1}, {transform_indices = #map2}, {transform_indices = #map2}, {transform_indices = #map}, {transform_indices = #map1}]} {
    %mul3A = arith.constant 2 : i32
    %mul3A_0 = arith.muli %arg1, %mul3A : i32
    %add3A = arith.addi %mul3A_0, %arg0 : i32
    %mul3A_1 = arith.constant 128 : i32
    %mul3A_2 = arith.muli %add3A, %mul3A_1 : i32
    "tpu.region"() ({
      %run_scoped3A = tpu.sem_alloc : memref<!tpu.dma_semaphore, #tpu.memory_space<semaphore_mem>>
      tpu.enqueue_dma source(%arg2 : memref<128xf32, #tpu.memory_space<hbm>>) target(%arg8 : memref<128xf32, #tpu.memory_space<vmem>>) target_semaphore(%run_scoped3A : memref<!tpu.dma_semaphore, #tpu.memory_space<semaphore_mem>>)
      tpu.wait_dma2 semaphore(%run_scoped3A : memref<!tpu.dma_semaphore, #tpu.memory_space<semaphore_mem>>) src(%arg2 : memref<128xf32, #tpu.memory_space<hbm>>) dst(%arg8 : memref<128xf32, #tpu.memory_space<vmem>>)
      tpu.yield
    }) : () -> ()
    "tpu.region"() ({
      %run_scoped3A = tpu.sem_alloc : memref<!tpu.dma_semaphore, #tpu.memory_space<semaphore_mem>>
      tpu.enqueue_dma source(%arg6 : memref<64xf32, #tpu.memory_space<hbm>>) target(%arg9 : memref<64xf32, #tpu.memory_space<vmem>>) target_semaphore(%run_scoped3A : memref<!tpu.dma_semaphore, #tpu.memory_space<semaphore_mem>>)
      tpu.wait_dma2 semaphore(%run_scoped3A : memref<!tpu.dma_semaphore, #tpu.memory_space<semaphore_mem>>) src(%arg6 : memref<64xf32, #tpu.memory_space<hbm>>) dst(%arg9 : memref<64xf32, #tpu.memory_space<vmem>>)
      tpu.yield
    }) : () -> ()
    %get3A = arith.constant 0 : index
    %get3A_3 = tpu.vector_load %arg8[%get3A] {strides = array<i32>} : memref<128xf32, #tpu.memory_space<vmem>>, vector<16xf32>,
    %broadcast_in_dim3A = arith.constant 0 : i32
    %broadcast_in_dim3A_4 = vector.broadcast %broadcast_in_dim3A : i32 to vector<16xi32>
    %scan3A = arith.constant 0 : i32
    %scan3A_5 = arith.constant 64 : i32
    %scan3A_6 = arith.addi %scan3A, %scan3A_5 : i32
    %scan3A_7 = arith.constant 1 : i32
    %scan3A_8 = scf.for %scan3A_426 = %scan3A to %scan3A_6 step %scan3A_7 iter_args(%scan3A_427 = %broadcast_in_dim3A_4) -> (vector<16xi32>)  : i32 {
      %broadcast_in_dim3A_428 = vector.broadcast %scan3A_426 : i32 to vector<16xi32>
      %gather3A_429 = tpu.vector_load_idx %arg9[%broadcast_in_dim3A_428] : memref<64xf32, #tpu.memory_space<vmem>>[vector<16xi32>], vector<16xf32>,
      %lt3A = arith.cmpf olt, %gather3A_429, %get3A_3 : vector<16xf32>
      %jit3A_430 = arith.constant 1 : i32
      %jit3A_431 = arith.constant 0 : i32
      %broadcast_in_dim3A_432 = vector.broadcast %jit3A_430 : i32 to vector<16xi32>
      %broadcast_in_dim3A_433 = vector.broadcast %jit3A_431 : i32 to vector<16xi32>
      %select_n3A = arith.select %lt3A, %broadcast_in_dim3A_432, %broadcast_in_dim3A_433 : vector<16xi1>, vector<16xi32>
      %add3A_434 = arith.addi %scan3A_427, %select_n3A : vector<16xi32>
      scf.yield %add3A_434 : vector<16xi32>
    }
    %scan3A_9 = arith.constant 64 : i32
    %sub3A = arith.constant 1 : i32
    %sub3A_10 = vector.broadcast %sub3A : i32 to vector<16xi32>
    %sub3A_11 = arith.subi %scan3A_8, %sub3A_10 : vector<16xi32>
    %jit3A = arith.constant 0 : i32
    %jit3A_12 = arith.constant 62 : i32
    %max3A = vector.broadcast %jit3A : i32 to vector<16xi32>
    %max3A_13 = arith.maxsi %max3A, %sub3A_11 : vector<16xi32>
    %min3A = vector.broadcast %jit3A_12 : i32 to vector<16xi32>
    %min3A_14 = arith.minsi %min3A, %max3A_13 : vector<16xi32>
    %gather3A = tpu.vector_load_idx %arg9[%min3A_14] : memref<64xf32, #tpu.memory_space<vmem>>[vector<16xi32>], vector<16xf32>,
    %add3A_15 = arith.constant 1 : i32
    %add3A_16 = vector.broadcast %add3A_15 : i32 to vector<16xi32>
    %add3A_17 = arith.addi %min3A_14, %add3A_16 : vector<16xi32>
    %gather3A_18 = tpu.vector_load_idx %arg9[%add3A_17] : memref<64xf32, #tpu.memory_space<vmem>>[vector<16xi32>], vector<16xf32>,
    %sub3A_19 = arith.subf %get3A_3, %gather3A : vector<16xf32>
    %sub3A_20 = arith.subf %gather3A_18, %gather3A : vector<16xf32>
    %add3A_21 = arith.constant 1.000000e-10 : f32
    %add3A_22 = vector.broadcast %add3A_21 : f32 to vector<16xf32>
    %add3A_23 = arith.addf %sub3A_20, %add3A_22 : vector<16xf32>
    %div3A = arith.divf %sub3A_19, %add3A_23 : vector<16xf32>
    %swap3A = arith.constant 0 : index
    %swap3A_24 = tpu.vector_load %arg10[%swap3A] {strides = array<i32>} : memref<128xi32, #tpu.memory_space<vmem>>, vector<16xi32>,
    tpu.vector_store %arg10[%swap3A], %min3A_14 {strides = array<i32>} : memref<128xi32, #tpu.memory_space<vmem>>, vector<16xi32>,
    %swap3A_25 = arith.constant 0 : index
    %swap3A_26 = tpu.vector_load %arg11[%swap3A_25] {strides = array<i32>} : memref<128xf32, #tpu.memory_space<vmem>>, vector<16xf32>,
    tpu.vector_store %arg11[%swap3A_25], %div3A {strides = array<i32>} : memref<128xf32, #tpu.memory_space<vmem>>, vector<16xf32>,
    %get3A_27 = arith.constant 16 : index
    %get3A_28 = tpu.vector_load %arg8[%get3A_27] {strides = array<i32>} : memref<128xf32, #tpu.memory_space<vmem>>, vector<16xf32>,
    %broadcast_in_dim3A_29 = arith.constant 0 : i32
    %broadcast_in_dim3A_30 = vector.broadcast %broadcast_in_dim3A_29 : i32 to vector<16xi32>
    %scan3A_31 = arith.constant 0 : i32
    %scan3A_32 = arith.constant 64 : i32
    %scan3A_33 = arith.addi %scan3A_31, %scan3A_32 : i32
    %scan3A_34 = arith.constant 1 : i32
    %scan3A_35 = scf.for %scan3A_426 = %scan3A_31 to %scan3A_33 step %scan3A_34 iter_args(%scan3A_427 = %broadcast_in_dim3A_30) -> (vector<16xi32>)  : i32 {
      %broadcast_in_dim3A_428 = vector.broadcast %scan3A_426 : i32 to vector<16xi32>
      %gather3A_429 = tpu.vector_load_idx %arg9[%broadcast_in_dim3A_428] : memref<64xf32, #tpu.memory_space<vmem>>[vector<16xi32>], vector<16xf32>,
      %lt3A = arith.cmpf olt, %gather3A_429, %get3A_28 : vector<16xf32>
      %jit3A_430 = arith.constant 1 : i32
      %jit3A_431 = arith.constant 0 : i32
      %broadcast_in_dim3A_432 = vector.broadcast %jit3A_430 : i32 to vector<16xi32>
      %broadcast_in_dim3A_433 = vector.broadcast %jit3A_431 : i32 to vector<16xi32>
      %select_n3A = arith.select %lt3A, %broadcast_in_dim3A_432, %broadcast_in_dim3A_433 : vector<16xi1>, vector<16xi32>
      %add3A_434 = arith.addi %scan3A_427, %select_n3A : vector<16xi32>
      scf.yield %add3A_434 : vector<16xi32>
    }
    %scan3A_36 = arith.constant 64 : i32
    %sub3A_37 = arith.constant 1 : i32
    %sub3A_38 = vector.broadcast %sub3A_37 : i32 to vector<16xi32>
    %sub3A_39 = arith.subi %scan3A_35, %sub3A_38 : vector<16xi32>
    %jit3A_40 = arith.constant 0 : i32
    %jit3A_41 = arith.constant 62 : i32
    %max3A_42 = vector.broadcast %jit3A_40 : i32 to vector<16xi32>
    %max3A_43 = arith.maxsi %max3A_42, %sub3A_39 : vector<16xi32>
    %min3A_44 = vector.broadcast %jit3A_41 : i32 to vector<16xi32>
    %min3A_45 = arith.minsi %min3A_44, %max3A_43 : vector<16xi32>
    %gather3A_46 = tpu.vector_load_idx %arg9[%min3A_45] : memref<64xf32, #tpu.memory_space<vmem>>[vector<16xi32>], vector<16xf32>,
    %add3A_47 = arith.constant 1 : i32
    %add3A_48 = vector.broadcast %add3A_47 : i32 to vector<16xi32>
    %add3A_49 = arith.addi %min3A_45, %add3A_48 : vector<16xi32>
    %gather3A_50 = tpu.vector_load_idx %arg9[%add3A_49] : memref<64xf32, #tpu.memory_space<vmem>>[vector<16xi32>], vector<16xf32>,
    %sub3A_51 = arith.subf %get3A_28, %gather3A_46 : vector<16xf32>
    %sub3A_52 = arith.subf %gather3A_50, %gather3A_46 : vector<16xf32>
    %add3A_53 = arith.constant 1.000000e-10 : f32
    %add3A_54 = vector.broadcast %add3A_53 : f32 to vector<16xf32>
    %add3A_55 = arith.addf %sub3A_52, %add3A_54 : vector<16xf32>
    %div3A_56 = arith.divf %sub3A_51, %add3A_55 : vector<16xf32>
    %swap3A_57 = arith.constant 16 : index
    %swap3A_58 = tpu.vector_load %arg10[%swap3A_57] {strides = array<i32>} : memref<128xi32, #tpu.memory_space<vmem>>, vector<16xi32>,
    tpu.vector_store %arg10[%swap3A_57], %min3A_45 {strides = array<i32>} : memref<128xi32, #tpu.memory_space<vmem>>, vector<16xi32>,
    %swap3A_59 = arith.constant 16 : index
    %swap3A_60 = tpu.vector_load %arg11[%swap3A_59] {strides = array<i32>} : memref<128xf32, #tpu.memory_space<vmem>>, vector<16xf32>,
    tpu.vector_store %arg11[%swap3A_59], %div3A_56 {strides = array<i32>} : memref<128xf32, #tpu.memory_space<vmem>>, vector<16xf32>,
    %get3A_61 = arith.constant 32 : index
    %get3A_62 = tpu.vector_load %arg8[%get3A_61] {strides = array<i32>} : memref<128xf32, #tpu.memory_space<vmem>>, vector<16xf32>,
    %broadcast_in_dim3A_63 = arith.constant 0 : i32
    %broadcast_in_dim3A_64 = vector.broadcast %broadcast_in_dim3A_63 : i32 to vector<16xi32>
    %scan3A_65 = arith.constant 0 : i32
    %scan3A_66 = arith.constant 64 : i32
    %scan3A_67 = arith.addi %scan3A_65, %scan3A_66 : i32
    %scan3A_68 = arith.constant 1 : i32
    %scan3A_69 = scf.for %scan3A_426 = %scan3A_65 to %scan3A_67 step %scan3A_68 iter_args(%scan3A_427 = %broadcast_in_dim3A_64) -> (vector<16xi32>)  : i32 {
      %broadcast_in_dim3A_428 = vector.broadcast %scan3A_426 : i32 to vector<16xi32>
      %gather3A_429 = tpu.vector_load_idx %arg9[%broadcast_in_dim3A_428] : memref<64xf32, #tpu.memory_space<vmem>>[vector<16xi32>], vector<16xf32>,
      %lt3A = arith.cmpf olt, %gather3A_429, %get3A_62 : vector<16xf32>
      %jit3A_430 = arith.constant 1 : i32
      %jit3A_431 = arith.constant 0 : i32
      %broadcast_in_dim3A_432 = vector.broadcast %jit3A_430 : i32 to vector<16xi32>
      %broadcast_in_dim3A_433 = vector.broadcast %jit3A_431 : i32 to vector<16xi32>
      %select_n3A = arith.select %lt3A, %broadcast_in_dim3A_432, %broadcast_in_dim3A_433 : vector<16xi1>, vector<16xi32>
      %add3A_434 = arith.addi %scan3A_427, %select_n3A : vector<16xi32>
      scf.yield %add3A_434 : vector<16xi32>
    }
    %scan3A_70 = arith.constant 64 : i32
    %sub3A_71 = arith.constant 1 : i32
    %sub3A_72 = vector.broadcast %sub3A_71 : i32 to vector<16xi32>
    %sub3A_73 = arith.subi %scan3A_69, %sub3A_72 : vector<16xi32>
    %jit3A_74 = arith.constant 0 : i32
    %jit3A_75 = arith.constant 62 : i32
    %max3A_76 = vector.broadcast %jit3A_74 : i32 to vector<16xi32>
    %max3A_77 = arith.maxsi %max3A_76, %sub3A_73 : vector<16xi32>
    %min3A_78 = vector.broadcast %jit3A_75 : i32 to vector<16xi32>
    %min3A_79 = arith.minsi %min3A_78, %max3A_77 : vector<16xi32>
    %gather3A_80 = tpu.vector_load_idx %arg9[%min3A_79] : memref<64xf32, #tpu.memory_space<vmem>>[vector<16xi32>], vector<16xf32>,
    %add3A_81 = arith.constant 1 : i32
    %add3A_82 = vector.broadcast %add3A_81 : i32 to vector<16xi32>
    %add3A_83 = arith.addi %min3A_79, %add3A_82 : vector<16xi32>
    %gather3A_84 = tpu.vector_load_idx %arg9[%add3A_83] : memref<64xf32, #tpu.memory_space<vmem>>[vector<16xi32>], vector<16xf32>,
    %sub3A_85 = arith.subf %get3A_62, %gather3A_80 : vector<16xf32>
    %sub3A_86 = arith.subf %gather3A_84, %gather3A_80 : vector<16xf32>
    %add3A_87 = arith.constant 1.000000e-10 : f32
    %add3A_88 = vector.broadcast %add3A_87 : f32 to vector<16xf32>
    %add3A_89 = arith.addf %sub3A_86, %add3A_88 : vector<16xf32>
    %div3A_90 = arith.divf %sub3A_85, %add3A_89 : vector<16xf32>
    %swap3A_91 = arith.constant 32 : index
    %swap3A_92 = tpu.vector_load %arg10[%swap3A_91] {strides = array<i32>} : memref<128xi32, #tpu.memory_space<vmem>>, vector<16xi32>,
    tpu.vector_store %arg10[%swap3A_91], %min3A_79 {strides = array<i32>} : memref<128xi32, #tpu.memory_space<vmem>>, vector<16xi32>,
    %swap3A_93 = arith.constant 32 : index
    %swap3A_94 = tpu.vector_load %arg11[%swap3A_93] {strides = array<i32>} : memref<128xf32, #tpu.memory_space<vmem>>, vector<16xf32>,
    tpu.vector_store %arg11[%swap3A_93], %div3A_90 {strides = array<i32>} : memref<128xf32, #tpu.memory_space<vmem>>, vector<16xf32>,
    %get3A_95 = arith.constant 48 : index
    %get3A_96 = tpu.vector_load %arg8[%get3A_95] {strides = array<i32>} : memref<128xf32, #tpu.memory_space<vmem>>, vector<16xf32>,
    %broadcast_in_dim3A_97 = arith.constant 0 : i32
    %broadcast_in_dim3A_98 = vector.broadcast %broadcast_in_dim3A_97 : i32 to vector<16xi32>
    %scan3A_99 = arith.constant 0 : i32
    %scan3A_100 = arith.constant 64 : i32
    %scan3A_101 = arith.addi %scan3A_99, %scan3A_100 : i32
    %scan3A_102 = arith.constant 1 : i32
    %scan3A_103 = scf.for %scan3A_426 = %scan3A_99 to %scan3A_101 step %scan3A_102 iter_args(%scan3A_427 = %broadcast_in_dim3A_98) -> (vector<16xi32>)  : i32 {
      %broadcast_in_dim3A_428 = vector.broadcast %scan3A_426 : i32 to vector<16xi32>
      %gather3A_429 = tpu.vector_load_idx %arg9[%broadcast_in_dim3A_428] : memref<64xf32, #tpu.memory_space<vmem>>[vector<16xi32>], vector<16xf32>,
      %lt3A = arith.cmpf olt, %gather3A_429, %get3A_96 : vector<16xf32>
      %jit3A_430 = arith.constant 1 : i32
      %jit3A_431 = arith.constant 0 : i32
      %broadcast_in_dim3A_432 = vector.broadcast %jit3A_430 : i32 to vector<16xi32>
      %broadcast_in_dim3A_433 = vector.broadcast %jit3A_431 : i32 to vector<16xi32>
      %select_n3A = arith.select %lt3A, %broadcast_in_dim3A_432, %broadcast_in_dim3A_433 : vector<16xi1>, vector<16xi32>
      %add3A_434 = arith.addi %scan3A_427, %select_n3A : vector<16xi32>
      scf.yield %add3A_434 : vector<16xi32>
    }
    %scan3A_104 = arith.constant 64 : i32
    %sub3A_105 = arith.constant 1 : i32
    %sub3A_106 = vector.broadcast %sub3A_105 : i32 to vector<16xi32>
    %sub3A_107 = arith.subi %scan3A_103, %sub3A_106 : vector<16xi32>
    %jit3A_108 = arith.constant 0 : i32
    %jit3A_109 = arith.constant 62 : i32
    %max3A_110 = vector.broadcast %jit3A_108 : i32 to vector<16xi32>
    %max3A_111 = arith.maxsi %max3A_110, %sub3A_107 : vector<16xi32>
    %min3A_112 = vector.broadcast %jit3A_109 : i32 to vector<16xi32>
    %min3A_113 = arith.minsi %min3A_112, %max3A_111 : vector<16xi32>
    %gather3A_114 = tpu.vector_load_idx %arg9[%min3A_113] : memref<64xf32, #tpu.memory_space<vmem>>[vector<16xi32>], vector<16xf32>,
    %add3A_115 = arith.constant 1 : i32
    %add3A_116 = vector.broadcast %add3A_115 : i32 to vector<16xi32>
    %add3A_117 = arith.addi %min3A_113, %add3A_116 : vector<16xi32>
    %gather3A_118 = tpu.vector_load_idx %arg9[%add3A_117] : memref<64xf32, #tpu.memory_space<vmem>>[vector<16xi32>], vector<16xf32>,
    %sub3A_119 = arith.subf %get3A_96, %gather3A_114 : vector<16xf32>
    %sub3A_120 = arith.subf %gather3A_118, %gather3A_114 : vector<16xf32>
    %add3A_121 = arith.constant 1.000000e-10 : f32
    %add3A_122 = vector.broadcast %add3A_121 : f32 to vector<16xf32>
    %add3A_123 = arith.addf %sub3A_120, %add3A_122 : vector<16xf32>
    %div3A_124 = arith.divf %sub3A_119, %add3A_123 : vector<16xf32>
    %swap3A_125 = arith.constant 48 : index
    %swap3A_126 = tpu.vector_load %arg10[%swap3A_125] {strides = array<i32>} : memref<128xi32, #tpu.memory_space<vmem>>, vector<16xi32>,
    tpu.vector_store %arg10[%swap3A_125], %min3A_113 {strides = array<i32>} : memref<128xi32, #tpu.memory_space<vmem>>, vector<16xi32>,
    %swap3A_127 = arith.constant 48 : index
    %swap3A_128 = tpu.vector_load %arg11[%swap3A_127] {strides = array<i32>} : memref<128xf32, #tpu.memory_space<vmem>>, vector<16xf32>,
    tpu.vector_store %arg11[%swap3A_127], %div3A_124 {strides = array<i32>} : memref<128xf32, #tpu.memory_space<vmem>>, vector<16xf32>,
    %get3A_129 = arith.constant 64 : index
    %get3A_130 = tpu.vector_load %arg8[%get3A_129] {strides = array<i32>} : memref<128xf32, #tpu.memory_space<vmem>>, vector<16xf32>,
    %broadcast_in_dim3A_131 = arith.constant 0 : i32
    %broadcast_in_dim3A_132 = vector.broadcast %broadcast_in_dim3A_131 : i32 to vector<16xi32>
    %scan3A_133 = arith.constant 0 : i32
    %scan3A_134 = arith.constant 64 : i32
    %scan3A_135 = arith.addi %scan3A_133, %scan3A_134 : i32
    %scan3A_136 = arith.constant 1 : i32
    %scan3A_137 = scf.for %scan3A_426 = %scan3A_133 to %scan3A_135 step %scan3A_136 iter_args(%scan3A_427 = %broadcast_in_dim3A_132) -> (vector<16xi32>)  : i32 {
      %broadcast_in_dim3A_428 = vector.broadcast %scan3A_426 : i32 to vector<16xi32>
      %gather3A_429 = tpu.vector_load_idx %arg9[%broadcast_in_dim3A_428] : memref<64xf32, #tpu.memory_space<vmem>>[vector<16xi32>], vector<16xf32>,
      %lt3A = arith.cmpf olt, %gather3A_429, %get3A_130 : vector<16xf32>
      %jit3A_430 = arith.constant 1 : i32
      %jit3A_431 = arith.constant 0 : i32
      %broadcast_in_dim3A_432 = vector.broadcast %jit3A_430 : i32 to vector<16xi32>
      %broadcast_in_dim3A_433 = vector.broadcast %jit3A_431 : i32 to vector<16xi32>
      %select_n3A = arith.select %lt3A, %broadcast_in_dim3A_432, %broadcast_in_dim3A_433 : vector<16xi1>, vector<16xi32>
      %add3A_434 = arith.addi %scan3A_427, %select_n3A : vector<16xi32>
      scf.yield %add3A_434 : vector<16xi32>
    }
    %scan3A_138 = arith.constant 64 : i32
    %sub3A_139 = arith.constant 1 : i32
    %sub3A_140 = vector.broadcast %sub3A_139 : i32 to vector<16xi32>
    %sub3A_141 = arith.subi %scan3A_137, %sub3A_140 : vector<16xi32>
    %jit3A_142 = arith.constant 0 : i32
    %jit3A_143 = arith.constant 62 : i32
    %max3A_144 = vector.broadcast %jit3A_142 : i32 to vector<16xi32>
    %max3A_145 = arith.maxsi %max3A_144, %sub3A_141 : vector<16xi32>
    %min3A_146 = vector.broadcast %jit3A_143 : i32 to vector<16xi32>
    %min3A_147 = arith.minsi %min3A_146, %max3A_145 : vector<16xi32>
    %gather3A_148 = tpu.vector_load_idx %arg9[%min3A_147] : memref<64xf32, #tpu.memory_space<vmem>>[vector<16xi32>], vector<16xf32>,
    %add3A_149 = arith.constant 1 : i32
    %add3A_150 = vector.broadcast %add3A_149 : i32 to vector<16xi32>
    %add3A_151 = arith.addi %min3A_147, %add3A_150 : vector<16xi32>
    %gather3A_152 = tpu.vector_load_idx %arg9[%add3A_151] : memref<64xf32, #tpu.memory_space<vmem>>[vector<16xi32>], vector<16xf32>,
    %sub3A_153 = arith.subf %get3A_130, %gather3A_148 : vector<16xf32>
    %sub3A_154 = arith.subf %gather3A_152, %gather3A_148 : vector<16xf32>
    %add3A_155 = arith.constant 1.000000e-10 : f32
    %add3A_156 = vector.broadcast %add3A_155 : f32 to vector<16xf32>
    %add3A_157 = arith.addf %sub3A_154, %add3A_156 : vector<16xf32>
    %div3A_158 = arith.divf %sub3A_153, %add3A_157 : vector<16xf32>
    %swap3A_159 = arith.constant 64 : index
    %swap3A_160 = tpu.vector_load %arg10[%swap3A_159] {strides = array<i32>} : memref<128xi32, #tpu.memory_space<vmem>>, vector<16xi32>,
    tpu.vector_store %arg10[%swap3A_159], %min3A_147 {strides = array<i32>} : memref<128xi32, #tpu.memory_space<vmem>>, vector<16xi32>,
    %swap3A_161 = arith.constant 64 : index
    %swap3A_162 = tpu.vector_load %arg11[%swap3A_161] {strides = array<i32>} : memref<128xf32, #tpu.memory_space<vmem>>, vector<16xf32>,
    tpu.vector_store %arg11[%swap3A_161], %div3A_158 {strides = array<i32>} : memref<128xf32, #tpu.memory_space<vmem>>, vector<16xf32>,
    %get3A_163 = arith.constant 80 : index
    %get3A_164 = tpu.vector_load %arg8[%get3A_163] {strides = array<i32>} : memref<128xf32, #tpu.memory_space<vmem>>, vector<16xf32>,
    %broadcast_in_dim3A_165 = arith.constant 0 : i32
    %broadcast_in_dim3A_166 = vector.broadcast %broadcast_in_dim3A_165 : i32 to vector<16xi32>
    %scan3A_167 = arith.constant 0 : i32
    %scan3A_168 = arith.constant 64 : i32
    %scan3A_169 = arith.addi %scan3A_167, %scan3A_168 : i32
    %scan3A_170 = arith.constant 1 : i32
    %scan3A_171 = scf.for %scan3A_426 = %scan3A_167 to %scan3A_169 step %scan3A_170 iter_args(%scan3A_427 = %broadcast_in_dim3A_166) -> (vector<16xi32>)  : i32 {
      %broadcast_in_dim3A_428 = vector.broadcast %scan3A_426 : i32 to vector<16xi32>
      %gather3A_429 = tpu.vector_load_idx %arg9[%broadcast_in_dim3A_428] : memref<64xf32, #tpu.memory_space<vmem>>[vector<16xi32>], vector<16xf32>,
      %lt3A = arith.cmpf olt, %gather3A_429, %get3A_164 : vector<16xf32>
      %jit3A_430 = arith.constant 1 : i32
      %jit3A_431 = arith.constant 0 : i32
      %broadcast_in_dim3A_432 = vector.broadcast %jit3A_430 : i32 to vector<16xi32>
      %broadcast_in_dim3A_433 = vector.broadcast %jit3A_431 : i32 to vector<16xi32>
      %select_n3A = arith.select %lt3A, %broadcast_in_dim3A_432, %broadcast_in_dim3A_433 : vector<16xi1>, vector<16xi32>
      %add3A_434 = arith.addi %scan3A_427, %select_n3A : vector<16xi32>
      scf.yield %add3A_434 : vector<16xi32>
    }
    %scan3A_172 = arith.constant 64 : i32
    %sub3A_173 = arith.constant 1 : i32
    %sub3A_174 = vector.broadcast %sub3A_173 : i32 to vector<16xi32>
    %sub3A_175 = arith.subi %scan3A_171, %sub3A_174 : vector<16xi32>
    %jit3A_176 = arith.constant 0 : i32
    %jit3A_177 = arith.constant 62 : i32
    %max3A_178 = vector.broadcast %jit3A_176 : i32 to vector<16xi32>
    %max3A_179 = arith.maxsi %max3A_178, %sub3A_175 : vector<16xi32>
    %min3A_180 = vector.broadcast %jit3A_177 : i32 to vector<16xi32>
    %min3A_181 = arith.minsi %min3A_180, %max3A_179 : vector<16xi32>
    %gather3A_182 = tpu.vector_load_idx %arg9[%min3A_181] : memref<64xf32, #tpu.memory_space<vmem>>[vector<16xi32>], vector<16xf32>,
    %add3A_183 = arith.constant 1 : i32
    %add3A_184 = vector.broadcast %add3A_183 : i32 to vector<16xi32>
    %add3A_185 = arith.addi %min3A_181, %add3A_184 : vector<16xi32>
    %gather3A_186 = tpu.vector_load_idx %arg9[%add3A_185] : memref<64xf32, #tpu.memory_space<vmem>>[vector<16xi32>], vector<16xf32>,
    %sub3A_187 = arith.subf %get3A_164, %gather3A_182 : vector<16xf32>
    %sub3A_188 = arith.subf %gather3A_186, %gather3A_182 : vector<16xf32>
    %add3A_189 = arith.constant 1.000000e-10 : f32
    %add3A_190 = vector.broadcast %add3A_189 : f32 to vector<16xf32>
    %add3A_191 = arith.addf %sub3A_188, %add3A_190 : vector<16xf32>
    %div3A_192 = arith.divf %sub3A_187, %add3A_191 : vector<16xf32>
    %swap3A_193 = arith.constant 80 : index
    %swap3A_194 = tpu.vector_load %arg10[%swap3A_193] {strides = array<i32>} : memref<128xi32, #tpu.memory_space<vmem>>, vector<16xi32>,
    tpu.vector_store %arg10[%swap3A_193], %min3A_181 {strides = array<i32>} : memref<128xi32, #tpu.memory_space<vmem>>, vector<16xi32>,
    %swap3A_195 = arith.constant 80 : index
    %swap3A_196 = tpu.vector_load %arg11[%swap3A_195] {strides = array<i32>} : memref<128xf32, #tpu.memory_space<vmem>>, vector<16xf32>,
    tpu.vector_store %arg11[%swap3A_195], %div3A_192 {strides = array<i32>} : memref<128xf32, #tpu.memory_space<vmem>>, vector<16xf32>,
    %get3A_197 = arith.constant 96 : index
    %get3A_198 = tpu.vector_load %arg8[%get3A_197] {strides = array<i32>} : memref<128xf32, #tpu.memory_space<vmem>>, vector<16xf32>,
    %broadcast_in_dim3A_199 = arith.constant 0 : i32
    %broadcast_in_dim3A_200 = vector.broadcast %broadcast_in_dim3A_199 : i32 to vector<16xi32>
    %scan3A_201 = arith.constant 0 : i32
    %scan3A_202 = arith.constant 64 : i32
    %scan3A_203 = arith.addi %scan3A_201, %scan3A_202 : i32
    %scan3A_204 = arith.constant 1 : i32
    %scan3A_205 = scf.for %scan3A_426 = %scan3A_201 to %scan3A_203 step %scan3A_204 iter_args(%scan3A_427 = %broadcast_in_dim3A_200) -> (vector<16xi32>)  : i32 {
      %broadcast_in_dim3A_428 = vector.broadcast %scan3A_426 : i32 to vector<16xi32>
      %gather3A_429 = tpu.vector_load_idx %arg9[%broadcast_in_dim3A_428] : memref<64xf32, #tpu.memory_space<vmem>>[vector<16xi32>], vector<16xf32>,
      %lt3A = arith.cmpf olt, %gather3A_429, %get3A_198 : vector<16xf32>
      %jit3A_430 = arith.constant 1 : i32
      %jit3A_431 = arith.constant 0 : i32
      %broadcast_in_dim3A_432 = vector.broadcast %jit3A_430 : i32 to vector<16xi32>
      %broadcast_in_dim3A_433 = vector.broadcast %jit3A_431 : i32 to vector<16xi32>
      %select_n3A = arith.select %lt3A, %broadcast_in_dim3A_432, %broadcast_in_dim3A_433 : vector<16xi1>, vector<16xi32>
      %add3A_434 = arith.addi %scan3A_427, %select_n3A : vector<16xi32>
      scf.yield %add3A_434 : vector<16xi32>
    }
    %scan3A_206 = arith.constant 64 : i32
    %sub3A_207 = arith.constant 1 : i32
    %sub3A_208 = vector.broadcast %sub3A_207 : i32 to vector<16xi32>
    %sub3A_209 = arith.subi %scan3A_205, %sub3A_208 : vector<16xi32>
    %jit3A_210 = arith.constant 0 : i32
    %jit3A_211 = arith.constant 62 : i32
    %max3A_212 = vector.broadcast %jit3A_210 : i32 to vector<16xi32>
    %max3A_213 = arith.maxsi %max3A_212, %sub3A_209 : vector<16xi32>
    %min3A_214 = vector.broadcast %jit3A_211 : i32 to vector<16xi32>
    %min3A_215 = arith.minsi %min3A_214, %max3A_213 : vector<16xi32>
    %gather3A_216 = tpu.vector_load_idx %arg9[%min3A_215] : memref<64xf32, #tpu.memory_space<vmem>>[vector<16xi32>], vector<16xf32>,
    %add3A_217 = arith.constant 1 : i32
    %add3A_218 = vector.broadcast %add3A_217 : i32 to vector<16xi32>
    %add3A_219 = arith.addi %min3A_215, %add3A_218 : vector<16xi32>
    %gather3A_220 = tpu.vector_load_idx %arg9[%add3A_219] : memref<64xf32, #tpu.memory_space<vmem>>[vector<16xi32>], vector<16xf32>,
    %sub3A_221 = arith.subf %get3A_198, %gather3A_216 : vector<16xf32>
    %sub3A_222 = arith.subf %gather3A_220, %gather3A_216 : vector<16xf32>
    %add3A_223 = arith.constant 1.000000e-10 : f32
    %add3A_224 = vector.broadcast %add3A_223 : f32 to vector<16xf32>
    %add3A_225 = arith.addf %sub3A_222, %add3A_224 : vector<16xf32>
    %div3A_226 = arith.divf %sub3A_221, %add3A_225 : vector<16xf32>
    %swap3A_227 = arith.constant 96 : index
    %swap3A_228 = tpu.vector_load %arg10[%swap3A_227] {strides = array<i32>} : memref<128xi32, #tpu.memory_space<vmem>>, vector<16xi32>,
    tpu.vector_store %arg10[%swap3A_227], %min3A_215 {strides = array<i32>} : memref<128xi32, #tpu.memory_space<vmem>>, vector<16xi32>,
    %swap3A_229 = arith.constant 96 : index
    %swap3A_230 = tpu.vector_load %arg11[%swap3A_229] {strides = array<i32>} : memref<128xf32, #tpu.memory_space<vmem>>, vector<16xf32>,
    tpu.vector_store %arg11[%swap3A_229], %div3A_226 {strides = array<i32>} : memref<128xf32, #tpu.memory_space<vmem>>, vector<16xf32>,
    %get3A_231 = arith.constant 112 : index
    %get3A_232 = tpu.vector_load %arg8[%get3A_231] {strides = array<i32>} : memref<128xf32, #tpu.memory_space<vmem>>, vector<16xf32>,
    %broadcast_in_dim3A_233 = arith.constant 0 : i32
    %broadcast_in_dim3A_234 = vector.broadcast %broadcast_in_dim3A_233 : i32 to vector<16xi32>
    %scan3A_235 = arith.constant 0 : i32
    %scan3A_236 = arith.constant 64 : i32
    %scan3A_237 = arith.addi %scan3A_235, %scan3A_236 : i32
    %scan3A_238 = arith.constant 1 : i32
    %scan3A_239 = scf.for %scan3A_426 = %scan3A_235 to %scan3A_237 step %scan3A_238 iter_args(%scan3A_427 = %broadcast_in_dim3A_234) -> (vector<16xi32>)  : i32 {
      %broadcast_in_dim3A_428 = vector.broadcast %scan3A_426 : i32 to vector<16xi32>
      %gather3A_429 = tpu.vector_load_idx %arg9[%broadcast_in_dim3A_428] : memref<64xf32, #tpu.memory_space<vmem>>[vector<16xi32>], vector<16xf32>,
      %lt3A = arith.cmpf olt, %gather3A_429, %get3A_232 : vector<16xf32>
      %jit3A_430 = arith.constant 1 : i32
      %jit3A_431 = arith.constant 0 : i32
      %broadcast_in_dim3A_432 = vector.broadcast %jit3A_430 : i32 to vector<16xi32>
      %broadcast_in_dim3A_433 = vector.broadcast %jit3A_431 : i32 to vector<16xi32>
      %select_n3A = arith.select %lt3A, %broadcast_in_dim3A_432, %broadcast_in_dim3A_433 : vector<16xi1>, vector<16xi32>
      %add3A_434 = arith.addi %scan3A_427, %select_n3A : vector<16xi32>
      scf.yield %add3A_434 : vector<16xi32>
    }
    %scan3A_240 = arith.constant 64 : i32
    %sub3A_241 = arith.constant 1 : i32
    %sub3A_242 = vector.broadcast %sub3A_241 : i32 to vector<16xi32>
    %sub3A_243 = arith.subi %scan3A_239, %sub3A_242 : vector<16xi32>
    %jit3A_244 = arith.constant 0 : i32
    %jit3A_245 = arith.constant 62 : i32
    %max3A_246 = vector.broadcast %jit3A_244 : i32 to vector<16xi32>
    %max3A_247 = arith.maxsi %max3A_246, %sub3A_243 : vector<16xi32>
    %min3A_248 = vector.broadcast %jit3A_245 : i32 to vector<16xi32>
    %min3A_249 = arith.minsi %min3A_248, %max3A_247 : vector<16xi32>
    %gather3A_250 = tpu.vector_load_idx %arg9[%min3A_249] : memref<64xf32, #tpu.memory_space<vmem>>[vector<16xi32>], vector<16xf32>,
    %add3A_251 = arith.constant 1 : i32
    %add3A_252 = vector.broadcast %add3A_251 : i32 to vector<16xi32>
    %add3A_253 = arith.addi %min3A_249, %add3A_252 : vector<16xi32>
    %gather3A_254 = tpu.vector_load_idx %arg9[%add3A_253] : memref<64xf32, #tpu.memory_space<vmem>>[vector<16xi32>], vector<16xf32>,
    %sub3A_255 = arith.subf %get3A_232, %gather3A_250 : vector<16xf32>
    %sub3A_256 = arith.subf %gather3A_254, %gather3A_250 : vector<16xf32>
    %add3A_257 = arith.constant 1.000000e-10 : f32
    %add3A_258 = vector.broadcast %add3A_257 : f32 to vector<16xf32>
    %add3A_259 = arith.addf %sub3A_256, %add3A_258 : vector<16xf32>
    %div3A_260 = arith.divf %sub3A_255, %add3A_259 : vector<16xf32>
    %swap3A_261 = arith.constant 112 : index
    %swap3A_262 = tpu.vector_load %arg10[%swap3A_261] {strides = array<i32>} : memref<128xi32, #tpu.memory_space<vmem>>, vector<16xi32>,
    tpu.vector_store %arg10[%swap3A_261], %min3A_249 {strides = array<i32>} : memref<128xi32, #tpu.memory_space<vmem>>, vector<16xi32>,
    %swap3A_263 = arith.constant 112 : index
    %swap3A_264 = tpu.vector_load %arg11[%swap3A_263] {strides = array<i32>} : memref<128xf32, #tpu.memory_space<vmem>>, vector<16xf32>,
    tpu.vector_store %arg11[%swap3A_263], %div3A_260 {strides = array<i32>} : memref<128xf32, #tpu.memory_space<vmem>>, vector<16xf32>,
    %add3A_265 = arith.constant 0 : i32
    %add3A_266 = arith.addi %mul3A_2, %add3A_265 : i32
    %dma_start3A = arith.constant 0 : i32
    %dma_start3A_267 = arith.constant 0 : i32
    %dma_start3A_268 = arith.constant 0 : i32
    %dma_start3A_269 = arith.constant 0 : i32
    %dma_start3A_270 = arith.constant 0 : i32
    %dma_start3A_271 = tpu.memref_slice %arg12[%dma_start3A, %dma_start3A_269, %dma_start3A_267, %dma_start3A_270] : memref<2x2x64x128xf32, #tpu.memory_space<vmem>> -> memref<1x2x1x128xf32, #tpu.memory_space<vmem>>
    %dma_start3A_272 = tpu.memref_squeeze %dma_start3A_271 : memref<1x2x1x128xf32, #tpu.memory_space<vmem>> -> memref<2x128xf32, #tpu.memory_space<vmem>>
    %dma_start3A_273 = arith.constant 0 : i32
    %dma_start3A_274 = tpu.memref_slice %arg4[%add3A_266, %dma_start3A_273] : memref<4096x128xf32, #tpu.memory_space<hbm>> -> memref<2x128xf32, #tpu.memory_space<hbm>>
    %dma_start3A_275 = tpu.memref_slice %arg14[%dma_start3A_268] : memref<2x!tpu.dma_semaphore, #tpu.memory_space<semaphore_mem>> -> memref<1x!tpu.dma_semaphore, #tpu.memory_space<semaphore_mem>>
    %dma_start3A_276 = tpu.memref_squeeze %dma_start3A_275 : memref<1x!tpu.dma_semaphore, #tpu.memory_space<semaphore_mem>> -> memref<!tpu.dma_semaphore, #tpu.memory_space<semaphore_mem>>
    %dma_start3A_277 = arith.constant 0 : i32
    %dma_start3A_278 = arith.constant 0 : i32
    %dma_start3A_279 = tpu.memref_slice %arg12[%dma_start3A, %dma_start3A_277, %dma_start3A_267, %dma_start3A_278] : memref<2x2x64x128xf32, #tpu.memory_space<vmem>> -> memref<1x2x1x128xf32, #tpu.memory_space<vmem>>
    %dma_start3A_280 = tpu.memref_squeeze %dma_start3A_279 : memref<1x2x1x128xf32, #tpu.memory_space<vmem>> -> memref<2x128xf32, #tpu.memory_space<vmem>>
    %dma_start3A_281 = arith.constant 0 : i32
    %dma_start3A_282 = tpu.memref_slice %arg4[%add3A_266, %dma_start3A_281] : memref<4096x128xf32, #tpu.memory_space<hbm>> -> memref<2x128xf32, #tpu.memory_space<hbm>>
    tpu.enqueue_dma source(%dma_start3A_282 : memref<2x128xf32, #tpu.memory_space<hbm>>) target(%dma_start3A_280 : memref<2x128xf32, #tpu.memory_space<vmem>>) target_semaphore(%dma_start3A_276 : memref<!tpu.dma_semaphore, #tpu.memory_space<semaphore_mem>>)
    %dma_start3A_283 = arith.constant 0 : i32
    %dma_start3A_284 = arith.constant 0 : i32
    %dma_start3A_285 = arith.constant 0 : i32
    %dma_start3A_286 = arith.constant 1 : i32
    %dma_start3A_287 = arith.constant 0 : i32
    %dma_start3A_288 = tpu.memref_slice %arg12[%dma_start3A_283, %dma_start3A_285, %dma_start3A_286, %dma_start3A_287] : memref<2x2x64x128xf32, #tpu.memory_space<vmem>> -> memref<1x2x62x128xf32, #tpu.memory_space<vmem>>
    %dma_start3A_289 = tpu.memref_squeeze %dma_start3A_288 : memref<1x2x62x128xf32, #tpu.memory_space<vmem>> -> memref<2x62x128xf32, #tpu.memory_space<vmem>>
    %dma_start3A_290 = arith.constant 0 : i32
    %dma_start3A_291 = arith.constant 0 : i32
    %dma_start3A_292 = tpu.memref_slice %arg3[%add3A_266, %dma_start3A_290, %dma_start3A_291] : memref<4096x62x128xf32, #tpu.memory_space<hbm>> -> memref<2x62x128xf32, #tpu.memory_space<hbm>>
    %dma_start3A_293 = tpu.memref_slice %arg14[%dma_start3A_284] : memref<2x!tpu.dma_semaphore, #tpu.memory_space<semaphore_mem>> -> memref<1x!tpu.dma_semaphore, #tpu.memory_space<semaphore_mem>>
    %dma_start3A_294 = tpu.memref_squeeze %dma_start3A_293 : memref<1x!tpu.dma_semaphore, #tpu.memory_space<semaphore_mem>> -> memref<!tpu.dma_semaphore, #tpu.memory_space<semaphore_mem>>
    %dma_start3A_295 = arith.constant 0 : i32
    %dma_start3A_296 = arith.constant 1 : i32
    %dma_start3A_297 = arith.constant 0 : i32
    %dma_start3A_298 = tpu.memref_slice %arg12[%dma_start3A_283, %dma_start3A_295, %dma_start3A_296, %dma_start3A_297] : memref<2x2x64x128xf32, #tpu.memory_space<vmem>> -> memref<1x2x62x128xf32, #tpu.memory_space<vmem>>
    %dma_start3A_299 = tpu.memref_squeeze %dma_start3A_298 : memref<1x2x62x128xf32, #tpu.memory_space<vmem>> -> memref<2x62x128xf32, #tpu.memory_space<vmem>>
    %dma_start3A_300 = arith.constant 0 : i32
    %dma_start3A_301 = arith.constant 0 : i32
    %dma_start3A_302 = tpu.memref_slice %arg3[%add3A_266, %dma_start3A_300, %dma_start3A_301] : memref<4096x62x128xf32, #tpu.memory_space<hbm>> -> memref<2x62x128xf32, #tpu.memory_space<hbm>>
    tpu.enqueue_dma source(%dma_start3A_302 : memref<2x62x128xf32, #tpu.memory_space<hbm>>) target(%dma_start3A_299 : memref<2x62x128xf32, #tpu.memory_space<vmem>>) target_semaphore(%dma_start3A_294 : memref<!tpu.dma_semaphore, #tpu.memory_space<semaphore_mem>>)
    %dma_start3A_303 = arith.constant 0 : i32
    %dma_start3A_304 = arith.constant 63 : i32
    %dma_start3A_305 = arith.constant 0 : i32
    %dma_start3A_306 = arith.constant 0 : i32
    %dma_start3A_307 = arith.constant 0 : i32
    %dma_start3A_308 = tpu.memref_slice %arg12[%dma_start3A_303, %dma_start3A_306, %dma_start3A_304, %dma_start3A_307] : memref<2x2x64x128xf32, #tpu.memory_space<vmem>> -> memref<1x2x1x128xf32, #tpu.memory_space<vmem>>
    %dma_start3A_309 = tpu.memref_squeeze %dma_start3A_308 : memref<1x2x1x128xf32, #tpu.memory_space<vmem>> -> memref<2x128xf32, #tpu.memory_space<vmem>>
    %dma_start3A_310 = arith.constant 0 : i32
    %dma_start3A_311 = tpu.memref_slice %arg5[%add3A_266, %dma_start3A_310] : memref<4096x128xf32, #tpu.memory_space<hbm>> -> memref<2x128xf32, #tpu.memory_space<hbm>>
    %dma_start3A_312 = tpu.memref_slice %arg14[%dma_start3A_305] : memref<2x!tpu.dma_semaphore, #tpu.memory_space<semaphore_mem>> -> memref<1x!tpu.dma_semaphore, #tpu.memory_space<semaphore_mem>>
    %dma_start3A_313 = tpu.memref_squeeze %dma_start3A_312 : memref<1x!tpu.dma_semaphore, #tpu.memory_space<semaphore_mem>> -> memref<!tpu.dma_semaphore, #tpu.memory_space<semaphore_mem>>
    %dma_start3A_314 = arith.constant 0 : i32
    %dma_start3A_315 = arith.constant 0 : i32
    %dma_start3A_316 = tpu.memref_slice %arg12[%dma_start3A_303, %dma_start3A_314, %dma_start3A_304, %dma_start3A_315] : memref<2x2x64x128xf32, #tpu.memory_space<vmem>> -> memref<1x2x1x128xf32, #tpu.memory_space<vmem>>
    %dma_start3A_317 = tpu.memref_squeeze %dma_start3A_316 : memref<1x2x1x128xf32, #tpu.memory_space<vmem>> -> memref<2x128xf32, #tpu.memory_space<vmem>>
    %dma_start3A_318 = arith.constant 0 : i32
    %dma_start3A_319 = tpu.memref_slice %arg5[%add3A_266, %dma_start3A_318] : memref<4096x128xf32, #tpu.memory_space<hbm>> -> memref<2x128xf32, #tpu.memory_space<hbm>>
    tpu.enqueue_dma source(%dma_start3A_319 : memref<2x128xf32, #tpu.memory_space<hbm>>) target(%dma_start3A_317 : memref<2x128xf32, #tpu.memory_space<vmem>>) target_semaphore(%dma_start3A_313 : memref<!tpu.dma_semaphore, #tpu.memory_space<semaphore_mem>>)
    %add3A_320 = arith.constant 2 : i32
    %add3A_321 = arith.addi %mul3A_2, %add3A_320 : i32
    %dma_start3A_322 = arith.constant 1 : i32
    %dma_start3A_323 = arith.constant 0 : i32
    %dma_start3A_324 = arith.constant 1 : i32
    %dma_start3A_325 = arith.constant 0 : i32
    %dma_start3A_326 = arith.constant 0 : i32
    %dma_start3A_327 = tpu.memref_slice %arg12[%dma_start3A_322, %dma_start3A_325, %dma_start3A_323, %dma_start3A_326] : memref<2x2x64x128xf32, #tpu.memory_space<vmem>> -> memref<1x2x1x128xf32, #tpu.memory_space<vmem>>
    %dma_start3A_328 = tpu.memref_squeeze %dma_start3A_327 : memref<1x2x1x128xf32, #tpu.memory_space<vmem>> -> memref<2x128xf32, #tpu.memory_space<vmem>>
    %dma_start3A_329 = arith.constant 0 : i32
    %dma_start3A_330 = tpu.memref_slice %arg4[%add3A_321, %dma_start3A_329] : memref<4096x128xf32, #tpu.memory_space<hbm>> -> memref<2x128xf32, #tpu.memory_space<hbm>>
    %dma_start3A_331 = tpu.memref_slice %arg14[%dma_start3A_324] : memref<2x!tpu.dma_semaphore, #tpu.memory_space<semaphore_mem>> -> memref<1x!tpu.dma_semaphore, #tpu.memory_space<semaphore_mem>>
    %dma_start3A_332 = tpu.memref_squeeze %dma_start3A_331 : memref<1x!tpu.dma_semaphore, #tpu.memory_space<semaphore_mem>> -> memref<!tpu.dma_semaphore, #tpu.memory_space<semaphore_mem>>
    %dma_start3A_333 = arith.constant 0 : i32
    %dma_start3A_334 = arith.constant 0 : i32
    %dma_start3A_335 = tpu.memref_slice %arg12[%dma_start3A_322, %dma_start3A_333, %dma_start3A_323, %dma_start3A_334] : memref<2x2x64x128xf32, #tpu.memory_space<vmem>> -> memref<1x2x1x128xf32, #tpu.memory_space<vmem>>
    %dma_start3A_336 = tpu.memref_squeeze %dma_start3A_335 : memref<1x2x1x128xf32, #tpu.memory_space<vmem>> -> memref<2x128xf32, #tpu.memory_space<vmem>>
    %dma_start3A_337 = arith.constant 0 : i32
    %dma_start3A_338 = tpu.memref_slice %arg4[%add3A_321, %dma_start3A_337] : memref<4096x128xf32, #tpu.memory_space<hbm>> -> memref<2x128xf32, #tpu.memory_space<hbm>>
    tpu.enqueue_dma source(%dma_start3A_338 : memref<2x128xf32, #tpu.memory_space<hbm>>) target(%dma_start3A_336 : memref<2x128xf32, #tpu.memory_space<vmem>>) target_semaphore(%dma_start3A_332 : memref<!tpu.dma_semaphore, #tpu.memory_space<semaphore_mem>>)
    %dma_start3A_339 = arith.constant 1 : i32
    %dma_start3A_340 = arith.constant 1 : i32
    %dma_start3A_341 = arith.constant 0 : i32
    %dma_start3A_342 = arith.constant 1 : i32
    %dma_start3A_343 = arith.constant 0 : i32
    %dma_start3A_344 = tpu.memref_slice %arg12[%dma_start3A_339, %dma_start3A_341, %dma_start3A_342, %dma_start3A_343] : memref<2x2x64x128xf32, #tpu.memory_space<vmem>> -> memref<1x2x62x128xf32, #tpu.memory_space<vmem>>
    %dma_start3A_345 = tpu.memref_squeeze %dma_start3A_344 : memref<1x2x62x128xf32, #tpu.memory_space<vmem>> -> memref<2x62x128xf32, #tpu.memory_space<vmem>>
    %dma_start3A_346 = arith.constant 0 : i32
    %dma_start3A_347 = arith.constant 0 : i32
    %dma_start3A_348 = tpu.memref_slice %arg3[%add3A_321, %dma_start3A_346, %dma_start3A_347] : memref<4096x62x128xf32, #tpu.memory_space<hbm>> -> memref<2x62x128xf32, #tpu.memory_space<hbm>>
    %dma_start3A_349 = tpu.memref_slice %arg14[%dma_start3A_340] : memref<2x!tpu.dma_semaphore, #tpu.memory_space<semaphore_mem>> -> memref<1x!tpu.dma_semaphore, #tpu.memory_space<semaphore_mem>>
    %dma_start3A_350 = tpu.memref_squeeze %dma_start3A_349 : memref<1x!tpu.dma_semaphore, #tpu.memory_space<semaphore_mem>> -> memref<!tpu.dma_semaphore, #tpu.memory_space<semaphore_mem>>
    %dma_start3A_351 = arith.constant 0 : i32
    %dma_start3A_352 = arith.constant 1 : i32
    %dma_start3A_353 = arith.constant 0 : i32
    %dma_start3A_354 = tpu.memref_slice %arg12[%dma_start3A_339, %dma_start3A_351, %dma_start3A_352, %dma_start3A_353] : memref<2x2x64x128xf32, #tpu.memory_space<vmem>> -> memref<1x2x62x128xf32, #tpu.memory_space<vmem>>
    %dma_start3A_355 = tpu.memref_squeeze %dma_start3A_354 : memref<1x2x62x128xf32, #tpu.memory_space<vmem>> -> memref<2x62x128xf32, #tpu.memory_space<vmem>>
    %dma_start3A_356 = arith.constant 0 : i32
    %dma_start3A_357 = arith.constant 0 : i32
    %dma_start3A_358 = tpu.memref_slice %arg3[%add3A_321, %dma_start3A_356, %dma_start3A_357] : memref<4096x62x128xf32, #tpu.memory_space<hbm>> -> memref<2x62x128xf32, #tpu.memory_space<hbm>>
    tpu.enqueue_dma source(%dma_start3A_358 : memref<2x62x128xf32, #tpu.memory_space<hbm>>) target(%dma_start3A_355 : memref<2x62x128xf32, #tpu.memory_space<vmem>>) target_semaphore(%dma_start3A_350 : memref<!tpu.dma_semaphore, #tpu.memory_space<semaphore_mem>>)
    %dma_start3A_359 = arith.constant 1 : i32
    %dma_start3A_360 = arith.constant 63 : i32
    %dma_start3A_361 = arith.constant 1 : i32
    %dma_start3A_362 = arith.constant 0 : i32
    %dma_start3A_363 = arith.constant 0 : i32
    %dma_start3A_364 = tpu.memref_slice %arg12[%dma_start3A_359, %dma_start3A_362, %dma_start3A_360, %dma_start3A_363] : memref<2x2x64x128xf32, #tpu.memory_space<vmem>> -> memref<1x2x1x128xf32, #tpu.memory_space<vmem>>
    %dma_start3A_365 = tpu.memref_squeeze %dma_start3A_364 : memref<1x2x1x128xf32, #tpu.memory_space<vmem>> -> memref<2x128xf32, #tpu.memory_space<vmem>>
    %dma_start3A_366 = arith.constant 0 : i32
    %dma_start3A_367 = tpu.memref_slice %arg5[%add3A_321, %dma_start3A_366] : memref<4096x128xf32, #tpu.memory_space<hbm>> -> memref<2x128xf32, #tpu.memory_space<hbm>>
    %dma_start3A_368 = tpu.memref_slice %arg14[%dma_start3A_361] : memref<2x!tpu.dma_semaphore, #tpu.memory_space<semaphore_mem>> -> memref<1x!tpu.dma_semaphore, #tpu.memory_space<semaphore_mem>>
    %dma_start3A_369 = tpu.memref_squeeze %dma_start3A_368 : memref<1x!tpu.dma_semaphore, #tpu.memory_space<semaphore_mem>> -> memref<!tpu.dma_semaphore, #tpu.memory_space<semaphore_mem>>
    %dma_start3A_370 = arith.constant 0 : i32
    %dma_start3A_371 = arith.constant 0 : i32
    %dma_start3A_372 = tpu.memref_slice %arg12[%dma_start3A_359, %dma_start3A_370, %dma_start3A_360, %dma_start3A_371] : memref<2x2x64x128xf32, #tpu.memory_space<vmem>> -> memref<1x2x1x128xf32, #tpu.memory_space<vmem>>
    %dma_start3A_373 = tpu.memref_squeeze %dma_start3A_372 : memref<1x2x1x128xf32, #tpu.memory_space<vmem>> -> memref<2x128xf32, #tpu.memory_space<vmem>>
    %dma_start3A_374 = arith.constant 0 : i32
    %dma_start3A_375 = tpu.memref_slice %arg5[%add3A_321, %dma_start3A_374] : memref<4096x128xf32, #tpu.memory_space<hbm>> -> memref<2x128xf32, #tpu.memory_space<hbm>>
    tpu.enqueue_dma source(%dma_start3A_375 : memref<2x128xf32, #tpu.memory_space<hbm>>) target(%dma_start3A_373 : memref<2x128xf32, #tpu.memory_space<vmem>>) target_semaphore(%dma_start3A_369 : memref<!tpu.dma_semaphore, #tpu.memory_space<semaphore_mem>>)
    %iota3A = tpu.iota {dimensions = array<i32: 0>} : vector<16xi32>
    %scan3A_376 = arith.constant 0 : i32
    %scan3A_377 = arith.constant 0 : i32
    %scan3A_378 = arith.constant 32 : i32
    %scan3A_379 = arith.addi %scan3A_377, %scan3A_378 : i32
    %scan3A_380 = arith.constant 1 : i32
    %scan3A_381 = scf.for %scan3A_426 = %scan3A_377 to %scan3A_379 step %scan3A_380 iter_args(%scan3A_427 = %scan3A_376) -> (i32)  : i32 {
      %mul3A_428 = arith.constant 2 : i32
      %mul3A_429 = arith.muli %scan3A_426, %mul3A_428 : i32
      %add3A_430 = arith.constant 0 : i32
      %add3A_431 = arith.addi %mul3A_429, %add3A_430 : i32
      %mul3A_432 = arith.constant 2 : i32
      %mul3A_433 = arith.muli %add3A_431, %mul3A_432 : i32
      %add3A_434 = arith.addi %mul3A_2, %mul3A_433 : i32
      %mul3A_435 = arith.constant 2 : i32
      %mul3A_436 = arith.muli %add3A_431, %mul3A_435 : i32
      %add3A_437 = arith.addi %mul3A_2, %mul3A_436 : i32
      %dma_wait3A_438 = arith.constant 0 : i32
      %dma_wait3A_439 = arith.constant 0 : i32
      %dma_wait3A_440 = arith.constant 0 : i32
      %dma_wait3A_441 = arith.constant 0 : i32
      %dma_wait3A_442 = arith.constant 0 : i32
      %dma_wait3A_443 = tpu.memref_slice %arg12[%dma_wait3A_438, %dma_wait3A_441, %dma_wait3A_439, %dma_wait3A_442] : memref<2x2x64x128xf32, #tpu.memory_space<vmem>> -> memref<1x2x1x128xf32, #tpu.memory_space<vmem>>
      %dma_wait3A_444 = tpu.memref_squeeze %dma_wait3A_443 : memref<1x2x1x128xf32, #tpu.memory_space<vmem>> -> memref<2x128xf32, #tpu.memory_space<vmem>>
      %dma_wait3A_445 = arith.constant 0 : i32
      %dma_wait3A_446 = tpu.memref_slice %arg4[%add3A_437, %dma_wait3A_445] : memref<4096x128xf32, #tpu.memory_space<hbm>> -> memref<2x128xf32, #tpu.memory_space<hbm>>
      %dma_wait3A_447 = tpu.memref_slice %arg14[%dma_wait3A_440] : memref<2x!tpu.dma_semaphore, #tpu.memory_space<semaphore_mem>> -> memref<1x!tpu.dma_semaphore, #tpu.memory_space<semaphore_mem>>
      %dma_wait3A_448 = tpu.memref_squeeze %dma_wait3A_447 : memref<1x!tpu.dma_semaphore, #tpu.memory_space<semaphore_mem>> -> memref<!tpu.dma_semaphore, #tpu.memory_space<semaphore_mem>>
      %dma_wait3A_449 = arith.constant 0 : i32
      %dma_wait3A_450 = arith.constant 0 : i32
      %dma_wait3A_451 = tpu.memref_slice %arg12[%dma_wait3A_438, %dma_wait3A_449, %dma_wait3A_439, %dma_wait3A_450] : memref<2x2x64x128xf32, #tpu.memory_space<vmem>> -> memref<1x2x1x128xf32, #tpu.memory_space<vmem>>
      %dma_wait3A_452 = tpu.memref_squeeze %dma_wait3A_451 : memref<1x2x1x128xf32, #tpu.memory_space<vmem>> -> memref<2x128xf32, #tpu.memory_space<vmem>>
      %dma_wait3A_453 = arith.constant 0 : i32
      %dma_wait3A_454 = tpu.memref_slice %arg4[%add3A_437, %dma_wait3A_453] : memref<4096x128xf32, #tpu.memory_space<hbm>> -> memref<2x128xf32, #tpu.memory_space<hbm>>
      tpu.wait_dma2 semaphore(%dma_wait3A_448 : memref<!tpu.dma_semaphore, #tpu.memory_space<semaphore_mem>>) src(%dma_wait3A_454 : memref<2x128xf32, #tpu.memory_space<hbm>>) dst(%dma_wait3A_452 : memref<2x128xf32, #tpu.memory_space<vmem>>)
      %dma_wait3A_455 = arith.constant 0 : i32
      %dma_wait3A_456 = arith.constant 0 : i32
      %dma_wait3A_457 = arith.constant 0 : i32
      %dma_wait3A_458 = arith.constant 1 : i32
      %dma_wait3A_459 = arith.constant 0 : i32
      %dma_wait3A_460 = tpu.memref_slice %arg12[%dma_wait3A_455, %dma_wait3A_457, %dma_wait3A_458, %dma_wait3A_459] : memref<2x2x64x128xf32, #tpu.memory_space<vmem>> -> memref<1x2x62x128xf32, #tpu.memory_space<vmem>>
      %dma_wait3A_461 = tpu.memref_squeeze %dma_wait3A_460 : memref<1x2x62x128xf32, #tpu.memory_space<vmem>> -> memref<2x62x128xf32, #tpu.memory_space<vmem>>
      %dma_wait3A_462 = arith.constant 0 : i32
      %dma_wait3A_463 = arith.constant 0 : i32
      %dma_wait3A_464 = tpu.memref_slice %arg3[%add3A_437, %dma_wait3A_462, %dma_wait3A_463] : memref<4096x62x128xf32, #tpu.memory_space<hbm>> -> memref<2x62x128xf32, #tpu.memory_space<hbm>>
      %dma_wait3A_465 = tpu.memref_slice %arg14[%dma_wait3A_456] : memref<2x!tpu.dma_semaphore, #tpu.memory_space<semaphore_mem>> -> memref<1x!tpu.dma_semaphore, #tpu.memory_space<semaphore_mem>>
      %dma_wait3A_466 = tpu.memref_squeeze %dma_wait3A_465 : memref<1x!tpu.dma_semaphore, #tpu.memory_space<semaphore_mem>> -> memref<!tpu.dma_semaphore, #tpu.memory_space<semaphore_mem>>
      %dma_wait3A_467 = arith.constant 0 : i32
      %dma_wait3A_468 = arith.constant 1 : i32
      %dma_wait3A_469 = arith.constant 0 : i32
      %dma_wait3A_470 = tpu.memref_slice %arg12[%dma_wait3A_455, %dma_wait3A_467, %dma_wait3A_468, %dma_wait3A_469] : memref<2x2x64x128xf32, #tpu.memory_space<vmem>> -> memref<1x2x62x128xf32, #tpu.memory_space<vmem>>
      %dma_wait3A_471 = tpu.memref_squeeze %dma_wait3A_470 : memref<1x2x62x128xf32, #tpu.memory_space<vmem>> -> memref<2x62x128xf32, #tpu.memory_space<vmem>>
      %dma_wait3A_472 = arith.constant 0 : i32
      %dma_wait3A_473 = arith.constant 0 : i32
      %dma_wait3A_474 = tpu.memref_slice %arg3[%add3A_437, %dma_wait3A_472, %dma_wait3A_473] : memref<4096x62x128xf32, #tpu.memory_space<hbm>> -> memref<2x62x128xf32, #tpu.memory_space<hbm>>
      tpu.wait_dma2 semaphore(%dma_wait3A_466 : memref<!tpu.dma_semaphore, #tpu.memory_space<semaphore_mem>>) src(%dma_wait3A_474 : memref<2x62x128xf32, #tpu.memory_space<hbm>>) dst(%dma_wait3A_471 : memref<2x62x128xf32, #tpu.memory_space<vmem>>)
      %dma_wait3A_475 = arith.constant 0 : i32
      %dma_wait3A_476 = arith.constant 63 : i32
      %dma_wait3A_477 = arith.constant 0 : i32
      %dma_wait3A_478 = arith.constant 0 : i32
      %dma_wait3A_479 = arith.constant 0 : i32
      %dma_wait3A_480 = tpu.memref_slice %arg12[%dma_wait3A_475, %dma_wait3A_478, %dma_wait3A_476, %dma_wait3A_479] : memref<2x2x64x128xf32, #tpu.memory_space<vmem>> -> memref<1x2x1x128xf32, #tpu.memory_space<vmem>>
      %dma_wait3A_481 = tpu.memref_squeeze %dma_wait3A_480 : memref<1x2x1x128xf32, #tpu.memory_space<vmem>> -> memref<2x128xf32, #tpu.memory_space<vmem>>
      %dma_wait3A_482 = arith.constant 0 : i32
      %dma_wait3A_483 = tpu.memref_slice %arg5[%add3A_437, %dma_wait3A_482] : memref<4096x128xf32, #tpu.memory_space<hbm>> -> memref<2x128xf32, #tpu.memory_space<hbm>>
      %dma_wait3A_484 = tpu.memref_slice %arg14[%dma_wait3A_477] : memref<2x!tpu.dma_semaphore, #tpu.memory_space<semaphore_mem>> -> memref<1x!tpu.dma_semaphore, #tpu.memory_space<semaphore_mem>>
      %dma_wait3A_485 = tpu.memref_squeeze %dma_wait3A_484 : memref<1x!tpu.dma_semaphore, #tpu.memory_space<semaphore_mem>> -> memref<!tpu.dma_semaphore, #tpu.memory_space<semaphore_mem>>
      %dma_wait3A_486 = arith.constant 0 : i32
      %dma_wait3A_487 = arith.constant 0 : i32
      %dma_wait3A_488 = tpu.memref_slice %arg12[%dma_wait3A_475, %dma_wait3A_486, %dma_wait3A_476, %dma_wait3A_487] : memref<2x2x64x128xf32, #tpu.memory_space<vmem>> -> memref<1x2x1x128xf32, #tpu.memory_space<vmem>>
      %dma_wait3A_489 = tpu.memref_squeeze %dma_wait3A_488 : memref<1x2x1x128xf32, #tpu.memory_space<vmem>> -> memref<2x128xf32, #tpu.memory_space<vmem>>
      %dma_wait3A_490 = arith.constant 0 : i32
      %dma_wait3A_491 = tpu.memref_slice %arg5[%add3A_437, %dma_wait3A_490] : memref<4096x128xf32, #tpu.memory_space<hbm>> -> memref<2x128xf32, #tpu.memory_space<hbm>>
      tpu.wait_dma2 semaphore(%dma_wait3A_485 : memref<!tpu.dma_semaphore, #tpu.memory_space<semaphore_mem>>) src(%dma_wait3A_491 : memref<2x128xf32, #tpu.memory_space<hbm>>) dst(%dma_wait3A_489 : memref<2x128xf32, #tpu.memory_space<vmem>>)
      %gt3A = arith.constant 0 : i32
      %gt3A_492 = arith.cmpi sgt, %scan3A_426, %gt3A : i32
      %convert_element_type3A = arith.extui %gt3A_492 : i1 to i32
      %cond3A = arith.constant 0 : i32
      %cond3A_493 = arith.cmpi ne, %convert_element_type3A, %cond3A : i32
      scf.if %cond3A_493 {
        %sub3A_704 = arith.constant 4 : i32
        %sub3A_705 = arith.subi %add3A_434, %sub3A_704 : i32
        %dma_wait3A_706 = arith.constant 0 : i32
        %dma_wait3A_707 = arith.constant 0 : i32
        %dma_wait3A_708 = arith.constant 0 : i32
        %dma_wait3A_709 = arith.constant 0 : i32
        %dma_wait3A_710 = arith.constant 0 : i32
        %dma_wait3A_711 = tpu.memref_slice %arg13[%dma_wait3A_706, %dma_wait3A_708, %dma_wait3A_709, %dma_wait3A_710] : memref<2x2x128x128xf32, #tpu.memory_space<vmem>> -> memref<1x2x128x128xf32, #tpu.memory_space<vmem>>
        %dma_wait3A_712 = tpu.memref_squeeze %dma_wait3A_711 : memref<1x2x128x128xf32, #tpu.memory_space<vmem>> -> memref<2x128x128xf32, #tpu.memory_space<vmem>>
        %dma_wait3A_713 = arith.constant 0 : i32
        %dma_wait3A_714 = arith.constant 0 : i32
        %dma_wait3A_715 = tpu.memref_slice %arg7[%sub3A_705, %dma_wait3A_713, %dma_wait3A_714] : memref<4096x128x128xf32, #tpu.memory_space<hbm>> -> memref<2x128x128xf32, #tpu.memory_space<hbm>>
        %dma_wait3A_716 = tpu.memref_slice %arg15[%dma_wait3A_707] : memref<2x!tpu.dma_semaphore, #tpu.memory_space<semaphore_mem>> -> memref<1x!tpu.dma_semaphore, #tpu.memory_space<semaphore_mem>>
        %dma_wait3A_717 = tpu.memref_squeeze %dma_wait3A_716 : memref<1x!tpu.dma_semaphore, #tpu.memory_space<semaphore_mem>> -> memref<!tpu.dma_semaphore, #tpu.memory_space<semaphore_mem>>
        %dma_wait3A_718 = arith.constant 0 : i32
        %dma_wait3A_719 = arith.constant 0 : i32
        %dma_wait3A_720 = tpu.memref_slice %arg7[%sub3A_705, %dma_wait3A_718, %dma_wait3A_719] : memref<4096x128x128xf32, #tpu.memory_space<hbm>> -> memref<2x128x128xf32, #tpu.memory_space<hbm>>
        %dma_wait3A_721 = arith.constant 0 : i32
        %dma_wait3A_722 = arith.constant 0 : i32
        %dma_wait3A_723 = arith.constant 0 : i32
        %dma_wait3A_724 = tpu.memref_slice %arg13[%dma_wait3A_706, %dma_wait3A_721, %dma_wait3A_722, %dma_wait3A_723] : memref<2x2x128x128xf32, #tpu.memory_space<vmem>> -> memref<1x2x128x128xf32, #tpu.memory_space<vmem>>
        %dma_wait3A_725 = tpu.memref_squeeze %dma_wait3A_724 : memref<1x2x128x128xf32, #tpu.memory_space<vmem>> -> memref<2x128x128xf32, #tpu.memory_space<vmem>>
        tpu.wait_dma2 semaphore(%dma_wait3A_717 : memref<!tpu.dma_semaphore, #tpu.memory_space<semaphore_mem>>) src(%dma_wait3A_725 : memref<2x128x128xf32, #tpu.memory_space<vmem>>) dst(%dma_wait3A_720 : memref<2x128x128xf32, #tpu.memory_space<hbm>>)
      } else {
      }
      %get3A_494 = arith.constant 0 : index
      %get3A_495 = tpu.vector_load %arg10[%get3A_494] {strides = array<i32>} : memref<128xi32, #tpu.memory_space<vmem>>, vector<16xi32>,
      %get3A_496 = arith.constant 16 : index
      %get3A_497 = tpu.vector_load %arg10[%get3A_496] {strides = array<i32>} : memref<128xi32, #tpu.memory_space<vmem>>, vector<16xi32>,
      %get3A_498 = arith.constant 32 : index
      %get3A_499 = tpu.vector_load %arg10[%get3A_498] {strides = array<i32>} : memref<128xi32, #tpu.memory_space<vmem>>, vector<16xi32>,
      %get3A_500 = arith.constant 48 : index
      %get3A_501 = tpu.vector_load %arg10[%get3A_500] {strides = array<i32>} : memref<128xi32, #tpu.memory_space<vmem>>, vector<16xi32>,
      %get3A_502 = arith.constant 64 : index
      %get3A_503 = tpu.vector_load %arg10[%get3A_502] {strides = array<i32>} : memref<128xi32, #tpu.memory_space<vmem>>, vector<16xi32>,
      %get3A_504 = arith.constant 80 : index
      %get3A_505 = tpu.vector_load %arg10[%get3A_504] {strides = array<i32>} : memref<128xi32, #tpu.memory_space<vmem>>, vector<16xi32>,
      %get3A_506 = arith.constant 96 : index
      %get3A_507 = tpu.vector_load %arg10[%get3A_506] {strides = array<i32>} : memref<128xi32, #tpu.memory_space<vmem>>, vector<16xi32>,
      %get3A_508 = arith.constant 112 : index
      %get3A_509 = tpu.vector_load %arg10[%get3A_508] {strides = array<i32>} : memref<128xi32, #tpu.memory_space<vmem>>, vector<16xi32>,
      %get3A_510 = arith.constant 0 : index
      %get3A_511 = tpu.vector_load %arg11[%get3A_510] {strides = array<i32>} : memref<128xf32, #tpu.memory_space<vmem>>, vector<16xf32>,
      %get3A_512 = arith.constant 16 : index
      %get3A_513 = tpu.vector_load %arg11[%get3A_512] {strides = array<i32>} : memref<128xf32, #tpu.memory_space<vmem>>, vector<16xf32>,
      %get3A_514 = arith.constant 32 : index
      %get3A_515 = tpu.vector_load %arg11[%get3A_514] {strides = array<i32>} : memref<128xf32, #tpu.memory_space<vmem>>, vector<16xf32>,
      %get3A_516 = arith.constant 48 : index
      %get3A_517 = tpu.vector_load %arg11[%get3A_516] {strides = array<i32>} : memref<128xf32, #tpu.memory_space<vmem>>, vector<16xf32>,
      %get3A_518 = arith.constant 64 : index
      %get3A_519 = tpu.vector_load %arg11[%get3A_518] {strides = array<i32>} : memref<128xf32, #tpu.memory_space<vmem>>, vector<16xf32>,
      %get3A_520 = arith.constant 80 : index
      %get3A_521 = tpu.vector_load %arg11[%get3A_520] {strides = array<i32>} : memref<128xf32, #tpu.memory_space<vmem>>, vector<16xf32>,
      %get3A_522 = arith.constant 96 : index
      %get3A_523 = tpu.vector_load %arg11[%get3A_522] {strides = array<i32>} : memref<128xf32, #tpu.memory_space<vmem>>, vector<16xf32>,
      %get3A_524 = arith.constant 112 : index
      %get3A_525 = tpu.vector_load %arg11[%get3A_524] {strides = array<i32>} : memref<128xf32, #tpu.memory_space<vmem>>, vector<16xf32>,
      %parallel_loop3A = arith.constant 0 : i32
      %parallel_loop3A_526 = arith.constant 128 : i32
      %parallel_loop3A_527 = arith.constant 1 : i32
      %parallel_loop3A_528 = arith.constant 0 : i32
      %parallel_loop3A_529 = arith.constant 0 : i32
      %parallel_loop3A_530 = arith.constant 0 : i32
      %parallel_loop3A_531 = arith.constant 0 : i32
      scf.for %parallel_loop3A_704 = %parallel_loop3A to %parallel_loop3A_526 step %parallel_loop3A_527  : i32 {
        %parallel_loop3A_705 = vector.broadcast %parallel_loop3A_704 : i32 to vector<16xi32>
        %parallel_loop3A_706 = arith.addi %iota3A, %parallel_loop3A_705 : vector<16xi32>
        %parallel_loop3A_707 = arith.constant 127 : i32
        %parallel_loop3A_708 = vector.broadcast %parallel_loop3A_707 : i32 to vector<16xi32>
        %parallel_loop3A_709 = arith.andi %parallel_loop3A_706, %parallel_loop3A_708 : vector<16xi32>
        %parallel_loop3A_710 = arith.constant 0 : i32
        %parallel_loop3A_711 = arith.constant 0 : i32
        %parallel_loop3A_712 = tpu.memref_slice %arg12[%parallel_loop3A_528, %parallel_loop3A_529, %parallel_loop3A_710, %parallel_loop3A_711] : memref<2x2x64x128xf32, #tpu.memory_space<vmem>> -> memref<1x1x64x128xf32, #tpu.memory_space<vmem>>
        %parallel_loop3A_713 = tpu.memref_squeeze %parallel_loop3A_712 : memref<1x1x64x128xf32, #tpu.memory_space<vmem>> -> memref<64x128xf32, #tpu.memory_space<vmem>>
        %parallel_loop3A_714 = tpu.vector_load_idx %parallel_loop3A_713[%get3A_495, %parallel_loop3A_709] : memref<64x128xf32, #tpu.memory_space<vmem>>[vector<16xi32>, vector<16xi32>], vector<16xf32>,
        %parallel_loop3A_715 = arith.constant 0 : i32
        %parallel_loop3A_716 = arith.constant 0 : i32
        %parallel_loop3A_717 = tpu.memref_slice %arg12[%parallel_loop3A_528, %parallel_loop3A_529, %parallel_loop3A_715, %parallel_loop3A_716] : memref<2x2x64x128xf32, #tpu.memory_space<vmem>> -> memref<1x1x64x128xf32, #tpu.memory_space<vmem>>
        %parallel_loop3A_718 = tpu.memref_squeeze %parallel_loop3A_717 : memref<1x1x64x128xf32, #tpu.memory_space<vmem>> -> memref<64x128xf32, #tpu.memory_space<vmem>>
        %parallel_loop3A_719 = tpu.vector_load_idx %parallel_loop3A_718[%get3A_497, %parallel_loop3A_709] : memref<64x128xf32, #tpu.memory_space<vmem>>[vector<16xi32>, vector<16xi32>], vector<16xf32>,
        %parallel_loop3A_720 = arith.constant 0 : i32
        %parallel_loop3A_721 = arith.constant 0 : i32
        %parallel_loop3A_722 = tpu.memref_slice %arg12[%parallel_loop3A_528, %parallel_loop3A_529, %parallel_loop3A_720, %parallel_loop3A_721] : memref<2x2x64x128xf32, #tpu.memory_space<vmem>> -> memref<1x1x64x128xf32, #tpu.memory_space<vmem>>
        %parallel_loop3A_723 = tpu.memref_squeeze %parallel_loop3A_722 : memref<1x1x64x128xf32, #tpu.memory_space<vmem>> -> memref<64x128xf32, #tpu.memory_space<vmem>>
        %parallel_loop3A_724 = tpu.vector_load_idx %parallel_loop3A_723[%get3A_499, %parallel_loop3A_709] : memref<64x128xf32, #tpu.memory_space<vmem>>[vector<16xi32>, vector<16xi32>], vector<16xf32>,
        %parallel_loop3A_725 = arith.constant 0 : i32
        %parallel_loop3A_726 = arith.constant 0 : i32
        %parallel_loop3A_727 = tpu.memref_slice %arg12[%parallel_loop3A_528, %parallel_loop3A_529, %parallel_loop3A_725, %parallel_loop3A_726] : memref<2x2x64x128xf32, #tpu.memory_space<vmem>> -> memref<1x1x64x128xf32, #tpu.memory_space<vmem>>
        %parallel_loop3A_728 = tpu.memref_squeeze %parallel_loop3A_727 : memref<1x1x64x128xf32, #tpu.memory_space<vmem>> -> memref<64x128xf32, #tpu.memory_space<vmem>>
        %parallel_loop3A_729 = tpu.vector_load_idx %parallel_loop3A_728[%get3A_501, %parallel_loop3A_709] : memref<64x128xf32, #tpu.memory_space<vmem>>[vector<16xi32>, vector<16xi32>], vector<16xf32>,
        %parallel_loop3A_730 = arith.constant 0 : i32
        %parallel_loop3A_731 = arith.constant 0 : i32
        %parallel_loop3A_732 = tpu.memref_slice %arg12[%parallel_loop3A_528, %parallel_loop3A_529, %parallel_loop3A_730, %parallel_loop3A_731] : memref<2x2x64x128xf32, #tpu.memory_space<vmem>> -> memref<1x1x64x128xf32, #tpu.memory_space<vmem>>
        %parallel_loop3A_733 = tpu.memref_squeeze %parallel_loop3A_732 : memref<1x1x64x128xf32, #tpu.memory_space<vmem>> -> memref<64x128xf32, #tpu.memory_space<vmem>>
        %parallel_loop3A_734 = tpu.vector_load_idx %parallel_loop3A_733[%get3A_503, %parallel_loop3A_709] : memref<64x128xf32, #tpu.memory_space<vmem>>[vector<16xi32>, vector<16xi32>], vector<16xf32>,
        %parallel_loop3A_735 = arith.constant 0 : i32
        %parallel_loop3A_736 = arith.constant 0 : i32
        %parallel_loop3A_737 = tpu.memref_slice %arg12[%parallel_loop3A_528, %parallel_loop3A_529, %parallel_loop3A_735, %parallel_loop3A_736] : memref<2x2x64x128xf32, #tpu.memory_space<vmem>> -> memref<1x1x64x128xf32, #tpu.memory_space<vmem>>
        %parallel_loop3A_738 = tpu.memref_squeeze %parallel_loop3A_737 : memref<1x1x64x128xf32, #tpu.memory_space<vmem>> -> memref<64x128xf32, #tpu.memory_space<vmem>>
        %parallel_loop3A_739 = tpu.vector_load_idx %parallel_loop3A_738[%get3A_505, %parallel_loop3A_709] : memref<64x128xf32, #tpu.memory_space<vmem>>[vector<16xi32>, vector<16xi32>], vector<16xf32>,
        %parallel_loop3A_740 = arith.constant 0 : i32
        %parallel_loop3A_741 = arith.constant 0 : i32
        %parallel_loop3A_742 = tpu.memref_slice %arg12[%parallel_loop3A_528, %parallel_loop3A_529, %parallel_loop3A_740, %parallel_loop3A_741] : memref<2x2x64x128xf32, #tpu.memory_space<vmem>> -> memref<1x1x64x128xf32, #tpu.memory_space<vmem>>
        %parallel_loop3A_743 = tpu.memref_squeeze %parallel_loop3A_742 : memref<1x1x64x128xf32, #tpu.memory_space<vmem>> -> memref<64x128xf32, #tpu.memory_space<vmem>>
        %parallel_loop3A_744 = tpu.vector_load_idx %parallel_loop3A_743[%get3A_507, %parallel_loop3A_709] : memref<64x128xf32, #tpu.memory_space<vmem>>[vector<16xi32>, vector<16xi32>], vector<16xf32>,
        %parallel_loop3A_745 = arith.constant 0 : i32
        %parallel_loop3A_746 = arith.constant 0 : i32
        %parallel_loop3A_747 = tpu.memref_slice %arg12[%parallel_loop3A_528, %parallel_loop3A_529, %parallel_loop3A_745, %parallel_loop3A_746] : memref<2x2x64x128xf32, #tpu.memory_space<vmem>> -> memref<1x1x64x128xf32, #tpu.memory_space<vmem>>
        %parallel_loop3A_748 = tpu.memref_squeeze %parallel_loop3A_747 : memref<1x1x64x128xf32, #tpu.memory_space<vmem>> -> memref<64x128xf32, #tpu.memory_space<vmem>>
        %parallel_loop3A_749 = tpu.vector_load_idx %parallel_loop3A_748[%get3A_509, %parallel_loop3A_709] : memref<64x128xf32, #tpu.memory_space<vmem>>[vector<16xi32>, vector<16xi32>], vector<16xf32>,
        %parallel_loop3A_750 = arith.constant 1 : i32
        %parallel_loop3A_751 = arith.constant 0 : i32
        %parallel_loop3A_752 = tpu.memref_slice %arg12[%parallel_loop3A_530, %parallel_loop3A_531, %parallel_loop3A_750, %parallel_loop3A_751] : memref<2x2x64x128xf32, #tpu.memory_space<vmem>> -> memref<1x1x63x128xf32, #tpu.memory_space<vmem>>
        %parallel_loop3A_753 = tpu.memref_squeeze %parallel_loop3A_752 : memref<1x1x63x128xf32, #tpu.memory_space<vmem>> -> memref<63x128xf32, #tpu.memory_space<vmem>>
        %parallel_loop3A_754 = tpu.vector_load_idx %parallel_loop3A_753[%get3A_495, %parallel_loop3A_709] : memref<63x128xf32, #tpu.memory_space<vmem>>[vector<16xi32>, vector<16xi32>], vector<16xf32>,
        %parallel_loop3A_755 = arith.constant 1 : i32
        %parallel_loop3A_756 = arith.constant 0 : i32
        %parallel_loop3A_757 = tpu.memref_slice %arg12[%parallel_loop3A_530, %parallel_loop3A_531, %parallel_loop3A_755, %parallel_loop3A_756] : memref<2x2x64x128xf32, #tpu.memory_space<vmem>> -> memref<1x1x63x128xf32, #tpu.memory_space<vmem>>
        %parallel_loop3A_758 = tpu.memref_squeeze %parallel_loop3A_757 : memref<1x1x63x128xf32, #tpu.memory_space<vmem>> -> memref<63x128xf32, #tpu.memory_space<vmem>>
        %parallel_loop3A_759 = tpu.vector_load_idx %parallel_loop3A_758[%get3A_497, %parallel_loop3A_709] : memref<63x128xf32, #tpu.memory_space<vmem>>[vector<16xi32>, vector<16xi32>], vector<16xf32>,
        %parallel_loop3A_760 = arith.constant 1 : i32
        %parallel_loop3A_761 = arith.constant 0 : i32
        %parallel_loop3A_762 = tpu.memref_slice %arg12[%parallel_loop3A_530, %parallel_loop3A_531, %parallel_loop3A_760, %parallel_loop3A_761] : memref<2x2x64x128xf32, #tpu.memory_space<vmem>> -> memref<1x1x63x128xf32, #tpu.memory_space<vmem>>
        %parallel_loop3A_763 = tpu.memref_squeeze %parallel_loop3A_762 : memref<1x1x63x128xf32, #tpu.memory_space<vmem>> -> memref<63x128xf32, #tpu.memory_space<vmem>>
        %parallel_loop3A_764 = tpu.vector_load_idx %parallel_loop3A_763[%get3A_499, %parallel_loop3A_709] : memref<63x128xf32, #tpu.memory_space<vmem>>[vector<16xi32>, vector<16xi32>], vector<16xf32>,
        %parallel_loop3A_765 = arith.constant 1 : i32
        %parallel_loop3A_766 = arith.constant 0 : i32
        %parallel_loop3A_767 = tpu.memref_slice %arg12[%parallel_loop3A_530, %parallel_loop3A_531, %parallel_loop3A_765, %parallel_loop3A_766] : memref<2x2x64x128xf32, #tpu.memory_space<vmem>> -> memref<1x1x63x128xf32, #tpu.memory_space<vmem>>
        %parallel_loop3A_768 = tpu.memref_squeeze %parallel_loop3A_767 : memref<1x1x63x128xf32, #tpu.memory_space<vmem>> -> memref<63x128xf32, #tpu.memory_space<vmem>>
        %parallel_loop3A_769 = tpu.vector_load_idx %parallel_loop3A_768[%get3A_501, %parallel_loop3A_709] : memref<63x128xf32, #tpu.memory_space<vmem>>[vector<16xi32>, vector<16xi32>], vector<16xf32>,
        %parallel_loop3A_770 = arith.constant 1 : i32
        %parallel_loop3A_771 = arith.constant 0 : i32
        %parallel_loop3A_772 = tpu.memref_slice %arg12[%parallel_loop3A_530, %parallel_loop3A_531, %parallel_loop3A_770, %parallel_loop3A_771] : memref<2x2x64x128xf32, #tpu.memory_space<vmem>> -> memref<1x1x63x128xf32, #tpu.memory_space<vmem>>
        %parallel_loop3A_773 = tpu.memref_squeeze %parallel_loop3A_772 : memref<1x1x63x128xf32, #tpu.memory_space<vmem>> -> memref<63x128xf32, #tpu.memory_space<vmem>>
        %parallel_loop3A_774 = tpu.vector_load_idx %parallel_loop3A_773[%get3A_503, %parallel_loop3A_709] : memref<63x128xf32, #tpu.memory_space<vmem>>[vector<16xi32>, vector<16xi32>], vector<16xf32>,
        %parallel_loop3A_775 = arith.constant 1 : i32
        %parallel_loop3A_776 = arith.constant 0 : i32
        %parallel_loop3A_777 = tpu.memref_slice %arg12[%parallel_loop3A_530, %parallel_loop3A_531, %parallel_loop3A_775, %parallel_loop3A_776] : memref<2x2x64x128xf32, #tpu.memory_space<vmem>> -> memref<1x1x63x128xf32, #tpu.memory_space<vmem>>
        %parallel_loop3A_778 = tpu.memref_squeeze %parallel_loop3A_777 : memref<1x1x63x128xf32, #tpu.memory_space<vmem>> -> memref<63x128xf32, #tpu.memory_space<vmem>>
        %parallel_loop3A_779 = tpu.vector_load_idx %parallel_loop3A_778[%get3A_505, %parallel_loop3A_709] : memref<63x128xf32, #tpu.memory_space<vmem>>[vector<16xi32>, vector<16xi32>], vector<16xf32>,
        %parallel_loop3A_780 = arith.constant 1 : i32
        %parallel_loop3A_781 = arith.constant 0 : i32
        %parallel_loop3A_782 = tpu.memref_slice %arg12[%parallel_loop3A_530, %parallel_loop3A_531, %parallel_loop3A_780, %parallel_loop3A_781] : memref<2x2x64x128xf32, #tpu.memory_space<vmem>> -> memref<1x1x63x128xf32, #tpu.memory_space<vmem>>
        %parallel_loop3A_783 = tpu.memref_squeeze %parallel_loop3A_782 : memref<1x1x63x128xf32, #tpu.memory_space<vmem>> -> memref<63x128xf32, #tpu.memory_space<vmem>>
        %parallel_loop3A_784 = tpu.vector_load_idx %parallel_loop3A_783[%get3A_507, %parallel_loop3A_709] : memref<63x128xf32, #tpu.memory_space<vmem>>[vector<16xi32>, vector<16xi32>], vector<16xf32>,
        %parallel_loop3A_785 = arith.constant 1 : i32
        %parallel_loop3A_786 = arith.constant 0 : i32
        %parallel_loop3A_787 = tpu.memref_slice %arg12[%parallel_loop3A_530, %parallel_loop3A_531, %parallel_loop3A_785, %parallel_loop3A_786] : memref<2x2x64x128xf32, #tpu.memory_space<vmem>> -> memref<1x1x63x128xf32, #tpu.memory_space<vmem>>
        %parallel_loop3A_788 = tpu.memref_squeeze %parallel_loop3A_787 : memref<1x1x63x128xf32, #tpu.memory_space<vmem>> -> memref<63x128xf32, #tpu.memory_space<vmem>>
        %parallel_loop3A_789 = tpu.vector_load_idx %parallel_loop3A_788[%get3A_509, %parallel_loop3A_709] : memref<63x128xf32, #tpu.memory_space<vmem>>[vector<16xi32>, vector<16xi32>], vector<16xf32>,
        %parallel_loop3A_790 = arith.subf %parallel_loop3A_754, %parallel_loop3A_714 : vector<16xf32>
        %parallel_loop3A_791 = arith.mulf %parallel_loop3A_790, %get3A_511 : vector<16xf32>
        %parallel_loop3A_792 = arith.addf %parallel_loop3A_714, %parallel_loop3A_791 : vector<16xf32>
        %parallel_loop3A_793 = arith.subf %parallel_loop3A_759, %parallel_loop3A_719 : vector<16xf32>
        %parallel_loop3A_794 = arith.mulf %parallel_loop3A_793, %get3A_513 : vector<16xf32>
        %parallel_loop3A_795 = arith.addf %parallel_loop3A_719, %parallel_loop3A_794 : vector<16xf32>
        %parallel_loop3A_796 = arith.subf %parallel_loop3A_764, %parallel_loop3A_724 : vector<16xf32>
        %parallel_loop3A_797 = arith.mulf %parallel_loop3A_796, %get3A_515 : vector<16xf32>
        %parallel_loop3A_798 = arith.addf %parallel_loop3A_724, %parallel_loop3A_797 : vector<16xf32>
        %parallel_loop3A_799 = arith.subf %parallel_loop3A_769, %parallel_loop3A_729 : vector<16xf32>
        %parallel_loop3A_800 = arith.mulf %parallel_loop3A_799, %get3A_517 : vector<16xf32>
        %parallel_loop3A_801 = arith.addf %parallel_loop3A_729, %parallel_loop3A_800 : vector<16xf32>
        %parallel_loop3A_802 = arith.subf %parallel_loop3A_774, %parallel_loop3A_734 : vector<16xf32>
        %parallel_loop3A_803 = arith.mulf %parallel_loop3A_802, %get3A_519 : vector<16xf32>
        %parallel_loop3A_804 = arith.addf %parallel_loop3A_734, %parallel_loop3A_803 : vector<16xf32>
        %parallel_loop3A_805 = arith.subf %parallel_loop3A_779, %parallel_loop3A_739 : vector<16xf32>
        %parallel_loop3A_806 = arith.mulf %parallel_loop3A_805, %get3A_521 : vector<16xf32>
        %parallel_loop3A_807 = arith.addf %parallel_loop3A_739, %parallel_loop3A_806 : vector<16xf32>
        %parallel_loop3A_808 = arith.subf %parallel_loop3A_784, %parallel_loop3A_744 : vector<16xf32>
        %parallel_loop3A_809 = arith.mulf %parallel_loop3A_808, %get3A_523 : vector<16xf32>
        %parallel_loop3A_810 = arith.addf %parallel_loop3A_744, %parallel_loop3A_809 : vector<16xf32>
        %parallel_loop3A_811 = arith.subf %parallel_loop3A_789, %parallel_loop3A_749 : vector<16xf32>
        %parallel_loop3A_812 = arith.mulf %parallel_loop3A_811, %get3A_525 : vector<16xf32>
        %parallel_loop3A_813 = arith.addf %parallel_loop3A_749, %parallel_loop3A_812 : vector<16xf32>
        %parallel_loop3A_814 = arith.constant 0 : i32
        %parallel_loop3A_815 = arith.constant 0 : i32
        %parallel_loop3A_816 = arith.constant 0 : i32
        %parallel_loop3A_817 = arith.constant 0 : i32
        %parallel_loop3A_818 = tpu.memref_slice %arg13[%parallel_loop3A_814, %parallel_loop3A_815, %parallel_loop3A_816, %parallel_loop3A_817] : memref<2x2x128x128xf32, #tpu.memory_space<vmem>> -> memref<1x1x16x128xf32, #tpu.memory_space<vmem>>
        %parallel_loop3A_819 = tpu.memref_squeeze %parallel_loop3A_818 : memref<1x1x16x128xf32, #tpu.memory_space<vmem>> -> memref<16x128xf32, #tpu.memory_space<vmem>>
        tpu.vector_store_idx %parallel_loop3A_819[%iota3A, %parallel_loop3A_709], %parallel_loop3A_792 : memref<16x128xf32, #tpu.memory_space<vmem>>[vector<16xi32>, vector<16xi32>], vector<16xf32>,
        %parallel_loop3A_820 = arith.constant 0 : i32
        %parallel_loop3A_821 = arith.constant 0 : i32
        %parallel_loop3A_822 = arith.constant 16 : i32
        %parallel_loop3A_823 = arith.constant 0 : i32
        %parallel_loop3A_824 = tpu.memref_slice %arg13[%parallel_loop3A_820, %parallel_loop3A_821, %parallel_loop3A_822, %parallel_loop3A_823] : memref<2x2x128x128xf32, #tpu.memory_space<vmem>> -> memref<1x1x16x128xf32, #tpu.memory_space<vmem>>
        %parallel_loop3A_825 = tpu.memref_squeeze %parallel_loop3A_824 : memref<1x1x16x128xf32, #tpu.memory_space<vmem>> -> memref<16x128xf32, #tpu.memory_space<vmem>>
        tpu.vector_store_idx %parallel_loop3A_825[%iota3A, %parallel_loop3A_709], %parallel_loop3A_795 : memref<16x128xf32, #tpu.memory_space<vmem>>[vector<16xi32>, vector<16xi32>], vector<16xf32>,
        %parallel_loop3A_826 = arith.constant 0 : i32
        %parallel_loop3A_827 = arith.constant 0 : i32
        %parallel_loop3A_828 = arith.constant 32 : i32
        %parallel_loop3A_829 = arith.constant 0 : i32
        %parallel_loop3A_830 = tpu.memref_slice %arg13[%parallel_loop3A_826, %parallel_loop3A_827, %parallel_loop3A_828, %parallel_loop3A_829] : memref<2x2x128x128xf32, #tpu.memory_space<vmem>> -> memref<1x1x16x128xf32, #tpu.memory_space<vmem>>
        %parallel_loop3A_831 = tpu.memref_squeeze %parallel_loop3A_830 : memref<1x1x16x128xf32, #tpu.memory_space<vmem>> -> memref<16x128xf32, #tpu.memory_space<vmem>>
        tpu.vector_store_idx %parallel_loop3A_831[%iota3A, %parallel_loop3A_709], %parallel_loop3A_798 : memref<16x128xf32, #tpu.memory_space<vmem>>[vector<16xi32>, vector<16xi32>], vector<16xf32>,
        %parallel_loop3A_832 = arith.constant 0 : i32
        %parallel_loop3A_833 = arith.constant 0 : i32
        %parallel_loop3A_834 = arith.constant 48 : i32
        %parallel_loop3A_835 = arith.constant 0 : i32
        %parallel_loop3A_836 = tpu.memref_slice %arg13[%parallel_loop3A_832, %parallel_loop3A_833, %parallel_loop3A_834, %parallel_loop3A_835] : memref<2x2x128x128xf32, #tpu.memory_space<vmem>> -> memref<1x1x16x128xf32, #tpu.memory_space<vmem>>
        %parallel_loop3A_837 = tpu.memref_squeeze %parallel_loop3A_836 : memref<1x1x16x128xf32, #tpu.memory_space<vmem>> -> memref<16x128xf32, #tpu.memory_space<vmem>>
        tpu.vector_store_idx %parallel_loop3A_837[%iota3A, %parallel_loop3A_709], %parallel_loop3A_801 : memref<16x128xf32, #tpu.memory_space<vmem>>[vector<16xi32>, vector<16xi32>], vector<16xf32>,
        %parallel_loop3A_838 = arith.constant 0 : i32
        %parallel_loop3A_839 = arith.constant 0 : i32
        %parallel_loop3A_840 = arith.constant 64 : i32
        %parallel_loop3A_841 = arith.constant 0 : i32
        %parallel_loop3A_842 = tpu.memref_slice %arg13[%parallel_loop3A_838, %parallel_loop3A_839, %parallel_loop3A_840, %parallel_loop3A_841] : memref<2x2x128x128xf32, #tpu.memory_space<vmem>> -> memref<1x1x16x128xf32, #tpu.memory_space<vmem>>
        %parallel_loop3A_843 = tpu.memref_squeeze %parallel_loop3A_842 : memref<1x1x16x128xf32, #tpu.memory_space<vmem>> -> memref<16x128xf32, #tpu.memory_space<vmem>>
        tpu.vector_store_idx %parallel_loop3A_843[%iota3A, %parallel_loop3A_709], %parallel_loop3A_804 : memref<16x128xf32, #tpu.memory_space<vmem>>[vector<16xi32>, vector<16xi32>], vector<16xf32>,
        %parallel_loop3A_844 = arith.constant 0 : i32
        %parallel_loop3A_845 = arith.constant 0 : i32
        %parallel_loop3A_846 = arith.constant 80 : i32
        %parallel_loop3A_847 = arith.constant 0 : i32
        %parallel_loop3A_848 = tpu.memref_slice %arg13[%parallel_loop3A_844, %parallel_loop3A_845, %parallel_loop3A_846, %parallel_loop3A_847] : memref<2x2x128x128xf32, #tpu.memory_space<vmem>> -> memref<1x1x16x128xf32, #tpu.memory_space<vmem>>
        %parallel_loop3A_849 = tpu.memref_squeeze %parallel_loop3A_848 : memref<1x1x16x128xf32, #tpu.memory_space<vmem>> -> memref<16x128xf32, #tpu.memory_space<vmem>>
        tpu.vector_store_idx %parallel_loop3A_849[%iota3A, %parallel_loop3A_709], %parallel_loop3A_807 : memref<16x128xf32, #tpu.memory_space<vmem>>[vector<16xi32>, vector<16xi32>], vector<16xf32>,
        %parallel_loop3A_850 = arith.constant 0 : i32
        %parallel_loop3A_851 = arith.constant 0 : i32
        %parallel_loop3A_852 = arith.constant 96 : i32
        %parallel_loop3A_853 = arith.constant 0 : i32
        %parallel_loop3A_854 = tpu.memref_slice %arg13[%parallel_loop3A_850, %parallel_loop3A_851, %parallel_loop3A_852, %parallel_loop3A_853] : memref<2x2x128x128xf32, #tpu.memory_space<vmem>> -> memref<1x1x16x128xf32, #tpu.memory_space<vmem>>
        %parallel_loop3A_855 = tpu.memref_squeeze %parallel_loop3A_854 : memref<1x1x16x128xf32, #tpu.memory_space<vmem>> -> memref<16x128xf32, #tpu.memory_space<vmem>>
        tpu.vector_store_idx %parallel_loop3A_855[%iota3A, %parallel_loop3A_709], %parallel_loop3A_810 : memref<16x128xf32, #tpu.memory_space<vmem>>[vector<16xi32>, vector<16xi32>], vector<16xf32>,
        %parallel_loop3A_856 = arith.constant 0 : i32
        %parallel_loop3A_857 = arith.constant 0 : i32
        %parallel_loop3A_858 = arith.constant 112 : i32
        %parallel_loop3A_859 = arith.constant 0 : i32
        %parallel_loop3A_860 = tpu.memref_slice %arg13[%parallel_loop3A_856, %parallel_loop3A_857, %parallel_loop3A_858, %parallel_loop3A_859] : memref<2x2x128x128xf32, #tpu.memory_space<vmem>> -> memref<1x1x16x128xf32, #tpu.memory_space<vmem>>
        %parallel_loop3A_861 = tpu.memref_squeeze %parallel_loop3A_860 : memref<1x1x16x128xf32, #tpu.memory_space<vmem>> -> memref<16x128xf32, #tpu.memory_space<vmem>>
        tpu.vector_store_idx %parallel_loop3A_861[%iota3A, %parallel_loop3A_709], %parallel_loop3A_813 : memref<16x128xf32, #tpu.memory_space<vmem>>[vector<16xi32>, vector<16xi32>], vector<16xf32>,
      } {sc.loop_unroll_factor = 2 : i64, sc.parallel_access}
      %parallel_loop3A_532 = arith.constant 0 : i32
      %parallel_loop3A_533 = arith.constant 128 : i32
      %parallel_loop3A_534 = arith.constant 1 : i32
      %parallel_loop3A_535 = arith.constant 0 : i32
      %parallel_loop3A_536 = arith.constant 1 : i32
      %parallel_loop3A_537 = arith.constant 0 : i32
      %parallel_loop3A_538 = arith.constant 1 : i32
      scf.for %parallel_loop3A_704 = %parallel_loop3A_532 to %parallel_loop3A_533 step %parallel_loop3A_534  : i32 {
        %parallel_loop3A_705 = vector.broadcast %parallel_loop3A_704 : i32 to vector<16xi32>
        %parallel_loop3A_706 = arith.addi %iota3A, %parallel_loop3A_705 : vector<16xi32>
        %parallel_loop3A_707 = arith.constant 127 : i32
        %parallel_loop3A_708 = vector.broadcast %parallel_loop3A_707 : i32 to vector<16xi32>
        %parallel_loop3A_709 = arith.andi %parallel_loop3A_706, %parallel_loop3A_708 : vector<16xi32>
        %parallel_loop3A_710 = arith.constant 0 : i32
        %parallel_loop3A_711 = arith.constant 0 : i32
        %parallel_loop3A_712 = tpu.memref_slice %arg12[%parallel_loop3A_535, %parallel_loop3A_536, %parallel_loop3A_710, %parallel_loop3A_711] : memref<2x2x64x128xf32, #tpu.memory_space<vmem>> -> memref<1x1x64x128xf32, #tpu.memory_space<vmem>>
        %parallel_loop3A_713 = tpu.memref_squeeze %parallel_loop3A_712 : memref<1x1x64x128xf32, #tpu.memory_space<vmem>> -> memref<64x128xf32, #tpu.memory_space<vmem>>
        %parallel_loop3A_714 = tpu.vector_load_idx %parallel_loop3A_713[%get3A_495, %parallel_loop3A_709] : memref<64x128xf32, #tpu.memory_space<vmem>>[vector<16xi32>, vector<16xi32>], vector<16xf32>,
        %parallel_loop3A_715 = arith.constant 0 : i32
        %parallel_loop3A_716 = arith.constant 0 : i32
        %parallel_loop3A_717 = tpu.memref_slice %arg12[%parallel_loop3A_535, %parallel_loop3A_536, %parallel_loop3A_715, %parallel_loop3A_716] : memref<2x2x64x128xf32, #tpu.memory_space<vmem>> -> memref<1x1x64x128xf32, #tpu.memory_space<vmem>>
        %parallel_loop3A_718 = tpu.memref_squeeze %parallel_loop3A_717 : memref<1x1x64x128xf32, #tpu.memory_space<vmem>> -> memref<64x128xf32, #tpu.memory_space<vmem>>
        %parallel_loop3A_719 = tpu.vector_load_idx %parallel_loop3A_718[%get3A_497, %parallel_loop3A_709] : memref<64x128xf32, #tpu.memory_space<vmem>>[vector<16xi32>, vector<16xi32>], vector<16xf32>,
        %parallel_loop3A_720 = arith.constant 0 : i32
        %parallel_loop3A_721 = arith.constant 0 : i32
        %parallel_loop3A_722 = tpu.memref_slice %arg12[%parallel_loop3A_535, %parallel_loop3A_536, %parallel_loop3A_720, %parallel_loop3A_721] : memref<2x2x64x128xf32, #tpu.memory_space<vmem>> -> memref<1x1x64x128xf32, #tpu.memory_space<vmem>>
        %parallel_loop3A_723 = tpu.memref_squeeze %parallel_loop3A_722 : memref<1x1x64x128xf32, #tpu.memory_space<vmem>> -> memref<64x128xf32, #tpu.memory_space<vmem>>
        %parallel_loop3A_724 = tpu.vector_load_idx %parallel_loop3A_723[%get3A_499, %parallel_loop3A_709] : memref<64x128xf32, #tpu.memory_space<vmem>>[vector<16xi32>, vector<16xi32>], vector<16xf32>,
        %parallel_loop3A_725 = arith.constant 0 : i32
        %parallel_loop3A_726 = arith.constant 0 : i32
        %parallel_loop3A_727 = tpu.memref_slice %arg12[%parallel_loop3A_535, %parallel_loop3A_536, %parallel_loop3A_725, %parallel_loop3A_726] : memref<2x2x64x128xf32, #tpu.memory_space<vmem>> -> memref<1x1x64x128xf32, #tpu.memory_space<vmem>>
        %parallel_loop3A_728 = tpu.memref_squeeze %parallel_loop3A_727 : memref<1x1x64x128xf32, #tpu.memory_space<vmem>> -> memref<64x128xf32, #tpu.memory_space<vmem>>
        %parallel_loop3A_729 = tpu.vector_load_idx %parallel_loop3A_728[%get3A_501, %parallel_loop3A_709] : memref<64x128xf32, #tpu.memory_space<vmem>>[vector<16xi32>, vector<16xi32>], vector<16xf32>,
        %parallel_loop3A_730 = arith.constant 0 : i32
        %parallel_loop3A_731 = arith.constant 0 : i32
        %parallel_loop3A_732 = tpu.memref_slice %arg12[%parallel_loop3A_535, %parallel_loop3A_536, %parallel_loop3A_730, %parallel_loop3A_731] : memref<2x2x64x128xf32, #tpu.memory_space<vmem>> -> memref<1x1x64x128xf32, #tpu.memory_space<vmem>>
        %parallel_loop3A_733 = tpu.memref_squeeze %parallel_loop3A_732 : memref<1x1x64x128xf32, #tpu.memory_space<vmem>> -> memref<64x128xf32, #tpu.memory_space<vmem>>
        %parallel_loop3A_734 = tpu.vector_load_idx %parallel_loop3A_733[%get3A_503, %parallel_loop3A_709] : memref<64x128xf32, #tpu.memory_space<vmem>>[vector<16xi32>, vector<16xi32>], vector<16xf32>,
        %parallel_loop3A_735 = arith.constant 0 : i32
        %parallel_loop3A_736 = arith.constant 0 : i32
        %parallel_loop3A_737 = tpu.memref_slice %arg12[%parallel_loop3A_535, %parallel_loop3A_536, %parallel_loop3A_735, %parallel_loop3A_736] : memref<2x2x64x128xf32, #tpu.memory_space<vmem>> -> memref<1x1x64x128xf32, #tpu.memory_space<vmem>>
        %parallel_loop3A_738 = tpu.memref_squeeze %parallel_loop3A_737 : memref<1x1x64x128xf32, #tpu.memory_space<vmem>> -> memref<64x128xf32, #tpu.memory_space<vmem>>
        %parallel_loop3A_739 = tpu.vector_load_idx %parallel_loop3A_738[%get3A_505, %parallel_loop3A_709] : memref<64x128xf32, #tpu.memory_space<vmem>>[vector<16xi32>, vector<16xi32>], vector<16xf32>,
        %parallel_loop3A_740 = arith.constant 0 : i32
        %parallel_loop3A_741 = arith.constant 0 : i32
        %parallel_loop3A_742 = tpu.memref_slice %arg12[%parallel_loop3A_535, %parallel_loop3A_536, %parallel_loop3A_740, %parallel_loop3A_741] : memref<2x2x64x128xf32, #tpu.memory_space<vmem>> -> memref<1x1x64x128xf32, #tpu.memory_space<vmem>>
        %parallel_loop3A_743 = tpu.memref_squeeze %parallel_loop3A_742 : memref<1x1x64x128xf32, #tpu.memory_space<vmem>> -> memref<64x128xf32, #tpu.memory_space<vmem>>
        %parallel_loop3A_744 = tpu.vector_load_idx %parallel_loop3A_743[%get3A_507, %parallel_loop3A_709] : memref<64x128xf32, #tpu.memory_space<vmem>>[vector<16xi32>, vector<16xi32>], vector<16xf32>,
        %parallel_loop3A_745 = arith.constant 0 : i32
        %parallel_loop3A_746 = arith.constant 0 : i32
        %parallel_loop3A_747 = tpu.memref_slice %arg12[%parallel_loop3A_535, %parallel_loop3A_536, %parallel_loop3A_745, %parallel_loop3A_746] : memref<2x2x64x128xf32, #tpu.memory_space<vmem>> -> memref<1x1x64x128xf32, #tpu.memory_space<vmem>>
        %parallel_loop3A_748 = tpu.memref_squeeze %parallel_loop3A_747 : memref<1x1x64x128xf32, #tpu.memory_space<vmem>> -> memref<64x128xf32, #tpu.memory_space<vmem>>
        %parallel_loop3A_749 = tpu.vector_load_idx %parallel_loop3A_748[%get3A_509, %parallel_loop3A_709] : memref<64x128xf32, #tpu.memory_space<vmem>>[vector<16xi32>, vector<16xi32>], vector<16xf32>,
        %parallel_loop3A_750 = arith.constant 1 : i32
        %parallel_loop3A_751 = arith.constant 0 : i32
        %parallel_loop3A_752 = tpu.memref_slice %arg12[%parallel_loop3A_537, %parallel_loop3A_538, %parallel_loop3A_750, %parallel_loop3A_751] : memref<2x2x64x128xf32, #tpu.memory_space<vmem>> -> memref<1x1x63x128xf32, #tpu.memory_space<vmem>>
        %parallel_loop3A_753 = tpu.memref_squeeze %parallel_loop3A_752 : memref<1x1x63x128xf32, #tpu.memory_space<vmem>> -> memref<63x128xf32, #tpu.memory_space<vmem>>
        %parallel_loop3A_754 = tpu.vector_load_idx %parallel_loop3A_753[%get3A_495, %parallel_loop3A_709] : memref<63x128xf32, #tpu.memory_space<vmem>>[vector<16xi32>, vector<16xi32>], vector<16xf32>,
        %parallel_loop3A_755 = arith.constant 1 : i32
        %parallel_loop3A_756 = arith.constant 0 : i32
        %parallel_loop3A_757 = tpu.memref_slice %arg12[%parallel_loop3A_537, %parallel_loop3A_538, %parallel_loop3A_755, %parallel_loop3A_756] : memref<2x2x64x128xf32, #tpu.memory_space<vmem>> -> memref<1x1x63x128xf32, #tpu.memory_space<vmem>>
        %parallel_loop3A_758 = tpu.memref_squeeze %parallel_loop3A_757 : memref<1x1x63x128xf32, #tpu.memory_space<vmem>> -> memref<63x128xf32, #tpu.memory_space<vmem>>
        %parallel_loop3A_759 = tpu.vector_load_idx %parallel_loop3A_758[%get3A_497, %parallel_loop3A_709] : memref<63x128xf32, #tpu.memory_space<vmem>>[vector<16xi32>, vector<16xi32>], vector<16xf32>,
        %parallel_loop3A_760 = arith.constant 1 : i32
        %parallel_loop3A_761 = arith.constant 0 : i32
        %parallel_loop3A_762 = tpu.memref_slice %arg12[%parallel_loop3A_537, %parallel_loop3A_538, %parallel_loop3A_760, %parallel_loop3A_761] : memref<2x2x64x128xf32, #tpu.memory_space<vmem>> -> memref<1x1x63x128xf32, #tpu.memory_space<vmem>>
        %parallel_loop3A_763 = tpu.memref_squeeze %parallel_loop3A_762 : memref<1x1x63x128xf32, #tpu.memory_space<vmem>> -> memref<63x128xf32, #tpu.memory_space<vmem>>
        %parallel_loop3A_764 = tpu.vector_load_idx %parallel_loop3A_763[%get3A_499, %parallel_loop3A_709] : memref<63x128xf32, #tpu.memory_space<vmem>>[vector<16xi32>, vector<16xi32>], vector<16xf32>,
        %parallel_loop3A_765 = arith.constant 1 : i32
        %parallel_loop3A_766 = arith.constant 0 : i32
        %parallel_loop3A_767 = tpu.memref_slice %arg12[%parallel_loop3A_537, %parallel_loop3A_538, %parallel_loop3A_765, %parallel_loop3A_766] : memref<2x2x64x128xf32, #tpu.memory_space<vmem>> -> memref<1x1x63x128xf32, #tpu.memory_space<vmem>>
        %parallel_loop3A_768 = tpu.memref_squeeze %parallel_loop3A_767 : memref<1x1x63x128xf32, #tpu.memory_space<vmem>> -> memref<63x128xf32, #tpu.memory_space<vmem>>
        %parallel_loop3A_769 = tpu.vector_load_idx %parallel_loop3A_768[%get3A_501, %parallel_loop3A_709] : memref<63x128xf32, #tpu.memory_space<vmem>>[vector<16xi32>, vector<16xi32>], vector<16xf32>,
        %parallel_loop3A_770 = arith.constant 1 : i32
        %parallel_loop3A_771 = arith.constant 0 : i32
        %parallel_loop3A_772 = tpu.memref_slice %arg12[%parallel_loop3A_537, %parallel_loop3A_538, %parallel_loop3A_770, %parallel_loop3A_771] : memref<2x2x64x128xf32, #tpu.memory_space<vmem>> -> memref<1x1x63x128xf32, #tpu.memory_space<vmem>>
        %parallel_loop3A_773 = tpu.memref_squeeze %parallel_loop3A_772 : memref<1x1x63x128xf32, #tpu.memory_space<vmem>> -> memref<63x128xf32, #tpu.memory_space<vmem>>
        %parallel_loop3A_774 = tpu.vector_load_idx %parallel_loop3A_773[%get3A_503, %parallel_loop3A_709] : memref<63x128xf32, #tpu.memory_space<vmem>>[vector<16xi32>, vector<16xi32>], vector<16xf32>,
        %parallel_loop3A_775 = arith.constant 1 : i32
        %parallel_loop3A_776 = arith.constant 0 : i32
        %parallel_loop3A_777 = tpu.memref_slice %arg12[%parallel_loop3A_537, %parallel_loop3A_538, %parallel_loop3A_775, %parallel_loop3A_776] : memref<2x2x64x128xf32, #tpu.memory_space<vmem>> -> memref<1x1x63x128xf32, #tpu.memory_space<vmem>>
        %parallel_loop3A_778 = tpu.memref_squeeze %parallel_loop3A_777 : memref<1x1x63x128xf32, #tpu.memory_space<vmem>> -> memref<63x128xf32, #tpu.memory_space<vmem>>
        %parallel_loop3A_779 = tpu.vector_load_idx %parallel_loop3A_778[%get3A_505, %parallel_loop3A_709] : memref<63x128xf32, #tpu.memory_space<vmem>>[vector<16xi32>, vector<16xi32>], vector<16xf32>,
        %parallel_loop3A_780 = arith.constant 1 : i32
        %parallel_loop3A_781 = arith.constant 0 : i32
        %parallel_loop3A_782 = tpu.memref_slice %arg12[%parallel_loop3A_537, %parallel_loop3A_538, %parallel_loop3A_780, %parallel_loop3A_781] : memref<2x2x64x128xf32, #tpu.memory_space<vmem>> -> memref<1x1x63x128xf32, #tpu.memory_space<vmem>>
        %parallel_loop3A_783 = tpu.memref_squeeze %parallel_loop3A_782 : memref<1x1x63x128xf32, #tpu.memory_space<vmem>> -> memref<63x128xf32, #tpu.memory_space<vmem>>
        %parallel_loop3A_784 = tpu.vector_load_idx %parallel_loop3A_783[%get3A_507, %parallel_loop3A_709] : memref<63x128xf32, #tpu.memory_space<vmem>>[vector<16xi32>, vector<16xi32>], vector<16xf32>,
        %parallel_loop3A_785 = arith.constant 1 : i32
        %parallel_loop3A_786 = arith.constant 0 : i32
        %parallel_loop3A_787 = tpu.memref_slice %arg12[%parallel_loop3A_537, %parallel_loop3A_538, %parallel_loop3A_785, %parallel_loop3A_786] : memref<2x2x64x128xf32, #tpu.memory_space<vmem>> -> memref<1x1x63x128xf32, #tpu.memory_space<vmem>>
        %parallel_loop3A_788 = tpu.memref_squeeze %parallel_loop3A_787 : memref<1x1x63x128xf32, #tpu.memory_space<vmem>> -> memref<63x128xf32, #tpu.memory_space<vmem>>
        %parallel_loop3A_789 = tpu.vector_load_idx %parallel_loop3A_788[%get3A_509, %parallel_loop3A_709] : memref<63x128xf32, #tpu.memory_space<vmem>>[vector<16xi32>, vector<16xi32>], vector<16xf32>,
        %parallel_loop3A_790 = arith.subf %parallel_loop3A_754, %parallel_loop3A_714 : vector<16xf32>
        %parallel_loop3A_791 = arith.mulf %parallel_loop3A_790, %get3A_511 : vector<16xf32>
        %parallel_loop3A_792 = arith.addf %parallel_loop3A_714, %parallel_loop3A_791 : vector<16xf32>
        %parallel_loop3A_793 = arith.subf %parallel_loop3A_759, %parallel_loop3A_719 : vector<16xf32>
        %parallel_loop3A_794 = arith.mulf %parallel_loop3A_793, %get3A_513 : vector<16xf32>
        %parallel_loop3A_795 = arith.addf %parallel_loop3A_719, %parallel_loop3A_794 : vector<16xf32>
        %parallel_loop3A_796 = arith.subf %parallel_loop3A_764, %parallel_loop3A_724 : vector<16xf32>
        %parallel_loop3A_797 = arith.mulf %parallel_loop3A_796, %get3A_515 : vector<16xf32>
        %parallel_loop3A_798 = arith.addf %parallel_loop3A_724, %parallel_loop3A_797 : vector<16xf32>
        %parallel_loop3A_799 = arith.subf %parallel_loop3A_769, %parallel_loop3A_729 : vector<16xf32>
        %parallel_loop3A_800 = arith.mulf %parallel_loop3A_799, %get3A_517 : vector<16xf32>
        %parallel_loop3A_801 = arith.addf %parallel_loop3A_729, %parallel_loop3A_800 : vector<16xf32>
        %parallel_loop3A_802 = arith.subf %parallel_loop3A_774, %parallel_loop3A_734 : vector<16xf32>
        %parallel_loop3A_803 = arith.mulf %parallel_loop3A_802, %get3A_519 : vector<16xf32>
        %parallel_loop3A_804 = arith.addf %parallel_loop3A_734, %parallel_loop3A_803 : vector<16xf32>
        %parallel_loop3A_805 = arith.subf %parallel_loop3A_779, %parallel_loop3A_739 : vector<16xf32>
        %parallel_loop3A_806 = arith.mulf %parallel_loop3A_805, %get3A_521 : vector<16xf32>
        %parallel_loop3A_807 = arith.addf %parallel_loop3A_739, %parallel_loop3A_806 : vector<16xf32>
        %parallel_loop3A_808 = arith.subf %parallel_loop3A_784, %parallel_loop3A_744 : vector<16xf32>
        %parallel_loop3A_809 = arith.mulf %parallel_loop3A_808, %get3A_523 : vector<16xf32>
        %parallel_loop3A_810 = arith.addf %parallel_loop3A_744, %parallel_loop3A_809 : vector<16xf32>
        %parallel_loop3A_811 = arith.subf %parallel_loop3A_789, %parallel_loop3A_749 : vector<16xf32>
        %parallel_loop3A_812 = arith.mulf %parallel_loop3A_811, %get3A_525 : vector<16xf32>
        %parallel_loop3A_813 = arith.addf %parallel_loop3A_749, %parallel_loop3A_812 : vector<16xf32>
        %parallel_loop3A_814 = arith.constant 0 : i32
        %parallel_loop3A_815 = arith.constant 1 : i32
        %parallel_loop3A_816 = arith.constant 0 : i32
        %parallel_loop3A_817 = arith.constant 0 : i32
        %parallel_loop3A_818 = tpu.memref_slice %arg13[%parallel_loop3A_814, %parallel_loop3A_815, %parallel_loop3A_816, %parallel_loop3A_817] : memref<2x2x128x128xf32, #tpu.memory_space<vmem>> -> memref<1x1x16x128xf32, #tpu.memory_space<vmem>>
        %parallel_loop3A_819 = tpu.memref_squeeze %parallel_loop3A_818 : memref<1x1x16x128xf32, #tpu.memory_space<vmem>> -> memref<16x128xf32, #tpu.memory_space<vmem>>
        tpu.vector_store_idx %parallel_loop3A_819[%iota3A, %parallel_loop3A_709], %parallel_loop3A_792 : memref<16x128xf32, #tpu.memory_space<vmem>>[vector<16xi32>, vector<16xi32>], vector<16xf32>,
        %parallel_loop3A_820 = arith.constant 0 : i32
        %parallel_loop3A_821 = arith.constant 1 : i32
        %parallel_loop3A_822 = arith.constant 16 : i32
        %parallel_loop3A_823 = arith.constant 0 : i32
        %parallel_loop3A_824 = tpu.memref_slice %arg13[%parallel_loop3A_820, %parallel_loop3A_821, %parallel_loop3A_822, %parallel_loop3A_823] : memref<2x2x128x128xf32, #tpu.memory_space<vmem>> -> memref<1x1x16x128xf32, #tpu.memory_space<vmem>>
        %parallel_loop3A_825 = tpu.memref_squeeze %parallel_loop3A_824 : memref<1x1x16x128xf32, #tpu.memory_space<vmem>> -> memref<16x128xf32, #tpu.memory_space<vmem>>
        tpu.vector_store_idx %parallel_loop3A_825[%iota3A, %parallel_loop3A_709], %parallel_loop3A_795 : memref<16x128xf32, #tpu.memory_space<vmem>>[vector<16xi32>, vector<16xi32>], vector<16xf32>,
        %parallel_loop3A_826 = arith.constant 0 : i32
        %parallel_loop3A_827 = arith.constant 1 : i32
        %parallel_loop3A_828 = arith.constant 32 : i32
        %parallel_loop3A_829 = arith.constant 0 : i32
        %parallel_loop3A_830 = tpu.memref_slice %arg13[%parallel_loop3A_826, %parallel_loop3A_827, %parallel_loop3A_828, %parallel_loop3A_829] : memref<2x2x128x128xf32, #tpu.memory_space<vmem>> -> memref<1x1x16x128xf32, #tpu.memory_space<vmem>>
        %parallel_loop3A_831 = tpu.memref_squeeze %parallel_loop3A_830 : memref<1x1x16x128xf32, #tpu.memory_space<vmem>> -> memref<16x128xf32, #tpu.memory_space<vmem>>
        tpu.vector_store_idx %parallel_loop3A_831[%iota3A, %parallel_loop3A_709], %parallel_loop3A_798 : memref<16x128xf32, #tpu.memory_space<vmem>>[vector<16xi32>, vector<16xi32>], vector<16xf32>,
        %parallel_loop3A_832 = arith.constant 0 : i32
        %parallel_loop3A_833 = arith.constant 1 : i32
        %parallel_loop3A_834 = arith.constant 48 : i32
        %parallel_loop3A_835 = arith.constant 0 : i32
        %parallel_loop3A_836 = tpu.memref_slice %arg13[%parallel_loop3A_832, %parallel_loop3A_833, %parallel_loop3A_834, %parallel_loop3A_835] : memref<2x2x128x128xf32, #tpu.memory_space<vmem>> -> memref<1x1x16x128xf32, #tpu.memory_space<vmem>>
        %parallel_loop3A_837 = tpu.memref_squeeze %parallel_loop3A_836 : memref<1x1x16x128xf32, #tpu.memory_space<vmem>> -> memref<16x128xf32, #tpu.memory_space<vmem>>
        tpu.vector_store_idx %parallel_loop3A_837[%iota3A, %parallel_loop3A_709], %parallel_loop3A_801 : memref<16x128xf32, #tpu.memory_space<vmem>>[vector<16xi32>, vector<16xi32>], vector<16xf32>,
        %parallel_loop3A_838 = arith.constant 0 : i32
        %parallel_loop3A_839 = arith.constant 1 : i32
        %parallel_loop3A_840 = arith.constant 64 : i32
        %parallel_loop3A_841 = arith.constant 0 : i32
        %parallel_loop3A_842 = tpu.memref_slice %arg13[%parallel_loop3A_838, %parallel_loop3A_839, %parallel_loop3A_840, %parallel_loop3A_841] : memref<2x2x128x128xf32, #tpu.memory_space<vmem>> -> memref<1x1x16x128xf32, #tpu.memory_space<vmem>>
        %parallel_loop3A_843 = tpu.memref_squeeze %parallel_loop3A_842 : memref<1x1x16x128xf32, #tpu.memory_space<vmem>> -> memref<16x128xf32, #tpu.memory_space<vmem>>
        tpu.vector_store_idx %parallel_loop3A_843[%iota3A, %parallel_loop3A_709], %parallel_loop3A_804 : memref<16x128xf32, #tpu.memory_space<vmem>>[vector<16xi32>, vector<16xi32>], vector<16xf32>,
        %parallel_loop3A_844 = arith.constant 0 : i32
        %parallel_loop3A_845 = arith.constant 1 : i32
        %parallel_loop3A_846 = arith.constant 80 : i32
        %parallel_loop3A_847 = arith.constant 0 : i32
        %parallel_loop3A_848 = tpu.memref_slice %arg13[%parallel_loop3A_844, %parallel_loop3A_845, %parallel_loop3A_846, %parallel_loop3A_847] : memref<2x2x128x128xf32, #tpu.memory_space<vmem>> -> memref<1x1x16x128xf32, #tpu.memory_space<vmem>>
        %parallel_loop3A_849 = tpu.memref_squeeze %parallel_loop3A_848 : memref<1x1x16x128xf32, #tpu.memory_space<vmem>> -> memref<16x128xf32, #tpu.memory_space<vmem>>
        tpu.vector_store_idx %parallel_loop3A_849[%iota3A, %parallel_loop3A_709], %parallel_loop3A_807 : memref<16x128xf32, #tpu.memory_space<vmem>>[vector<16xi32>, vector<16xi32>], vector<16xf32>,
        %parallel_loop3A_850 = arith.constant 0 : i32
        %parallel_loop3A_851 = arith.constant 1 : i32
        %parallel_loop3A_852 = arith.constant 96 : i32
        %parallel_loop3A_853 = arith.constant 0 : i32
        %parallel_loop3A_854 = tpu.memref_slice %arg13[%parallel_loop3A_850, %parallel_loop3A_851, %parallel_loop3A_852, %parallel_loop3A_853] : memref<2x2x128x128xf32, #tpu.memory_space<vmem>> -> memref<1x1x16x128xf32, #tpu.memory_space<vmem>>
        %parallel_loop3A_855 = tpu.memref_squeeze %parallel_loop3A_854 : memref<1x1x16x128xf32, #tpu.memory_space<vmem>> -> memref<16x128xf32, #tpu.memory_space<vmem>>
        tpu.vector_store_idx %parallel_loop3A_855[%iota3A, %parallel_loop3A_709], %parallel_loop3A_810 : memref<16x128xf32, #tpu.memory_space<vmem>>[vector<16xi32>, vector<16xi32>], vector<16xf32>,
        %parallel_loop3A_856 = arith.constant 0 : i32
        %parallel_loop3A_857 = arith.constant 1 : i32
        %parallel_loop3A_858 = arith.constant 112 : i32
        %parallel_loop3A_859 = arith.constant 0 : i32
        %parallel_loop3A_860 = tpu.memref_slice %arg13[%parallel_loop3A_856, %parallel_loop3A_857, %parallel_loop3A_858, %parallel_loop3A_859] : memref<2x2x128x128xf32, #tpu.memory_space<vmem>> -> memref<1x1x16x128xf32, #tpu.memory_space<vmem>>
        %parallel_loop3A_861 = tpu.memref_squeeze %parallel_loop3A_860 : memref<1x1x16x128xf32, #tpu.memory_space<vmem>> -> memref<16x128xf32, #tpu.memory_space<vmem>>
        tpu.vector_store_idx %parallel_loop3A_861[%iota3A, %parallel_loop3A_709], %parallel_loop3A_813 : memref<16x128xf32, #tpu.memory_space<vmem>>[vector<16xi32>, vector<16xi32>], vector<16xf32>,
      } {sc.loop_unroll_factor = 2 : i64, sc.parallel_access}
      %dma_start3A_539 = arith.constant 0 : i32
      %dma_start3A_540 = arith.constant 0 : i32
      %dma_start3A_541 = arith.constant 0 : i32
      %dma_start3A_542 = arith.constant 0 : i32
      %dma_start3A_543 = arith.constant 0 : i32
      %dma_start3A_544 = tpu.memref_slice %arg13[%dma_start3A_539, %dma_start3A_541, %dma_start3A_542, %dma_start3A_543] : memref<2x2x128x128xf32, #tpu.memory_space<vmem>> -> memref<1x2x128x128xf32, #tpu.memory_space<vmem>>
      %dma_start3A_545 = tpu.memref_squeeze %dma_start3A_544 : memref<1x2x128x128xf32, #tpu.memory_space<vmem>> -> memref<2x128x128xf32, #tpu.memory_space<vmem>>
      %dma_start3A_546 = arith.constant 0 : i32
      %dma_start3A_547 = arith.constant 0 : i32
      %dma_start3A_548 = tpu.memref_slice %arg7[%add3A_434, %dma_start3A_546, %dma_start3A_547] : memref<4096x128x128xf32, #tpu.memory_space<hbm>> -> memref<2x128x128xf32, #tpu.memory_space<hbm>>
      %dma_start3A_549 = tpu.memref_slice %arg15[%dma_start3A_540] : memref<2x!tpu.dma_semaphore, #tpu.memory_space<semaphore_mem>> -> memref<1x!tpu.dma_semaphore, #tpu.memory_space<semaphore_mem>>
      %dma_start3A_550 = tpu.memref_squeeze %dma_start3A_549 : memref<1x!tpu.dma_semaphore, #tpu.memory_space<semaphore_mem>> -> memref<!tpu.dma_semaphore, #tpu.memory_space<semaphore_mem>>
      %dma_start3A_551 = arith.constant 0 : i32
      %dma_start3A_552 = arith.constant 0 : i32
      %dma_start3A_553 = tpu.memref_slice %arg7[%add3A_434, %dma_start3A_551, %dma_start3A_552] : memref<4096x128x128xf32, #tpu.memory_space<hbm>> -> memref<2x128x128xf32, #tpu.memory_space<hbm>>
      %dma_start3A_554 = arith.constant 0 : i32
      %dma_start3A_555 = arith.constant 0 : i32
      %dma_start3A_556 = arith.constant 0 : i32
      %dma_start3A_557 = tpu.memref_slice %arg13[%dma_start3A_539, %dma_start3A_554, %dma_start3A_555, %dma_start3A_556] : memref<2x2x128x128xf32, #tpu.memory_space<vmem>> -> memref<1x2x128x128xf32, #tpu.memory_space<vmem>>
      %dma_start3A_558 = tpu.memref_squeeze %dma_start3A_557 : memref<1x2x128x128xf32, #tpu.memory_space<vmem>> -> memref<2x128x128xf32, #tpu.memory_space<vmem>>
      tpu.enqueue_dma source(%dma_start3A_558 : memref<2x128x128xf32, #tpu.memory_space<vmem>>) target(%dma_start3A_553 : memref<2x128x128xf32, #tpu.memory_space<hbm>>) target_semaphore(%dma_start3A_550 : memref<!tpu.dma_semaphore, #tpu.memory_space<semaphore_mem>>)
      %lt3A = arith.constant 31 : i32
      %lt3A_559 = arith.cmpi slt, %scan3A_426, %lt3A : i32
      %convert_element_type3A_560 = arith.extui %lt3A_559 : i1 to i32
      %cond3A_561 = arith.constant 0 : i32
      %cond3A_562 = arith.cmpi ne, %convert_element_type3A_560, %cond3A_561 : i32
      scf.if %cond3A_562 {
        %add3A_704 = arith.constant 2 : i32
        %add3A_705 = arith.addi %add3A_431, %add3A_704 : i32
        %mul3A_706 = arith.constant 2 : i32
        %mul3A_707 = arith.muli %add3A_705, %mul3A_706 : i32
        %add3A_708 = arith.addi %mul3A_2, %mul3A_707 : i32
        %dma_start3A_709 = arith.constant 0 : i32
        %dma_start3A_710 = arith.constant 0 : i32
        %dma_start3A_711 = arith.constant 0 : i32
        %dma_start3A_712 = arith.constant 0 : i32
        %dma_start3A_713 = arith.constant 0 : i32
        %dma_start3A_714 = tpu.memref_slice %arg12[%dma_start3A_709, %dma_start3A_712, %dma_start3A_710, %dma_start3A_713] : memref<2x2x64x128xf32, #tpu.memory_space<vmem>> -> memref<1x2x1x128xf32, #tpu.memory_space<vmem>>
        %dma_start3A_715 = tpu.memref_squeeze %dma_start3A_714 : memref<1x2x1x128xf32, #tpu.memory_space<vmem>> -> memref<2x128xf32, #tpu.memory_space<vmem>>
        %dma_start3A_716 = arith.constant 0 : i32
        %dma_start3A_717 = tpu.memref_slice %arg4[%add3A_708, %dma_start3A_716] : memref<4096x128xf32, #tpu.memory_space<hbm>> -> memref<2x128xf32, #tpu.memory_space<hbm>>
        %dma_start3A_718 = tpu.memref_slice %arg14[%dma_start3A_711] : memref<2x!tpu.dma_semaphore, #tpu.memory_space<semaphore_mem>> -> memref<1x!tpu.dma_semaphore, #tpu.memory_space<semaphore_mem>>
        %dma_start3A_719 = tpu.memref_squeeze %dma_start3A_718 : memref<1x!tpu.dma_semaphore, #tpu.memory_space<semaphore_mem>> -> memref<!tpu.dma_semaphore, #tpu.memory_space<semaphore_mem>>
        %dma_start3A_720 = arith.constant 0 : i32
        %dma_start3A_721 = arith.constant 0 : i32
        %dma_start3A_722 = tpu.memref_slice %arg12[%dma_start3A_709, %dma_start3A_720, %dma_start3A_710, %dma_start3A_721] : memref<2x2x64x128xf32, #tpu.memory_space<vmem>> -> memref<1x2x1x128xf32, #tpu.memory_space<vmem>>
        %dma_start3A_723 = tpu.memref_squeeze %dma_start3A_722 : memref<1x2x1x128xf32, #tpu.memory_space<vmem>> -> memref<2x128xf32, #tpu.memory_space<vmem>>
        %dma_start3A_724 = arith.constant 0 : i32
        %dma_start3A_725 = tpu.memref_slice %arg4[%add3A_708, %dma_start3A_724] : memref<4096x128xf32, #tpu.memory_space<hbm>> -> memref<2x128xf32, #tpu.memory_space<hbm>>
        tpu.enqueue_dma source(%dma_start3A_725 : memref<2x128xf32, #tpu.memory_space<hbm>>) target(%dma_start3A_723 : memref<2x128xf32, #tpu.memory_space<vmem>>) target_semaphore(%dma_start3A_719 : memref<!tpu.dma_semaphore, #tpu.memory_space<semaphore_mem>>)
        %dma_start3A_726 = arith.constant 0 : i32
        %dma_start3A_727 = arith.constant 0 : i32
        %dma_start3A_728 = arith.constant 0 : i32
        %dma_start3A_729 = arith.constant 1 : i32
        %dma_start3A_730 = arith.constant 0 : i32
        %dma_start3A_731 = tpu.memref_slice %arg12[%dma_start3A_726, %dma_start3A_728, %dma_start3A_729, %dma_start3A_730] : memref<2x2x64x128xf32, #tpu.memory_space<vmem>> -> memref<1x2x62x128xf32, #tpu.memory_space<vmem>>
        %dma_start3A_732 = tpu.memref_squeeze %dma_start3A_731 : memref<1x2x62x128xf32, #tpu.memory_space<vmem>> -> memref<2x62x128xf32, #tpu.memory_space<vmem>>
        %dma_start3A_733 = arith.constant 0 : i32
        %dma_start3A_734 = arith.constant 0 : i32
        %dma_start3A_735 = tpu.memref_slice %arg3[%add3A_708, %dma_start3A_733, %dma_start3A_734] : memref<4096x62x128xf32, #tpu.memory_space<hbm>> -> memref<2x62x128xf32, #tpu.memory_space<hbm>>
        %dma_start3A_736 = tpu.memref_slice %arg14[%dma_start3A_727] : memref<2x!tpu.dma_semaphore, #tpu.memory_space<semaphore_mem>> -> memref<1x!tpu.dma_semaphore, #tpu.memory_space<semaphore_mem>>
        %dma_start3A_737 = tpu.memref_squeeze %dma_start3A_736 : memref<1x!tpu.dma_semaphore, #tpu.memory_space<semaphore_mem>> -> memref<!tpu.dma_semaphore, #tpu.memory_space<semaphore_mem>>
        %dma_start3A_738 = arith.constant 0 : i32
        %dma_start3A_739 = arith.constant 1 : i32
        %dma_start3A_740 = arith.constant 0 : i32
        %dma_start3A_741 = tpu.memref_slice %arg12[%dma_start3A_726, %dma_start3A_738, %dma_start3A_739, %dma_start3A_740] : memref<2x2x64x128xf32, #tpu.memory_space<vmem>> -> memref<1x2x62x128xf32, #tpu.memory_space<vmem>>
        %dma_start3A_742 = tpu.memref_squeeze %dma_start3A_741 : memref<1x2x62x128xf32, #tpu.memory_space<vmem>> -> memref<2x62x128xf32, #tpu.memory_space<vmem>>
        %dma_start3A_743 = arith.constant 0 : i32
        %dma_start3A_744 = arith.constant 0 : i32
        %dma_start3A_745 = tpu.memref_slice %arg3[%add3A_708, %dma_start3A_743, %dma_start3A_744] : memref<4096x62x128xf32, #tpu.memory_space<hbm>> -> memref<2x62x128xf32, #tpu.memory_space<hbm>>
        tpu.enqueue_dma source(%dma_start3A_745 : memref<2x62x128xf32, #tpu.memory_space<hbm>>) target(%dma_start3A_742 : memref<2x62x128xf32, #tpu.memory_space<vmem>>) target_semaphore(%dma_start3A_737 : memref<!tpu.dma_semaphore, #tpu.memory_space<semaphore_mem>>)
        %dma_start3A_746 = arith.constant 0 : i32
        %dma_start3A_747 = arith.constant 63 : i32
        %dma_start3A_748 = arith.constant 0 : i32
        %dma_start3A_749 = arith.constant 0 : i32
        %dma_start3A_750 = arith.constant 0 : i32
        %dma_start3A_751 = tpu.memref_slice %arg12[%dma_start3A_746, %dma_start3A_749, %dma_start3A_747, %dma_start3A_750] : memref<2x2x64x128xf32, #tpu.memory_space<vmem>> -> memref<1x2x1x128xf32, #tpu.memory_space<vmem>>
        %dma_start3A_752 = tpu.memref_squeeze %dma_start3A_751 : memref<1x2x1x128xf32, #tpu.memory_space<vmem>> -> memref<2x128xf32, #tpu.memory_space<vmem>>
        %dma_start3A_753 = arith.constant 0 : i32
        %dma_start3A_754 = tpu.memref_slice %arg5[%add3A_708, %dma_start3A_753] : memref<4096x128xf32, #tpu.memory_space<hbm>> -> memref<2x128xf32, #tpu.memory_space<hbm>>
        %dma_start3A_755 = tpu.memref_slice %arg14[%dma_start3A_748] : memref<2x!tpu.dma_semaphore, #tpu.memory_space<semaphore_mem>> -> memref<1x!tpu.dma_semaphore, #tpu.memory_space<semaphore_mem>>
        %dma_start3A_756 = tpu.memref_squeeze %dma_start3A_755 : memref<1x!tpu.dma_semaphore, #tpu.memory_space<semaphore_mem>> -> memref<!tpu.dma_semaphore, #tpu.memory_space<semaphore_mem>>
        %dma_start3A_757 = arith.constant 0 : i32
        %dma_start3A_758 = arith.constant 0 : i32
        %dma_start3A_759 = tpu.memref_slice %arg12[%dma_start3A_746, %dma_start3A_757, %dma_start3A_747, %dma_start3A_758] : memref<2x2x64x128xf32, #tpu.memory_space<vmem>> -> memref<1x2x1x128xf32, #tpu.memory_space<vmem>>
        %dma_start3A_760 = tpu.memref_squeeze %dma_start3A_759 : memref<1x2x1x128xf32, #tpu.memory_space<vmem>> -> memref<2x128xf32, #tpu.memory_space<vmem>>
        %dma_start3A_761 = arith.constant 0 : i32
        %dma_start3A_762 = tpu.memref_slice %arg5[%add3A_708, %dma_start3A_761] : memref<4096x128xf32, #tpu.memory_space<hbm>> -> memref<2x128xf32, #tpu.memory_space<hbm>>
        tpu.enqueue_dma source(%dma_start3A_762 : memref<2x128xf32, #tpu.memory_space<hbm>>) target(%dma_start3A_760 : memref<2x128xf32, #tpu.memory_space<vmem>>) target_semaphore(%dma_start3A_756 : memref<!tpu.dma_semaphore, #tpu.memory_space<semaphore_mem>>)
      } else {
      }
      %mul3A_563 = arith.constant 2 : i32
      %mul3A_564 = arith.muli %scan3A_426, %mul3A_563 : i32
      %add3A_565 = arith.constant 1 : i32
      %add3A_566 = arith.addi %mul3A_564, %add3A_565 : i32
      %mul3A_567 = arith.constant 2 : i32
      %mul3A_568 = arith.muli %add3A_566, %mul3A_567 : i32
      %add3A_569 = arith.addi %mul3A_2, %mul3A_568 : i32
      %mul3A_570 = arith.constant 2 : i32
      %mul3A_571 = arith.muli %add3A_566, %mul3A_570 : i32
      %add3A_572 = arith.addi %mul3A_2, %mul3A_571 : i32
      %dma_wait3A_573 = arith.constant 1 : i32
      %dma_wait3A_574 = arith.constant 0 : i32
      %dma_wait3A_575 = arith.constant 1 : i32
      %dma_wait3A_576 = arith.constant 0 : i32
      %dma_wait3A_577 = arith.constant 0 : i32
      %dma_wait3A_578 = tpu.memref_slice %arg12[%dma_wait3A_573, %dma_wait3A_576, %dma_wait3A_574, %dma_wait3A_577] : memref<2x2x64x128xf32, #tpu.memory_space<vmem>> -> memref<1x2x1x128xf32, #tpu.memory_space<vmem>>
      %dma_wait3A_579 = tpu.memref_squeeze %dma_wait3A_578 : memref<1x2x1x128xf32, #tpu.memory_space<vmem>> -> memref<2x128xf32, #tpu.memory_space<vmem>>
      %dma_wait3A_580 = arith.constant 0 : i32
      %dma_wait3A_581 = tpu.memref_slice %arg4[%add3A_572, %dma_wait3A_580] : memref<4096x128xf32, #tpu.memory_space<hbm>> -> memref<2x128xf32, #tpu.memory_space<hbm>>
      %dma_wait3A_582 = tpu.memref_slice %arg14[%dma_wait3A_575] : memref<2x!tpu.dma_semaphore, #tpu.memory_space<semaphore_mem>> -> memref<1x!tpu.dma_semaphore, #tpu.memory_space<semaphore_mem>>
      %dma_wait3A_583 = tpu.memref_squeeze %dma_wait3A_582 : memref<1x!tpu.dma_semaphore, #tpu.memory_space<semaphore_mem>> -> memref<!tpu.dma_semaphore, #tpu.memory_space<semaphore_mem>>
      %dma_wait3A_584 = arith.constant 0 : i32
      %dma_wait3A_585 = arith.constant 0 : i32
      %dma_wait3A_586 = tpu.memref_slice %arg12[%dma_wait3A_573, %dma_wait3A_584, %dma_wait3A_574, %dma_wait3A_585] : memref<2x2x64x128xf32, #tpu.memory_space<vmem>> -> memref<1x2x1x128xf32, #tpu.memory_space<vmem>>
      %dma_wait3A_587 = tpu.memref_squeeze %dma_wait3A_586 : memref<1x2x1x128xf32, #tpu.memory_space<vmem>> -> memref<2x128xf32, #tpu.memory_space<vmem>>
      %dma_wait3A_588 = arith.constant 0 : i32
      %dma_wait3A_589 = tpu.memref_slice %arg4[%add3A_572, %dma_wait3A_588] : memref<4096x128xf32, #tpu.memory_space<hbm>> -> memref<2x128xf32, #tpu.memory_space<hbm>>
      tpu.wait_dma2 semaphore(%dma_wait3A_583 : memref<!tpu.dma_semaphore, #tpu.memory_space<semaphore_mem>>) src(%dma_wait3A_589 : memref<2x128xf32, #tpu.memory_space<hbm>>) dst(%dma_wait3A_587 : memref<2x128xf32, #tpu.memory_space<vmem>>)
      %dma_wait3A_590 = arith.constant 1 : i32
      %dma_wait3A_591 = arith.constant 1 : i32
      %dma_wait3A_592 = arith.constant 0 : i32
      %dma_wait3A_593 = arith.constant 1 : i32
      %dma_wait3A_594 = arith.constant 0 : i32
      %dma_wait3A_595 = tpu.memref_slice %arg12[%dma_wait3A_590, %dma_wait3A_592, %dma_wait3A_593, %dma_wait3A_594] : memref<2x2x64x128xf32, #tpu.memory_space<vmem>> -> memref<1x2x62x128xf32, #tpu.memory_space<vmem>>
      %dma_wait3A_596 = tpu.memref_squeeze %dma_wait3A_595 : memref<1x2x62x128xf32, #tpu.memory_space<vmem>> -> memref<2x62x128xf32, #tpu.memory_space<vmem>>
      %dma_wait3A_597 = arith.constant 0 : i32
      %dma_wait3A_598 = arith.constant 0 : i32
      %dma_wait3A_599 = tpu.memref_slice %arg3[%add3A_572, %dma_wait3A_597, %dma_wait3A_598] : memref<4096x62x128xf32, #tpu.memory_space<hbm>> -> memref<2x62x128xf32, #tpu.memory_space<hbm>>
      %dma_wait3A_600 = tpu.memref_slice %arg14[%dma_wait3A_591] : memref<2x!tpu.dma_semaphore, #tpu.memory_space<semaphore_mem>> -> memref<1x!tpu.dma_semaphore, #tpu.memory_space<semaphore_mem>>
      %dma_wait3A_601 = tpu.memref_squeeze %dma_wait3A_600 : memref<1x!tpu.dma_semaphore, #tpu.memory_space<semaphore_mem>> -> memref<!tpu.dma_semaphore, #tpu.memory_space<semaphore_mem>>
      %dma_wait3A_602 = arith.constant 0 : i32
      %dma_wait3A_603 = arith.constant 1 : i32
      %dma_wait3A_604 = arith.constant 0 : i32
      %dma_wait3A_605 = tpu.memref_slice %arg12[%dma_wait3A_590, %dma_wait3A_602, %dma_wait3A_603, %dma_wait3A_604] : memref<2x2x64x128xf32, #tpu.memory_space<vmem>> -> memref<1x2x62x128xf32, #tpu.memory_space<vmem>>
      %dma_wait3A_606 = tpu.memref_squeeze %dma_wait3A_605 : memref<1x2x62x128xf32, #tpu.memory_space<vmem>> -> memref<2x62x128xf32, #tpu.memory_space<vmem>>
      %dma_wait3A_607 = arith.constant 0 : i32
      %dma_wait3A_608 = arith.constant 0 : i32
      %dma_wait3A_609 = tpu.memref_slice %arg3[%add3A_572, %dma_wait3A_607, %dma_wait3A_608] : memref<4096x62x128xf32, #tpu.memory_space<hbm>> -> memref<2x62x128xf32, #tpu.memory_space<hbm>>
      tpu.wait_dma2 semaphore(%dma_wait3A_601 : memref<!tpu.dma_semaphore, #tpu.memory_space<semaphore_mem>>) src(%dma_wait3A_609 : memref<2x62x128xf32, #tpu.memory_space<hbm>>) dst(%dma_wait3A_606 : memref<2x62x128xf32, #tpu.memory_space<vmem>>)
      %dma_wait3A_610 = arith.constant 1 : i32
      %dma_wait3A_611 = arith.constant 63 : i32
      %dma_wait3A_612 = arith.constant 1 : i32
      %dma_wait3A_613 = arith.constant 0 : i32
      %dma_wait3A_614 = arith.constant 0 : i32
      %dma_wait3A_615 = tpu.memref_slice %arg12[%dma_wait3A_610, %dma_wait3A_613, %dma_wait3A_611, %dma_wait3A_614] : memref<2x2x64x128xf32, #tpu.memory_space<vmem>> -> memref<1x2x1x128xf32, #tpu.memory_space<vmem>>
      %dma_wait3A_616 = tpu.memref_squeeze %dma_wait3A_615 : memref<1x2x1x128xf32, #tpu.memory_space<vmem>> -> memref<2x128xf32, #tpu.memory_space<vmem>>
      %dma_wait3A_617 = arith.constant 0 : i32
      %dma_wait3A_618 = tpu.memref_slice %arg5[%add3A_572, %dma_wait3A_617] : memref<4096x128xf32, #tpu.memory_space<hbm>> -> memref<2x128xf32, #tpu.memory_space<hbm>>
      %dma_wait3A_619 = tpu.memref_slice %arg14[%dma_wait3A_612] : memref<2x!tpu.dma_semaphore, #tpu.memory_space<semaphore_mem>> -> memref<1x!tpu.dma_semaphore, #tpu.memory_space<semaphore_mem>>
      %dma_wait3A_620 = tpu.memref_squeeze %dma_wait3A_619 : memref<1x!tpu.dma_semaphore, #tpu.memory_space<semaphore_mem>> -> memref<!tpu.dma_semaphore, #tpu.memory_space<semaphore_mem>>
      %dma_wait3A_621 = arith.constant 0 : i32
      %dma_wait3A_622 = arith.constant 0 : i32
      %dma_wait3A_623 = tpu.memref_slice %arg12[%dma_wait3A_610, %dma_wait3A_621, %dma_wait3A_611, %dma_wait3A_622] : memref<2x2x64x128xf32, #tpu.memory_space<vmem>> -> memref<1x2x1x128xf32, #tpu.memory_space<vmem>>
      %dma_wait3A_624 = tpu.memref_squeeze %dma_wait3A_623 : memref<1x2x1x128xf32, #tpu.memory_space<vmem>> -> memref<2x128xf32, #tpu.memory_space<vmem>>
      %dma_wait3A_625 = arith.constant 0 : i32
      %dma_wait3A_626 = tpu.memref_slice %arg5[%add3A_572, %dma_wait3A_625] : memref<4096x128xf32, #tpu.memory_space<hbm>> -> memref<2x128xf32, #tpu.memory_space<hbm>>
      tpu.wait_dma2 semaphore(%dma_wait3A_620 : memref<!tpu.dma_semaphore, #tpu.memory_space<semaphore_mem>>) src(%dma_wait3A_626 : memref<2x128xf32, #tpu.memory_space<hbm>>) dst(%dma_wait3A_624 : memref<2x128xf32, #tpu.memory_space<vmem>>)
      %gt3A_627 = arith.constant 0 : i32
      %gt3A_628 = arith.cmpi sgt, %scan3A_426, %gt3A_627 : i32
      %convert_element_type3A_629 = arith.extui %gt3A_628 : i1 to i32
      %cond3A_630 = arith.constant 0 : i32
      %cond3A_631 = arith.cmpi ne, %convert_element_type3A_629, %cond3A_630 : i32
      scf.if %cond3A_631 {
        %sub3A_704 = arith.constant 4 : i32
        %sub3A_705 = arith.subi %add3A_569, %sub3A_704 : i32
        %dma_wait3A_706 = arith.constant 1 : i32
        %dma_wait3A_707 = arith.constant 1 : i32
        %dma_wait3A_708 = arith.constant 0 : i32
        %dma_wait3A_709 = arith.constant 0 : i32
        %dma_wait3A_710 = arith.constant 0 : i32
        %dma_wait3A_711 = tpu.memref_slice %arg13[%dma_wait3A_706, %dma_wait3A_708, %dma_wait3A_709, %dma_wait3A_710] : memref<2x2x128x128xf32, #tpu.memory_space<vmem>> -> memref<1x2x128x128xf32, #tpu.memory_space<vmem>>
        %dma_wait3A_712 = tpu.memref_squeeze %dma_wait3A_711 : memref<1x2x128x128xf32, #tpu.memory_space<vmem>> -> memref<2x128x128xf32, #tpu.memory_space<vmem>>
        %dma_wait3A_713 = arith.constant 0 : i32
        %dma_wait3A_714 = arith.constant 0 : i32
        %dma_wait3A_715 = tpu.memref_slice %arg7[%sub3A_705, %dma_wait3A_713, %dma_wait3A_714] : memref<4096x128x128xf32, #tpu.memory_space<hbm>> -> memref<2x128x128xf32, #tpu.memory_space<hbm>>
        %dma_wait3A_716 = tpu.memref_slice %arg15[%dma_wait3A_707] : memref<2x!tpu.dma_semaphore, #tpu.memory_space<semaphore_mem>> -> memref<1x!tpu.dma_semaphore, #tpu.memory_space<semaphore_mem>>
        %dma_wait3A_717 = tpu.memref_squeeze %dma_wait3A_716 : memref<1x!tpu.dma_semaphore, #tpu.memory_space<semaphore_mem>> -> memref<!tpu.dma_semaphore, #tpu.memory_space<semaphore_mem>>
        %dma_wait3A_718 = arith.constant 0 : i32
        %dma_wait3A_719 = arith.constant 0 : i32
        %dma_wait3A_720 = tpu.memref_slice %arg7[%sub3A_705, %dma_wait3A_718, %dma_wait3A_719] : memref<4096x128x128xf32, #tpu.memory_space<hbm>> -> memref<2x128x128xf32, #tpu.memory_space<hbm>>
        %dma_wait3A_721 = arith.constant 0 : i32
        %dma_wait3A_722 = arith.constant 0 : i32
        %dma_wait3A_723 = arith.constant 0 : i32
        %dma_wait3A_724 = tpu.memref_slice %arg13[%dma_wait3A_706, %dma_wait3A_721, %dma_wait3A_722, %dma_wait3A_723] : memref<2x2x128x128xf32, #tpu.memory_space<vmem>> -> memref<1x2x128x128xf32, #tpu.memory_space<vmem>>
        %dma_wait3A_725 = tpu.memref_squeeze %dma_wait3A_724 : memref<1x2x128x128xf32, #tpu.memory_space<vmem>> -> memref<2x128x128xf32, #tpu.memory_space<vmem>>
        tpu.wait_dma2 semaphore(%dma_wait3A_717 : memref<!tpu.dma_semaphore, #tpu.memory_space<semaphore_mem>>) src(%dma_wait3A_725 : memref<2x128x128xf32, #tpu.memory_space<vmem>>) dst(%dma_wait3A_720 : memref<2x128x128xf32, #tpu.memory_space<hbm>>)
      } else {
      }
      %get3A_632 = arith.constant 0 : index
      %get3A_633 = tpu.vector_load %arg10[%get3A_632] {strides = array<i32>} : memref<128xi32, #tpu.memory_space<vmem>>, vector<16xi32>,
      %get3A_634 = arith.constant 16 : index
      %get3A_635 = tpu.vector_load %arg10[%get3A_634] {strides = array<i32>} : memref<128xi32, #tpu.memory_space<vmem>>, vector<16xi32>,
      %get3A_636 = arith.constant 32 : index
      %get3A_637 = tpu.vector_load %arg10[%get3A_636] {strides = array<i32>} : memref<128xi32, #tpu.memory_space<vmem>>, vector<16xi32>,
      %get3A_638 = arith.constant 48 : index
      %get3A_639 = tpu.vector_load %arg10[%get3A_638] {strides = array<i32>} : memref<128xi32, #tpu.memory_space<vmem>>, vector<16xi32>,
      %get3A_640 = arith.constant 64 : index
      %get3A_641 = tpu.vector_load %arg10[%get3A_640] {strides = array<i32>} : memref<128xi32, #tpu.memory_space<vmem>>, vector<16xi32>,
      %get3A_642 = arith.constant 80 : index
      %get3A_643 = tpu.vector_load %arg10[%get3A_642] {strides = array<i32>} : memref<128xi32, #tpu.memory_space<vmem>>, vector<16xi32>,
      %get3A_644 = arith.constant 96 : index
      %get3A_645 = tpu.vector_load %arg10[%get3A_644] {strides = array<i32>} : memref<128xi32, #tpu.memory_space<vmem>>, vector<16xi32>,
      %get3A_646 = arith.constant 112 : index
      %get3A_647 = tpu.vector_load %arg10[%get3A_646] {strides = array<i32>} : memref<128xi32, #tpu.memory_space<vmem>>, vector<16xi32>,
      %get3A_648 = arith.constant 0 : index
      %get3A_649 = tpu.vector_load %arg11[%get3A_648] {strides = array<i32>} : memref<128xf32, #tpu.memory_space<vmem>>, vector<16xf32>,
      %get3A_650 = arith.constant 16 : index
      %get3A_651 = tpu.vector_load %arg11[%get3A_650] {strides = array<i32>} : memref<128xf32, #tpu.memory_space<vmem>>, vector<16xf32>,
      %get3A_652 = arith.constant 32 : index
      %get3A_653 = tpu.vector_load %arg11[%get3A_652] {strides = array<i32>} : memref<128xf32, #tpu.memory_space<vmem>>, vector<16xf32>,
      %get3A_654 = arith.constant 48 : index
      %get3A_655 = tpu.vector_load %arg11[%get3A_654] {strides = array<i32>} : memref<128xf32, #tpu.memory_space<vmem>>, vector<16xf32>,
      %get3A_656 = arith.constant 64 : index
      %get3A_657 = tpu.vector_load %arg11[%get3A_656] {strides = array<i32>} : memref<128xf32, #tpu.memory_space<vmem>>, vector<16xf32>,
      %get3A_658 = arith.constant 80 : index
      %get3A_659 = tpu.vector_load %arg11[%get3A_658] {strides = array<i32>} : memref<128xf32, #tpu.memory_space<vmem>>, vector<16xf32>,
      %get3A_660 = arith.constant 96 : index
      %get3A_661 = tpu.vector_load %arg11[%get3A_660] {strides = array<i32>} : memref<128xf32, #tpu.memory_space<vmem>>, vector<16xf32>,
      %get3A_662 = arith.constant 112 : index
      %get3A_663 = tpu.vector_load %arg11[%get3A_662] {strides = array<i32>} : memref<128xf32, #tpu.memory_space<vmem>>, vector<16xf32>,
      %parallel_loop3A_664 = arith.constant 0 : i32
      %parallel_loop3A_665 = arith.constant 128 : i32
      %parallel_loop3A_666 = arith.constant 1 : i32
      %parallel_loop3A_667 = arith.constant 1 : i32
      %parallel_loop3A_668 = arith.constant 0 : i32
      %parallel_loop3A_669 = arith.constant 1 : i32
      %parallel_loop3A_670 = arith.constant 0 : i32
      scf.for %parallel_loop3A_704 = %parallel_loop3A_664 to %parallel_loop3A_665 step %parallel_loop3A_666  : i32 {
        %parallel_loop3A_705 = vector.broadcast %parallel_loop3A_704 : i32 to vector<16xi32>
        %parallel_loop3A_706 = arith.addi %iota3A, %parallel_loop3A_705 : vector<16xi32>
        %parallel_loop3A_707 = arith.constant 127 : i32
        %parallel_loop3A_708 = vector.broadcast %parallel_loop3A_707 : i32 to vector<16xi32>
        %parallel_loop3A_709 = arith.andi %parallel_loop3A_706, %parallel_loop3A_708 : vector<16xi32>
        %parallel_loop3A_710 = arith.constant 0 : i32
        %parallel_loop3A_711 = arith.constant 0 : i32
        %parallel_loop3A_712 = tpu.memref_slice %arg12[%parallel_loop3A_667, %parallel_loop3A_668, %parallel_loop3A_710, %parallel_loop3A_711] : memref<2x2x64x128xf32, #tpu.memory_space<vmem>> -> memref<1x1x64x128xf32, #tpu.memory_space<vmem>>
        %parallel_loop3A_713 = tpu.memref_squeeze %parallel_loop3A_712 : memref<1x1x64x128xf32, #tpu.memory_space<vmem>> -> memref<64x128xf32, #tpu.memory_space<vmem>>
        %parallel_loop3A_714 = tpu.vector_load_idx %parallel_loop3A_713[%get3A_633, %parallel_loop3A_709] : memref<64x128xf32, #tpu.memory_space<vmem>>[vector<16xi32>, vector<16xi32>], vector<16xf32>,
        %parallel_loop3A_715 = arith.constant 0 : i32
        %parallel_loop3A_716 = arith.constant 0 : i32
        %parallel_loop3A_717 = tpu.memref_slice %arg12[%parallel_loop3A_667, %parallel_loop3A_668, %parallel_loop3A_715, %parallel_loop3A_716] : memref<2x2x64x128xf32, #tpu.memory_space<vmem>> -> memref<1x1x64x128xf32, #tpu.memory_space<vmem>>
        %parallel_loop3A_718 = tpu.memref_squeeze %parallel_loop3A_717 : memref<1x1x64x128xf32, #tpu.memory_space<vmem>> -> memref<64x128xf32, #tpu.memory_space<vmem>>
        %parallel_loop3A_719 = tpu.vector_load_idx %parallel_loop3A_718[%get3A_635, %parallel_loop3A_709] : memref<64x128xf32, #tpu.memory_space<vmem>>[vector<16xi32>, vector<16xi32>], vector<16xf32>,
        %parallel_loop3A_720 = arith.constant 0 : i32
        %parallel_loop3A_721 = arith.constant 0 : i32
        %parallel_loop3A_722 = tpu.memref_slice %arg12[%parallel_loop3A_667, %parallel_loop3A_668, %parallel_loop3A_720, %parallel_loop3A_721] : memref<2x2x64x128xf32, #tpu.memory_space<vmem>> -> memref<1x1x64x128xf32, #tpu.memory_space<vmem>>
        %parallel_loop3A_723 = tpu.memref_squeeze %parallel_loop3A_722 : memref<1x1x64x128xf32, #tpu.memory_space<vmem>> -> memref<64x128xf32, #tpu.memory_space<vmem>>
        %parallel_loop3A_724 = tpu.vector_load_idx %parallel_loop3A_723[%get3A_637, %parallel_loop3A_709] : memref<64x128xf32, #tpu.memory_space<vmem>>[vector<16xi32>, vector<16xi32>], vector<16xf32>,
        %parallel_loop3A_725 = arith.constant 0 : i32
        %parallel_loop3A_726 = arith.constant 0 : i32
        %parallel_loop3A_727 = tpu.memref_slice %arg12[%parallel_loop3A_667, %parallel_loop3A_668, %parallel_loop3A_725, %parallel_loop3A_726] : memref<2x2x64x128xf32, #tpu.memory_space<vmem>> -> memref<1x1x64x128xf32, #tpu.memory_space<vmem>>
        %parallel_loop3A_728 = tpu.memref_squeeze %parallel_loop3A_727 : memref<1x1x64x128xf32, #tpu.memory_space<vmem>> -> memref<64x128xf32, #tpu.memory_space<vmem>>
        %parallel_loop3A_729 = tpu.vector_load_idx %parallel_loop3A_728[%get3A_639, %parallel_loop3A_709] : memref<64x128xf32, #tpu.memory_space<vmem>>[vector<16xi32>, vector<16xi32>], vector<16xf32>,
        %parallel_loop3A_730 = arith.constant 0 : i32
        %parallel_loop3A_731 = arith.constant 0 : i32
        %parallel_loop3A_732 = tpu.memref_slice %arg12[%parallel_loop3A_667, %parallel_loop3A_668, %parallel_loop3A_730, %parallel_loop3A_731] : memref<2x2x64x128xf32, #tpu.memory_space<vmem>> -> memref<1x1x64x128xf32, #tpu.memory_space<vmem>>
        %parallel_loop3A_733 = tpu.memref_squeeze %parallel_loop3A_732 : memref<1x1x64x128xf32, #tpu.memory_space<vmem>> -> memref<64x128xf32, #tpu.memory_space<vmem>>
        %parallel_loop3A_734 = tpu.vector_load_idx %parallel_loop3A_733[%get3A_641, %parallel_loop3A_709] : memref<64x128xf32, #tpu.memory_space<vmem>>[vector<16xi32>, vector<16xi32>], vector<16xf32>,
        %parallel_loop3A_735 = arith.constant 0 : i32
        %parallel_loop3A_736 = arith.constant 0 : i32
        %parallel_loop3A_737 = tpu.memref_slice %arg12[%parallel_loop3A_667, %parallel_loop3A_668, %parallel_loop3A_735, %parallel_loop3A_736] : memref<2x2x64x128xf32, #tpu.memory_space<vmem>> -> memref<1x1x64x128xf32, #tpu.memory_space<vmem>>
        %parallel_loop3A_738 = tpu.memref_squeeze %parallel_loop3A_737 : memref<1x1x64x128xf32, #tpu.memory_space<vmem>> -> memref<64x128xf32, #tpu.memory_space<vmem>>
        %parallel_loop3A_739 = tpu.vector_load_idx %parallel_loop3A_738[%get3A_643, %parallel_loop3A_709] : memref<64x128xf32, #tpu.memory_space<vmem>>[vector<16xi32>, vector<16xi32>], vector<16xf32>,
        %parallel_loop3A_740 = arith.constant 0 : i32
        %parallel_loop3A_741 = arith.constant 0 : i32
        %parallel_loop3A_742 = tpu.memref_slice %arg12[%parallel_loop3A_667, %parallel_loop3A_668, %parallel_loop3A_740, %parallel_loop3A_741] : memref<2x2x64x128xf32, #tpu.memory_space<vmem>> -> memref<1x1x64x128xf32, #tpu.memory_space<vmem>>
        %parallel_loop3A_743 = tpu.memref_squeeze %parallel_loop3A_742 : memref<1x1x64x128xf32, #tpu.memory_space<vmem>> -> memref<64x128xf32, #tpu.memory_space<vmem>>
        %parallel_loop3A_744 = tpu.vector_load_idx %parallel_loop3A_743[%get3A_645, %parallel_loop3A_709] : memref<64x128xf32, #tpu.memory_space<vmem>>[vector<16xi32>, vector<16xi32>], vector<16xf32>,
        %parallel_loop3A_745 = arith.constant 0 : i32
        %parallel_loop3A_746 = arith.constant 0 : i32
        %parallel_loop3A_747 = tpu.memref_slice %arg12[%parallel_loop3A_667, %parallel_loop3A_668, %parallel_loop3A_745, %parallel_loop3A_746] : memref<2x2x64x128xf32, #tpu.memory_space<vmem>> -> memref<1x1x64x128xf32, #tpu.memory_space<vmem>>
        %parallel_loop3A_748 = tpu.memref_squeeze %parallel_loop3A_747 : memref<1x1x64x128xf32, #tpu.memory_space<vmem>> -> memref<64x128xf32, #tpu.memory_space<vmem>>
        %parallel_loop3A_749 = tpu.vector_load_idx %parallel_loop3A_748[%get3A_647, %parallel_loop3A_709] : memref<64x128xf32, #tpu.memory_space<vmem>>[vector<16xi32>, vector<16xi32>], vector<16xf32>,
        %parallel_loop3A_750 = arith.constant 1 : i32
        %parallel_loop3A_751 = arith.constant 0 : i32
        %parallel_loop3A_752 = tpu.memref_slice %arg12[%parallel_loop3A_669, %parallel_loop3A_670, %parallel_loop3A_750, %parallel_loop3A_751] : memref<2x2x64x128xf32, #tpu.memory_space<vmem>> -> memref<1x1x63x128xf32, #tpu.memory_space<vmem>>
        %parallel_loop3A_753 = tpu.memref_squeeze %parallel_loop3A_752 : memref<1x1x63x128xf32, #tpu.memory_space<vmem>> -> memref<63x128xf32, #tpu.memory_space<vmem>>
        %parallel_loop3A_754 = tpu.vector_load_idx %parallel_loop3A_753[%get3A_633, %parallel_loop3A_709] : memref<63x128xf32, #tpu.memory_space<vmem>>[vector<16xi32>, vector<16xi32>], vector<16xf32>,
        %parallel_loop3A_755 = arith.constant 1 : i32
        %parallel_loop3A_756 = arith.constant 0 : i32
        %parallel_loop3A_757 = tpu.memref_slice %arg12[%parallel_loop3A_669, %parallel_loop3A_670, %parallel_loop3A_755, %parallel_loop3A_756] : memref<2x2x64x128xf32, #tpu.memory_space<vmem>> -> memref<1x1x63x128xf32, #tpu.memory_space<vmem>>
        %parallel_loop3A_758 = tpu.memref_squeeze %parallel_loop3A_757 : memref<1x1x63x128xf32, #tpu.memory_space<vmem>> -> memref<63x128xf32, #tpu.memory_space<vmem>>
        %parallel_loop3A_759 = tpu.vector_load_idx %parallel_loop3A_758[%get3A_635, %parallel_loop3A_709] : memref<63x128xf32, #tpu.memory_space<vmem>>[vector<16xi32>, vector<16xi32>], vector<16xf32>,
        %parallel_loop3A_760 = arith.constant 1 : i32
        %parallel_loop3A_761 = arith.constant 0 : i32
        %parallel_loop3A_762 = tpu.memref_slice %arg12[%parallel_loop3A_669, %parallel_loop3A_670, %parallel_loop3A_760, %parallel_loop3A_761] : memref<2x2x64x128xf32, #tpu.memory_space<vmem>> -> memref<1x1x63x128xf32, #tpu.memory_space<vmem>>
        %parallel_loop3A_763 = tpu.memref_squeeze %parallel_loop3A_762 : memref<1x1x63x128xf32, #tpu.memory_space<vmem>> -> memref<63x128xf32, #tpu.memory_space<vmem>>
        %parallel_loop3A_764 = tpu.vector_load_idx %parallel_loop3A_763[%get3A_637, %parallel_loop3A_709] : memref<63x128xf32, #tpu.memory_space<vmem>>[vector<16xi32>, vector<16xi32>], vector<16xf32>,
        %parallel_loop3A_765 = arith.constant 1 : i32
        %parallel_loop3A_766 = arith.constant 0 : i32
        %parallel_loop3A_767 = tpu.memref_slice %arg12[%parallel_loop3A_669, %parallel_loop3A_670, %parallel_loop3A_765, %parallel_loop3A_766] : memref<2x2x64x128xf32, #tpu.memory_space<vmem>> -> memref<1x1x63x128xf32, #tpu.memory_space<vmem>>
        %parallel_loop3A_768 = tpu.memref_squeeze %parallel_loop3A_767 : memref<1x1x63x128xf32, #tpu.memory_space<vmem>> -> memref<63x128xf32, #tpu.memory_space<vmem>>
        %parallel_loop3A_769 = tpu.vector_load_idx %parallel_loop3A_768[%get3A_639, %parallel_loop3A_709] : memref<63x128xf32, #tpu.memory_space<vmem>>[vector<16xi32>, vector<16xi32>], vector<16xf32>,
        %parallel_loop3A_770 = arith.constant 1 : i32
        %parallel_loop3A_771 = arith.constant 0 : i32
        %parallel_loop3A_772 = tpu.memref_slice %arg12[%parallel_loop3A_669, %parallel_loop3A_670, %parallel_loop3A_770, %parallel_loop3A_771] : memref<2x2x64x128xf32, #tpu.memory_space<vmem>> -> memref<1x1x63x128xf32, #tpu.memory_space<vmem>>
        %parallel_loop3A_773 = tpu.memref_squeeze %parallel_loop3A_772 : memref<1x1x63x128xf32, #tpu.memory_space<vmem>> -> memref<63x128xf32, #tpu.memory_space<vmem>>
        %parallel_loop3A_774 = tpu.vector_load_idx %parallel_loop3A_773[%get3A_641, %parallel_loop3A_709] : memref<63x128xf32, #tpu.memory_space<vmem>>[vector<16xi32>, vector<16xi32>], vector<16xf32>,
        %parallel_loop3A_775 = arith.constant 1 : i32
        %parallel_loop3A_776 = arith.constant 0 : i32
        %parallel_loop3A_777 = tpu.memref_slice %arg12[%parallel_loop3A_669, %parallel_loop3A_670, %parallel_loop3A_775, %parallel_loop3A_776] : memref<2x2x64x128xf32, #tpu.memory_space<vmem>> -> memref<1x1x63x128xf32, #tpu.memory_space<vmem>>
        %parallel_loop3A_778 = tpu.memref_squeeze %parallel_loop3A_777 : memref<1x1x63x128xf32, #tpu.memory_space<vmem>> -> memref<63x128xf32, #tpu.memory_space<vmem>>
        %parallel_loop3A_779 = tpu.vector_load_idx %parallel_loop3A_778[%get3A_643, %parallel_loop3A_709] : memref<63x128xf32, #tpu.memory_space<vmem>>[vector<16xi32>, vector<16xi32>], vector<16xf32>,
        %parallel_loop3A_780 = arith.constant 1 : i32
        %parallel_loop3A_781 = arith.constant 0 : i32
        %parallel_loop3A_782 = tpu.memref_slice %arg12[%parallel_loop3A_669, %parallel_loop3A_670, %parallel_loop3A_780, %parallel_loop3A_781] : memref<2x2x64x128xf32, #tpu.memory_space<vmem>> -> memref<1x1x63x128xf32, #tpu.memory_space<vmem>>
        %parallel_loop3A_783 = tpu.memref_squeeze %parallel_loop3A_782 : memref<1x1x63x128xf32, #tpu.memory_space<vmem>> -> memref<63x128xf32, #tpu.memory_space<vmem>>
        %parallel_loop3A_784 = tpu.vector_load_idx %parallel_loop3A_783[%get3A_645, %parallel_loop3A_709] : memref<63x128xf32, #tpu.memory_space<vmem>>[vector<16xi32>, vector<16xi32>], vector<16xf32>,
        %parallel_loop3A_785 = arith.constant 1 : i32
        %parallel_loop3A_786 = arith.constant 0 : i32
        %parallel_loop3A_787 = tpu.memref_slice %arg12[%parallel_loop3A_669, %parallel_loop3A_670, %parallel_loop3A_785, %parallel_loop3A_786] : memref<2x2x64x128xf32, #tpu.memory_space<vmem>> -> memref<1x1x63x128xf32, #tpu.memory_space<vmem>>
        %parallel_loop3A_788 = tpu.memref_squeeze %parallel_loop3A_787 : memref<1x1x63x128xf32, #tpu.memory_space<vmem>> -> memref<63x128xf32, #tpu.memory_space<vmem>>
        %parallel_loop3A_789 = tpu.vector_load_idx %parallel_loop3A_788[%get3A_647, %parallel_loop3A_709] : memref<63x128xf32, #tpu.memory_space<vmem>>[vector<16xi32>, vector<16xi32>], vector<16xf32>,
        %parallel_loop3A_790 = arith.subf %parallel_loop3A_754, %parallel_loop3A_714 : vector<16xf32>
        %parallel_loop3A_791 = arith.mulf %parallel_loop3A_790, %get3A_649 : vector<16xf32>
        %parallel_loop3A_792 = arith.addf %parallel_loop3A_714, %parallel_loop3A_791 : vector<16xf32>
        %parallel_loop3A_793 = arith.subf %parallel_loop3A_759, %parallel_loop3A_719 : vector<16xf32>
        %parallel_loop3A_794 = arith.mulf %parallel_loop3A_793, %get3A_651 : vector<16xf32>
        %parallel_loop3A_795 = arith.addf %parallel_loop3A_719, %parallel_loop3A_794 : vector<16xf32>
        %parallel_loop3A_796 = arith.subf %parallel_loop3A_764, %parallel_loop3A_724 : vector<16xf32>
        %parallel_loop3A_797 = arith.mulf %parallel_loop3A_796, %get3A_653 : vector<16xf32>
        %parallel_loop3A_798 = arith.addf %parallel_loop3A_724, %parallel_loop3A_797 : vector<16xf32>
        %parallel_loop3A_799 = arith.subf %parallel_loop3A_769, %parallel_loop3A_729 : vector<16xf32>
        %parallel_loop3A_800 = arith.mulf %parallel_loop3A_799, %get3A_655 : vector<16xf32>
        %parallel_loop3A_801 = arith.addf %parallel_loop3A_729, %parallel_loop3A_800 : vector<16xf32>
        %parallel_loop3A_802 = arith.subf %parallel_loop3A_774, %parallel_loop3A_734 : vector<16xf32>
        %parallel_loop3A_803 = arith.mulf %parallel_loop3A_802, %get3A_657 : vector<16xf32>
        %parallel_loop3A_804 = arith.addf %parallel_loop3A_734, %parallel_loop3A_803 : vector<16xf32>
        %parallel_loop3A_805 = arith.subf %parallel_loop3A_779, %parallel_loop3A_739 : vector<16xf32>
        %parallel_loop3A_806 = arith.mulf %parallel_loop3A_805, %get3A_659 : vector<16xf32>
        %parallel_loop3A_807 = arith.addf %parallel_loop3A_739, %parallel_loop3A_806 : vector<16xf32>
        %parallel_loop3A_808 = arith.subf %parallel_loop3A_784, %parallel_loop3A_744 : vector<16xf32>
        %parallel_loop3A_809 = arith.mulf %parallel_loop3A_808, %get3A_661 : vector<16xf32>
        %parallel_loop3A_810 = arith.addf %parallel_loop3A_744, %parallel_loop3A_809 : vector<16xf32>
        %parallel_loop3A_811 = arith.subf %parallel_loop3A_789, %parallel_loop3A_749 : vector<16xf32>
        %parallel_loop3A_812 = arith.mulf %parallel_loop3A_811, %get3A_663 : vector<16xf32>
        %parallel_loop3A_813 = arith.addf %parallel_loop3A_749, %parallel_loop3A_812 : vector<16xf32>
        %parallel_loop3A_814 = arith.constant 1 : i32
        %parallel_loop3A_815 = arith.constant 0 : i32
        %parallel_loop3A_816 = arith.constant 0 : i32
        %parallel_loop3A_817 = arith.constant 0 : i32
        %parallel_loop3A_818 = tpu.memref_slice %arg13[%parallel_loop3A_814, %parallel_loop3A_815, %parallel_loop3A_816, %parallel_loop3A_817] : memref<2x2x128x128xf32, #tpu.memory_space<vmem>> -> memref<1x1x16x128xf32, #tpu.memory_space<vmem>>
        %parallel_loop3A_819 = tpu.memref_squeeze %parallel_loop3A_818 : memref<1x1x16x128xf32, #tpu.memory_space<vmem>> -> memref<16x128xf32, #tpu.memory_space<vmem>>
        tpu.vector_store_idx %parallel_loop3A_819[%iota3A, %parallel_loop3A_709], %parallel_loop3A_792 : memref<16x128xf32, #tpu.memory_space<vmem>>[vector<16xi32>, vector<16xi32>], vector<16xf32>,
        %parallel_loop3A_820 = arith.constant 1 : i32
        %parallel_loop3A_821 = arith.constant 0 : i32
        %parallel_loop3A_822 = arith.constant 16 : i32
        %parallel_loop3A_823 = arith.constant 0 : i32
        %parallel_loop3A_824 = tpu.memref_slice %arg13[%parallel_loop3A_820, %parallel_loop3A_821, %parallel_loop3A_822, %parallel_loop3A_823] : memref<2x2x128x128xf32, #tpu.memory_space<vmem>> -> memref<1x1x16x128xf32, #tpu.memory_space<vmem>>
        %parallel_loop3A_825 = tpu.memref_squeeze %parallel_loop3A_824 : memref<1x1x16x128xf32, #tpu.memory_space<vmem>> -> memref<16x128xf32, #tpu.memory_space<vmem>>
        tpu.vector_store_idx %parallel_loop3A_825[%iota3A, %parallel_loop3A_709], %parallel_loop3A_795 : memref<16x128xf32, #tpu.memory_space<vmem>>[vector<16xi32>, vector<16xi32>], vector<16xf32>,
        %parallel_loop3A_826 = arith.constant 1 : i32
        %parallel_loop3A_827 = arith.constant 0 : i32
        %parallel_loop3A_828 = arith.constant 32 : i32
        %parallel_loop3A_829 = arith.constant 0 : i32
        %parallel_loop3A_830 = tpu.memref_slice %arg13[%parallel_loop3A_826, %parallel_loop3A_827, %parallel_loop3A_828, %parallel_loop3A_829] : memref<2x2x128x128xf32, #tpu.memory_space<vmem>> -> memref<1x1x16x128xf32, #tpu.memory_space<vmem>>
        %parallel_loop3A_831 = tpu.memref_squeeze %parallel_loop3A_830 : memref<1x1x16x128xf32, #tpu.memory_space<vmem>> -> memref<16x128xf32, #tpu.memory_space<vmem>>
        tpu.vector_store_idx %parallel_loop3A_831[%iota3A, %parallel_loop3A_709], %parallel_loop3A_798 : memref<16x128xf32, #tpu.memory_space<vmem>>[vector<16xi32>, vector<16xi32>], vector<16xf32>,
        %parallel_loop3A_832 = arith.constant 1 : i32
        %parallel_loop3A_833 = arith.constant 0 : i32
        %parallel_loop3A_834 = arith.constant 48 : i32
        %parallel_loop3A_835 = arith.constant 0 : i32
        %parallel_loop3A_836 = tpu.memref_slice %arg13[%parallel_loop3A_832, %parallel_loop3A_833, %parallel_loop3A_834, %parallel_loop3A_835] : memref<2x2x128x128xf32, #tpu.memory_space<vmem>> -> memref<1x1x16x128xf32, #tpu.memory_space<vmem>>
        %parallel_loop3A_837 = tpu.memref_squeeze %parallel_loop3A_836 : memref<1x1x16x128xf32, #tpu.memory_space<vmem>> -> memref<16x128xf32, #tpu.memory_space<vmem>>
        tpu.vector_store_idx %parallel_loop3A_837[%iota3A, %parallel_loop3A_709], %parallel_loop3A_801 : memref<16x128xf32, #tpu.memory_space<vmem>>[vector<16xi32>, vector<16xi32>], vector<16xf32>,
        %parallel_loop3A_838 = arith.constant 1 : i32
        %parallel_loop3A_839 = arith.constant 0 : i32
        %parallel_loop3A_840 = arith.constant 64 : i32
        %parallel_loop3A_841 = arith.constant 0 : i32
        %parallel_loop3A_842 = tpu.memref_slice %arg13[%parallel_loop3A_838, %parallel_loop3A_839, %parallel_loop3A_840, %parallel_loop3A_841] : memref<2x2x128x128xf32, #tpu.memory_space<vmem>> -> memref<1x1x16x128xf32, #tpu.memory_space<vmem>>
        %parallel_loop3A_843 = tpu.memref_squeeze %parallel_loop3A_842 : memref<1x1x16x128xf32, #tpu.memory_space<vmem>> -> memref<16x128xf32, #tpu.memory_space<vmem>>
        tpu.vector_store_idx %parallel_loop3A_843[%iota3A, %parallel_loop3A_709], %parallel_loop3A_804 : memref<16x128xf32, #tpu.memory_space<vmem>>[vector<16xi32>, vector<16xi32>], vector<16xf32>,
        %parallel_loop3A_844 = arith.constant 1 : i32
        %parallel_loop3A_845 = arith.constant 0 : i32
        %parallel_loop3A_846 = arith.constant 80 : i32
        %parallel_loop3A_847 = arith.constant 0 : i32
        %parallel_loop3A_848 = tpu.memref_slice %arg13[%parallel_loop3A_844, %parallel_loop3A_845, %parallel_loop3A_846, %parallel_loop3A_847] : memref<2x2x128x128xf32, #tpu.memory_space<vmem>> -> memref<1x1x16x128xf32, #tpu.memory_space<vmem>>
        %parallel_loop3A_849 = tpu.memref_squeeze %parallel_loop3A_848 : memref<1x1x16x128xf32, #tpu.memory_space<vmem>> -> memref<16x128xf32, #tpu.memory_space<vmem>>
        tpu.vector_store_idx %parallel_loop3A_849[%iota3A, %parallel_loop3A_709], %parallel_loop3A_807 : memref<16x128xf32, #tpu.memory_space<vmem>>[vector<16xi32>, vector<16xi32>], vector<16xf32>,
        %parallel_loop3A_850 = arith.constant 1 : i32
        %parallel_loop3A_851 = arith.constant 0 : i32
        %parallel_loop3A_852 = arith.constant 96 : i32
        %parallel_loop3A_853 = arith.constant 0 : i32
        %parallel_loop3A_854 = tpu.memref_slice %arg13[%parallel_loop3A_850, %parallel_loop3A_851, %parallel_loop3A_852, %parallel_loop3A_853] : memref<2x2x128x128xf32, #tpu.memory_space<vmem>> -> memref<1x1x16x128xf32, #tpu.memory_space<vmem>>
        %parallel_loop3A_855 = tpu.memref_squeeze %parallel_loop3A_854 : memref<1x1x16x128xf32, #tpu.memory_space<vmem>> -> memref<16x128xf32, #tpu.memory_space<vmem>>
        tpu.vector_store_idx %parallel_loop3A_855[%iota3A, %parallel_loop3A_709], %parallel_loop3A_810 : memref<16x128xf32, #tpu.memory_space<vmem>>[vector<16xi32>, vector<16xi32>], vector<16xf32>,
        %parallel_loop3A_856 = arith.constant 1 : i32
        %parallel_loop3A_857 = arith.constant 0 : i32
        %parallel_loop3A_858 = arith.constant 112 : i32
        %parallel_loop3A_859 = arith.constant 0 : i32
        %parallel_loop3A_860 = tpu.memref_slice %arg13[%parallel_loop3A_856, %parallel_loop3A_857, %parallel_loop3A_858, %parallel_loop3A_859] : memref<2x2x128x128xf32, #tpu.memory_space<vmem>> -> memref<1x1x16x128xf32, #tpu.memory_space<vmem>>
        %parallel_loop3A_861 = tpu.memref_squeeze %parallel_loop3A_860 : memref<1x1x16x128xf32, #tpu.memory_space<vmem>> -> memref<16x128xf32, #tpu.memory_space<vmem>>
        tpu.vector_store_idx %parallel_loop3A_861[%iota3A, %parallel_loop3A_709], %parallel_loop3A_813 : memref<16x128xf32, #tpu.memory_space<vmem>>[vector<16xi32>, vector<16xi32>], vector<16xf32>,
      } {sc.loop_unroll_factor = 2 : i64, sc.parallel_access}
      %parallel_loop3A_671 = arith.constant 0 : i32
      %parallel_loop3A_672 = arith.constant 128 : i32
      %parallel_loop3A_673 = arith.constant 1 : i32
      %parallel_loop3A_674 = arith.constant 1 : i32
      %parallel_loop3A_675 = arith.constant 1 : i32
      %parallel_loop3A_676 = arith.constant 1 : i32
      %parallel_loop3A_677 = arith.constant 1 : i32
      scf.for %parallel_loop3A_704 = %parallel_loop3A_671 to %parallel_loop3A_672 step %parallel_loop3A_673  : i32 {
        %parallel_loop3A_705 = vector.broadcast %parallel_loop3A_704 : i32 to vector<16xi32>
        %parallel_loop3A_706 = arith.addi %iota3A, %parallel_loop3A_705 : vector<16xi32>
        %parallel_loop3A_707 = arith.constant 127 : i32
        %parallel_loop3A_708 = vector.broadcast %parallel_loop3A_707 : i32 to vector<16xi32>
        %parallel_loop3A_709 = arith.andi %parallel_loop3A_706, %parallel_loop3A_708 : vector<16xi32>
        %parallel_loop3A_710 = arith.constant 0 : i32
        %parallel_loop3A_711 = arith.constant 0 : i32
        %parallel_loop3A_712 = tpu.memref_slice %arg12[%parallel_loop3A_674, %parallel_loop3A_675, %parallel_loop3A_710, %parallel_loop3A_711] : memref<2x2x64x128xf32, #tpu.memory_space<vmem>> -> memref<1x1x64x128xf32, #tpu.memory_space<vmem>>
        %parallel_loop3A_713 = tpu.memref_squeeze %parallel_loop3A_712 : memref<1x1x64x128xf32, #tpu.memory_space<vmem>> -> memref<64x128xf32, #tpu.memory_space<vmem>>
        %parallel_loop3A_714 = tpu.vector_load_idx %parallel_loop3A_713[%get3A_633, %parallel_loop3A_709] : memref<64x128xf32, #tpu.memory_space<vmem>>[vector<16xi32>, vector<16xi32>], vector<16xf32>,
        %parallel_loop3A_715 = arith.constant 0 : i32
        %parallel_loop3A_716 = arith.constant 0 : i32
        %parallel_loop3A_717 = tpu.memref_slice %arg12[%parallel_loop3A_674, %parallel_loop3A_675, %parallel_loop3A_715, %parallel_loop3A_716] : memref<2x2x64x128xf32, #tpu.memory_space<vmem>> -> memref<1x1x64x128xf32, #tpu.memory_space<vmem>>
        %parallel_loop3A_718 = tpu.memref_squeeze %parallel_loop3A_717 : memref<1x1x64x128xf32, #tpu.memory_space<vmem>> -> memref<64x128xf32, #tpu.memory_space<vmem>>
        %parallel_loop3A_719 = tpu.vector_load_idx %parallel_loop3A_718[%get3A_635, %parallel_loop3A_709] : memref<64x128xf32, #tpu.memory_space<vmem>>[vector<16xi32>, vector<16xi32>], vector<16xf32>,
        %parallel_loop3A_720 = arith.constant 0 : i32
        %parallel_loop3A_721 = arith.constant 0 : i32
        %parallel_loop3A_722 = tpu.memref_slice %arg12[%parallel_loop3A_674, %parallel_loop3A_675, %parallel_loop3A_720, %parallel_loop3A_721] : memref<2x2x64x128xf32, #tpu.memory_space<vmem>> -> memref<1x1x64x128xf32, #tpu.memory_space<vmem>>
        %parallel_loop3A_723 = tpu.memref_squeeze %parallel_loop3A_722 : memref<1x1x64x128xf32, #tpu.memory_space<vmem>> -> memref<64x128xf32, #tpu.memory_space<vmem>>
        %parallel_loop3A_724 = tpu.vector_load_idx %parallel_loop3A_723[%get3A_637, %parallel_loop3A_709] : memref<64x128xf32, #tpu.memory_space<vmem>>[vector<16xi32>, vector<16xi32>], vector<16xf32>,
        %parallel_loop3A_725 = arith.constant 0 : i32
        %parallel_loop3A_726 = arith.constant 0 : i32
        %parallel_loop3A_727 = tpu.memref_slice %arg12[%parallel_loop3A_674, %parallel_loop3A_675, %parallel_loop3A_725, %parallel_loop3A_726] : memref<2x2x64x128xf32, #tpu.memory_space<vmem>> -> memref<1x1x64x128xf32, #tpu.memory_space<vmem>>
        %parallel_loop3A_728 = tpu.memref_squeeze %parallel_loop3A_727 : memref<1x1x64x128xf32, #tpu.memory_space<vmem>> -> memref<64x128xf32, #tpu.memory_space<vmem>>
        %parallel_loop3A_729 = tpu.vector_load_idx %parallel_loop3A_728[%get3A_639, %parallel_loop3A_709] : memref<64x128xf32, #tpu.memory_space<vmem>>[vector<16xi32>, vector<16xi32>], vector<16xf32>,
        %parallel_loop3A_730 = arith.constant 0 : i32
        %parallel_loop3A_731 = arith.constant 0 : i32
        %parallel_loop3A_732 = tpu.memref_slice %arg12[%parallel_loop3A_674, %parallel_loop3A_675, %parallel_loop3A_730, %parallel_loop3A_731] : memref<2x2x64x128xf32, #tpu.memory_space<vmem>> -> memref<1x1x64x128xf32, #tpu.memory_space<vmem>>
        %parallel_loop3A_733 = tpu.memref_squeeze %parallel_loop3A_732 : memref<1x1x64x128xf32, #tpu.memory_space<vmem>> -> memref<64x128xf32, #tpu.memory_space<vmem>>
        %parallel_loop3A_734 = tpu.vector_load_idx %parallel_loop3A_733[%get3A_641, %parallel_loop3A_709] : memref<64x128xf32, #tpu.memory_space<vmem>>[vector<16xi32>, vector<16xi32>], vector<16xf32>,
        %parallel_loop3A_735 = arith.constant 0 : i32
        %parallel_loop3A_736 = arith.constant 0 : i32
        %parallel_loop3A_737 = tpu.memref_slice %arg12[%parallel_loop3A_674, %parallel_loop3A_675, %parallel_loop3A_735, %parallel_loop3A_736] : memref<2x2x64x128xf32, #tpu.memory_space<vmem>> -> memref<1x1x64x128xf32, #tpu.memory_space<vmem>>
        %parallel_loop3A_738 = tpu.memref_squeeze %parallel_loop3A_737 : memref<1x1x64x128xf32, #tpu.memory_space<vmem>> -> memref<64x128xf32, #tpu.memory_space<vmem>>
        %parallel_loop3A_739 = tpu.vector_load_idx %parallel_loop3A_738[%get3A_643, %parallel_loop3A_709] : memref<64x128xf32, #tpu.memory_space<vmem>>[vector<16xi32>, vector<16xi32>], vector<16xf32>,
        %parallel_loop3A_740 = arith.constant 0 : i32
        %parallel_loop3A_741 = arith.constant 0 : i32
        %parallel_loop3A_742 = tpu.memref_slice %arg12[%parallel_loop3A_674, %parallel_loop3A_675, %parallel_loop3A_740, %parallel_loop3A_741] : memref<2x2x64x128xf32, #tpu.memory_space<vmem>> -> memref<1x1x64x128xf32, #tpu.memory_space<vmem>>
        %parallel_loop3A_743 = tpu.memref_squeeze %parallel_loop3A_742 : memref<1x1x64x128xf32, #tpu.memory_space<vmem>> -> memref<64x128xf32, #tpu.memory_space<vmem>>
        %parallel_loop3A_744 = tpu.vector_load_idx %parallel_loop3A_743[%get3A_645, %parallel_loop3A_709] : memref<64x128xf32, #tpu.memory_space<vmem>>[vector<16xi32>, vector<16xi32>], vector<16xf32>,
        %parallel_loop3A_745 = arith.constant 0 : i32
        %parallel_loop3A_746 = arith.constant 0 : i32
        %parallel_loop3A_747 = tpu.memref_slice %arg12[%parallel_loop3A_674, %parallel_loop3A_675, %parallel_loop3A_745, %parallel_loop3A_746] : memref<2x2x64x128xf32, #tpu.memory_space<vmem>> -> memref<1x1x64x128xf32, #tpu.memory_space<vmem>>
        %parallel_loop3A_748 = tpu.memref_squeeze %parallel_loop3A_747 : memref<1x1x64x128xf32, #tpu.memory_space<vmem>> -> memref<64x128xf32, #tpu.memory_space<vmem>>
        %parallel_loop3A_749 = tpu.vector_load_idx %parallel_loop3A_748[%get3A_647, %parallel_loop3A_709] : memref<64x128xf32, #tpu.memory_space<vmem>>[vector<16xi32>, vector<16xi32>], vector<16xf32>,
        %parallel_loop3A_750 = arith.constant 1 : i32
        %parallel_loop3A_751 = arith.constant 0 : i32
        %parallel_loop3A_752 = tpu.memref_slice %arg12[%parallel_loop3A_676, %parallel_loop3A_677, %parallel_loop3A_750, %parallel_loop3A_751] : memref<2x2x64x128xf32, #tpu.memory_space<vmem>> -> memref<1x1x63x128xf32, #tpu.memory_space<vmem>>
        %parallel_loop3A_753 = tpu.memref_squeeze %parallel_loop3A_752 : memref<1x1x63x128xf32, #tpu.memory_space<vmem>> -> memref<63x128xf32, #tpu.memory_space<vmem>>
        %parallel_loop3A_754 = tpu.vector_load_idx %parallel_loop3A_753[%get3A_633, %parallel_loop3A_709] : memref<63x128xf32, #tpu.memory_space<vmem>>[vector<16xi32>, vector<16xi32>], vector<16xf32>,
        %parallel_loop3A_755 = arith.constant 1 : i32
        %parallel_loop3A_756 = arith.constant 0 : i32
        %parallel_loop3A_757 = tpu.memref_slice %arg12[%parallel_loop3A_676, %parallel_loop3A_677, %parallel_loop3A_755, %parallel_loop3A_756] : memref<2x2x64x128xf32, #tpu.memory_space<vmem>> -> memref<1x1x63x128xf32, #tpu.memory_space<vmem>>
        %parallel_loop3A_758 = tpu.memref_squeeze %parallel_loop3A_757 : memref<1x1x63x128xf32, #tpu.memory_space<vmem>> -> memref<63x128xf32, #tpu.memory_space<vmem>>
        %parallel_loop3A_759 = tpu.vector_load_idx %parallel_loop3A_758[%get3A_635, %parallel_loop3A_709] : memref<63x128xf32, #tpu.memory_space<vmem>>[vector<16xi32>, vector<16xi32>], vector<16xf32>,
        %parallel_loop3A_760 = arith.constant 1 : i32
        %parallel_loop3A_761 = arith.constant 0 : i32
        %parallel_loop3A_762 = tpu.memref_slice %arg12[%parallel_loop3A_676, %parallel_loop3A_677, %parallel_loop3A_760, %parallel_loop3A_761] : memref<2x2x64x128xf32, #tpu.memory_space<vmem>> -> memref<1x1x63x128xf32, #tpu.memory_space<vmem>>
        %parallel_loop3A_763 = tpu.memref_squeeze %parallel_loop3A_762 : memref<1x1x63x128xf32, #tpu.memory_space<vmem>> -> memref<63x128xf32, #tpu.memory_space<vmem>>
        %parallel_loop3A_764 = tpu.vector_load_idx %parallel_loop3A_763[%get3A_637, %parallel_loop3A_709] : memref<63x128xf32, #tpu.memory_space<vmem>>[vector<16xi32>, vector<16xi32>], vector<16xf32>,
        %parallel_loop3A_765 = arith.constant 1 : i32
        %parallel_loop3A_766 = arith.constant 0 : i32
        %parallel_loop3A_767 = tpu.memref_slice %arg12[%parallel_loop3A_676, %parallel_loop3A_677, %parallel_loop3A_765, %parallel_loop3A_766] : memref<2x2x64x128xf32, #tpu.memory_space<vmem>> -> memref<1x1x63x128xf32, #tpu.memory_space<vmem>>
        %parallel_loop3A_768 = tpu.memref_squeeze %parallel_loop3A_767 : memref<1x1x63x128xf32, #tpu.memory_space<vmem>> -> memref<63x128xf32, #tpu.memory_space<vmem>>
        %parallel_loop3A_769 = tpu.vector_load_idx %parallel_loop3A_768[%get3A_639, %parallel_loop3A_709] : memref<63x128xf32, #tpu.memory_space<vmem>>[vector<16xi32>, vector<16xi32>], vector<16xf32>,
        %parallel_loop3A_770 = arith.constant 1 : i32
        %parallel_loop3A_771 = arith.constant 0 : i32
        %parallel_loop3A_772 = tpu.memref_slice %arg12[%parallel_loop3A_676, %parallel_loop3A_677, %parallel_loop3A_770, %parallel_loop3A_771] : memref<2x2x64x128xf32, #tpu.memory_space<vmem>> -> memref<1x1x63x128xf32, #tpu.memory_space<vmem>>
        %parallel_loop3A_773 = tpu.memref_squeeze %parallel_loop3A_772 : memref<1x1x63x128xf32, #tpu.memory_space<vmem>> -> memref<63x128xf32, #tpu.memory_space<vmem>>
        %parallel_loop3A_774 = tpu.vector_load_idx %parallel_loop3A_773[%get3A_641, %parallel_loop3A_709] : memref<63x128xf32, #tpu.memory_space<vmem>>[vector<16xi32>, vector<16xi32>], vector<16xf32>,
        %parallel_loop3A_775 = arith.constant 1 : i32
        %parallel_loop3A_776 = arith.constant 0 : i32
        %parallel_loop3A_777 = tpu.memref_slice %arg12[%parallel_loop3A_676, %parallel_loop3A_677, %parallel_loop3A_775, %parallel_loop3A_776] : memref<2x2x64x128xf32, #tpu.memory_space<vmem>> -> memref<1x1x63x128xf32, #tpu.memory_space<vmem>>
        %parallel_loop3A_778 = tpu.memref_squeeze %parallel_loop3A_777 : memref<1x1x63x128xf32, #tpu.memory_space<vmem>> -> memref<63x128xf32, #tpu.memory_space<vmem>>
        %parallel_loop3A_779 = tpu.vector_load_idx %parallel_loop3A_778[%get3A_643, %parallel_loop3A_709] : memref<63x128xf32, #tpu.memory_space<vmem>>[vector<16xi32>, vector<16xi32>], vector<16xf32>,
        %parallel_loop3A_780 = arith.constant 1 : i32
        %parallel_loop3A_781 = arith.constant 0 : i32
        %parallel_loop3A_782 = tpu.memref_slice %arg12[%parallel_loop3A_676, %parallel_loop3A_677, %parallel_loop3A_780, %parallel_loop3A_781] : memref<2x2x64x128xf32, #tpu.memory_space<vmem>> -> memref<1x1x63x128xf32, #tpu.memory_space<vmem>>
        %parallel_loop3A_783 = tpu.memref_squeeze %parallel_loop3A_782 : memref<1x1x63x128xf32, #tpu.memory_space<vmem>> -> memref<63x128xf32, #tpu.memory_space<vmem>>
        %parallel_loop3A_784 = tpu.vector_load_idx %parallel_loop3A_783[%get3A_645, %parallel_loop3A_709] : memref<63x128xf32, #tpu.memory_space<vmem>>[vector<16xi32>, vector<16xi32>], vector<16xf32>,
        %parallel_loop3A_785 = arith.constant 1 : i32
        %parallel_loop3A_786 = arith.constant 0 : i32
        %parallel_loop3A_787 = tpu.memref_slice %arg12[%parallel_loop3A_676, %parallel_loop3A_677, %parallel_loop3A_785, %parallel_loop3A_786] : memref<2x2x64x128xf32, #tpu.memory_space<vmem>> -> memref<1x1x63x128xf32, #tpu.memory_space<vmem>>
        %parallel_loop3A_788 = tpu.memref_squeeze %parallel_loop3A_787 : memref<1x1x63x128xf32, #tpu.memory_space<vmem>> -> memref<63x128xf32, #tpu.memory_space<vmem>>
        %parallel_loop3A_789 = tpu.vector_load_idx %parallel_loop3A_788[%get3A_647, %parallel_loop3A_709] : memref<63x128xf32, #tpu.memory_space<vmem>>[vector<16xi32>, vector<16xi32>], vector<16xf32>,
        %parallel_loop3A_790 = arith.subf %parallel_loop3A_754, %parallel_loop3A_714 : vector<16xf32>
        %parallel_loop3A_791 = arith.mulf %parallel_loop3A_790, %get3A_649 : vector<16xf32>
        %parallel_loop3A_792 = arith.addf %parallel_loop3A_714, %parallel_loop3A_791 : vector<16xf32>
        %parallel_loop3A_793 = arith.subf %parallel_loop3A_759, %parallel_loop3A_719 : vector<16xf32>
        %parallel_loop3A_794 = arith.mulf %parallel_loop3A_793, %get3A_651 : vector<16xf32>
        %parallel_loop3A_795 = arith.addf %parallel_loop3A_719, %parallel_loop3A_794 : vector<16xf32>
        %parallel_loop3A_796 = arith.subf %parallel_loop3A_764, %parallel_loop3A_724 : vector<16xf32>
        %parallel_loop3A_797 = arith.mulf %parallel_loop3A_796, %get3A_653 : vector<16xf32>
        %parallel_loop3A_798 = arith.addf %parallel_loop3A_724, %parallel_loop3A_797 : vector<16xf32>
        %parallel_loop3A_799 = arith.subf %parallel_loop3A_769, %parallel_loop3A_729 : vector<16xf32>
        %parallel_loop3A_800 = arith.mulf %parallel_loop3A_799, %get3A_655 : vector<16xf32>
        %parallel_loop3A_801 = arith.addf %parallel_loop3A_729, %parallel_loop3A_800 : vector<16xf32>
        %parallel_loop3A_802 = arith.subf %parallel_loop3A_774, %parallel_loop3A_734 : vector<16xf32>
        %parallel_loop3A_803 = arith.mulf %parallel_loop3A_802, %get3A_657 : vector<16xf32>
        %parallel_loop3A_804 = arith.addf %parallel_loop3A_734, %parallel_loop3A_803 : vector<16xf32>
        %parallel_loop3A_805 = arith.subf %parallel_loop3A_779, %parallel_loop3A_739 : vector<16xf32>
        %parallel_loop3A_806 = arith.mulf %parallel_loop3A_805, %get3A_659 : vector<16xf32>
        %parallel_loop3A_807 = arith.addf %parallel_loop3A_739, %parallel_loop3A_806 : vector<16xf32>
        %parallel_loop3A_808 = arith.subf %parallel_loop3A_784, %parallel_loop3A_744 : vector<16xf32>
        %parallel_loop3A_809 = arith.mulf %parallel_loop3A_808, %get3A_661 : vector<16xf32>
        %parallel_loop3A_810 = arith.addf %parallel_loop3A_744, %parallel_loop3A_809 : vector<16xf32>
        %parallel_loop3A_811 = arith.subf %parallel_loop3A_789, %parallel_loop3A_749 : vector<16xf32>
        %parallel_loop3A_812 = arith.mulf %parallel_loop3A_811, %get3A_663 : vector<16xf32>
        %parallel_loop3A_813 = arith.addf %parallel_loop3A_749, %parallel_loop3A_812 : vector<16xf32>
        %parallel_loop3A_814 = arith.constant 1 : i32
        %parallel_loop3A_815 = arith.constant 1 : i32
        %parallel_loop3A_816 = arith.constant 0 : i32
        %parallel_loop3A_817 = arith.constant 0 : i32
        %parallel_loop3A_818 = tpu.memref_slice %arg13[%parallel_loop3A_814, %parallel_loop3A_815, %parallel_loop3A_816, %parallel_loop3A_817] : memref<2x2x128x128xf32, #tpu.memory_space<vmem>> -> memref<1x1x16x128xf32, #tpu.memory_space<vmem>>
        %parallel_loop3A_819 = tpu.memref_squeeze %parallel_loop3A_818 : memref<1x1x16x128xf32, #tpu.memory_space<vmem>> -> memref<16x128xf32, #tpu.memory_space<vmem>>
        tpu.vector_store_idx %parallel_loop3A_819[%iota3A, %parallel_loop3A_709], %parallel_loop3A_792 : memref<16x128xf32, #tpu.memory_space<vmem>>[vector<16xi32>, vector<16xi32>], vector<16xf32>,
        %parallel_loop3A_820 = arith.constant 1 : i32
        %parallel_loop3A_821 = arith.constant 1 : i32
        %parallel_loop3A_822 = arith.constant 16 : i32
        %parallel_loop3A_823 = arith.constant 0 : i32
        %parallel_loop3A_824 = tpu.memref_slice %arg13[%parallel_loop3A_820, %parallel_loop3A_821, %parallel_loop3A_822, %parallel_loop3A_823] : memref<2x2x128x128xf32, #tpu.memory_space<vmem>> -> memref<1x1x16x128xf32, #tpu.memory_space<vmem>>
        %parallel_loop3A_825 = tpu.memref_squeeze %parallel_loop3A_824 : memref<1x1x16x128xf32, #tpu.memory_space<vmem>> -> memref<16x128xf32, #tpu.memory_space<vmem>>
        tpu.vector_store_idx %parallel_loop3A_825[%iota3A, %parallel_loop3A_709], %parallel_loop3A_795 : memref<16x128xf32, #tpu.memory_space<vmem>>[vector<16xi32>, vector<16xi32>], vector<16xf32>,
        %parallel_loop3A_826 = arith.constant 1 : i32
        %parallel_loop3A_827 = arith.constant 1 : i32
        %parallel_loop3A_828 = arith.constant 32 : i32
        %parallel_loop3A_829 = arith.constant 0 : i32
        %parallel_loop3A_830 = tpu.memref_slice %arg13[%parallel_loop3A_826, %parallel_loop3A_827, %parallel_loop3A_828, %parallel_loop3A_829] : memref<2x2x128x128xf32, #tpu.memory_space<vmem>> -> memref<1x1x16x128xf32, #tpu.memory_space<vmem>>
        %parallel_loop3A_831 = tpu.memref_squeeze %parallel_loop3A_830 : memref<1x1x16x128xf32, #tpu.memory_space<vmem>> -> memref<16x128xf32, #tpu.memory_space<vmem>>
        tpu.vector_store_idx %parallel_loop3A_831[%iota3A, %parallel_loop3A_709], %parallel_loop3A_798 : memref<16x128xf32, #tpu.memory_space<vmem>>[vector<16xi32>, vector<16xi32>], vector<16xf32>,
        %parallel_loop3A_832 = arith.constant 1 : i32
        %parallel_loop3A_833 = arith.constant 1 : i32
        %parallel_loop3A_834 = arith.constant 48 : i32
        %parallel_loop3A_835 = arith.constant 0 : i32
        %parallel_loop3A_836 = tpu.memref_slice %arg13[%parallel_loop3A_832, %parallel_loop3A_833, %parallel_loop3A_834, %parallel_loop3A_835] : memref<2x2x128x128xf32, #tpu.memory_space<vmem>> -> memref<1x1x16x128xf32, #tpu.memory_space<vmem>>
        %parallel_loop3A_837 = tpu.memref_squeeze %parallel_loop3A_836 : memref<1x1x16x128xf32, #tpu.memory_space<vmem>> -> memref<16x128xf32, #tpu.memory_space<vmem>>
        tpu.vector_store_idx %parallel_loop3A_837[%iota3A, %parallel_loop3A_709], %parallel_loop3A_801 : memref<16x128xf32, #tpu.memory_space<vmem>>[vector<16xi32>, vector<16xi32>], vector<16xf32>,
        %parallel_loop3A_838 = arith.constant 1 : i32
        %parallel_loop3A_839 = arith.constant 1 : i32
        %parallel_loop3A_840 = arith.constant 64 : i32
        %parallel_loop3A_841 = arith.constant 0 : i32
        %parallel_loop3A_842 = tpu.memref_slice %arg13[%parallel_loop3A_838, %parallel_loop3A_839, %parallel_loop3A_840, %parallel_loop3A_841] : memref<2x2x128x128xf32, #tpu.memory_space<vmem>> -> memref<1x1x16x128xf32, #tpu.memory_space<vmem>>
        %parallel_loop3A_843 = tpu.memref_squeeze %parallel_loop3A_842 : memref<1x1x16x128xf32, #tpu.memory_space<vmem>> -> memref<16x128xf32, #tpu.memory_space<vmem>>
        tpu.vector_store_idx %parallel_loop3A_843[%iota3A, %parallel_loop3A_709], %parallel_loop3A_804 : memref<16x128xf32, #tpu.memory_space<vmem>>[vector<16xi32>, vector<16xi32>], vector<16xf32>,
        %parallel_loop3A_844 = arith.constant 1 : i32
        %parallel_loop3A_845 = arith.constant 1 : i32
        %parallel_loop3A_846 = arith.constant 80 : i32
        %parallel_loop3A_847 = arith.constant 0 : i32
        %parallel_loop3A_848 = tpu.memref_slice %arg13[%parallel_loop3A_844, %parallel_loop3A_845, %parallel_loop3A_846, %parallel_loop3A_847] : memref<2x2x128x128xf32, #tpu.memory_space<vmem>> -> memref<1x1x16x128xf32, #tpu.memory_space<vmem>>
        %parallel_loop3A_849 = tpu.memref_squeeze %parallel_loop3A_848 : memref<1x1x16x128xf32, #tpu.memory_space<vmem>> -> memref<16x128xf32, #tpu.memory_space<vmem>>
        tpu.vector_store_idx %parallel_loop3A_849[%iota3A, %parallel_loop3A_709], %parallel_loop3A_807 : memref<16x128xf32, #tpu.memory_space<vmem>>[vector<16xi32>, vector<16xi32>], vector<16xf32>,
        %parallel_loop3A_850 = arith.constant 1 : i32
        %parallel_loop3A_851 = arith.constant 1 : i32
        %parallel_loop3A_852 = arith.constant 96 : i32
        %parallel_loop3A_853 = arith.constant 0 : i32
        %parallel_loop3A_854 = tpu.memref_slice %arg13[%parallel_loop3A_850, %parallel_loop3A_851, %parallel_loop3A_852, %parallel_loop3A_853] : memref<2x2x128x128xf32, #tpu.memory_space<vmem>> -> memref<1x1x16x128xf32, #tpu.memory_space<vmem>>
        %parallel_loop3A_855 = tpu.memref_squeeze %parallel_loop3A_854 : memref<1x1x16x128xf32, #tpu.memory_space<vmem>> -> memref<16x128xf32, #tpu.memory_space<vmem>>
        tpu.vector_store_idx %parallel_loop3A_855[%iota3A, %parallel_loop3A_709], %parallel_loop3A_810 : memref<16x128xf32, #tpu.memory_space<vmem>>[vector<16xi32>, vector<16xi32>], vector<16xf32>,
        %parallel_loop3A_856 = arith.constant 1 : i32
        %parallel_loop3A_857 = arith.constant 1 : i32
        %parallel_loop3A_858 = arith.constant 112 : i32
        %parallel_loop3A_859 = arith.constant 0 : i32
        %parallel_loop3A_860 = tpu.memref_slice %arg13[%parallel_loop3A_856, %parallel_loop3A_857, %parallel_loop3A_858, %parallel_loop3A_859] : memref<2x2x128x128xf32, #tpu.memory_space<vmem>> -> memref<1x1x16x128xf32, #tpu.memory_space<vmem>>
        %parallel_loop3A_861 = tpu.memref_squeeze %parallel_loop3A_860 : memref<1x1x16x128xf32, #tpu.memory_space<vmem>> -> memref<16x128xf32, #tpu.memory_space<vmem>>
        tpu.vector_store_idx %parallel_loop3A_861[%iota3A, %parallel_loop3A_709], %parallel_loop3A_813 : memref<16x128xf32, #tpu.memory_space<vmem>>[vector<16xi32>, vector<16xi32>], vector<16xf32>,
      } {sc.loop_unroll_factor = 2 : i64, sc.parallel_access}
      %dma_start3A_678 = arith.constant 1 : i32
      %dma_start3A_679 = arith.constant 1 : i32
      %dma_start3A_680 = arith.constant 0 : i32
      %dma_start3A_681 = arith.constant 0 : i32
      %dma_start3A_682 = arith.constant 0 : i32
      %dma_start3A_683 = tpu.memref_slice %arg13[%dma_start3A_678, %dma_start3A_680, %dma_start3A_681, %dma_start3A_682] : memref<2x2x128x128xf32, #tpu.memory_space<vmem>> -> memref<1x2x128x128xf32, #tpu.memory_space<vmem>>
      %dma_start3A_684 = tpu.memref_squeeze %dma_start3A_683 : memref<1x2x128x128xf32, #tpu.memory_space<vmem>> -> memref<2x128x128xf32, #tpu.memory_space<vmem>>
      %dma_start3A_685 = arith.constant 0 : i32
      %dma_start3A_686 = arith.constant 0 : i32
      %dma_start3A_687 = tpu.memref_slice %arg7[%add3A_569, %dma_start3A_685, %dma_start3A_686] : memref<4096x128x128xf32, #tpu.memory_space<hbm>> -> memref<2x128x128xf32, #tpu.memory_space<hbm>>
      %dma_start3A_688 = tpu.memref_slice %arg15[%dma_start3A_679] : memref<2x!tpu.dma_semaphore, #tpu.memory_space<semaphore_mem>> -> memref<1x!tpu.dma_semaphore, #tpu.memory_space<semaphore_mem>>
      %dma_start3A_689 = tpu.memref_squeeze %dma_start3A_688 : memref<1x!tpu.dma_semaphore, #tpu.memory_space<semaphore_mem>> -> memref<!tpu.dma_semaphore, #tpu.memory_space<semaphore_mem>>
      %dma_start3A_690 = arith.constant 0 : i32
      %dma_start3A_691 = arith.constant 0 : i32
      %dma_start3A_692 = tpu.memref_slice %arg7[%add3A_569, %dma_start3A_690, %dma_start3A_691] : memref<4096x128x128xf32, #tpu.memory_space<hbm>> -> memref<2x128x128xf32, #tpu.memory_space<hbm>>
      %dma_start3A_693 = arith.constant 0 : i32
      %dma_start3A_694 = arith.constant 0 : i32
      %dma_start3A_695 = arith.constant 0 : i32
      %dma_start3A_696 = tpu.memref_slice %arg13[%dma_start3A_678, %dma_start3A_693, %dma_start3A_694, %dma_start3A_695] : memref<2x2x128x128xf32, #tpu.memory_space<vmem>> -> memref<1x2x128x128xf32, #tpu.memory_space<vmem>>
      %dma_start3A_697 = tpu.memref_squeeze %dma_start3A_696 : memref<1x2x128x128xf32, #tpu.memory_space<vmem>> -> memref<2x128x128xf32, #tpu.memory_space<vmem>>
      tpu.enqueue_dma source(%dma_start3A_697 : memref<2x128x128xf32, #tpu.memory_space<vmem>>) target(%dma_start3A_692 : memref<2x128x128xf32, #tpu.memory_space<hbm>>) target_semaphore(%dma_start3A_689 : memref<!tpu.dma_semaphore, #tpu.memory_space<semaphore_mem>>)
      %lt3A_698 = arith.constant 31 : i32
      %lt3A_699 = arith.cmpi slt, %scan3A_426, %lt3A_698 : i32
      %convert_element_type3A_700 = arith.extui %lt3A_699 : i1 to i32
      %cond3A_701 = arith.constant 0 : i32
      %cond3A_702 = arith.cmpi ne, %convert_element_type3A_700, %cond3A_701 : i32
      scf.if %cond3A_702 {
        %add3A_704 = arith.constant 2 : i32
        %add3A_705 = arith.addi %add3A_566, %add3A_704 : i32
        %mul3A_706 = arith.constant 2 : i32
        %mul3A_707 = arith.muli %add3A_705, %mul3A_706 : i32
        %add3A_708 = arith.addi %mul3A_2, %mul3A_707 : i32
        %dma_start3A_709 = arith.constant 1 : i32
        %dma_start3A_710 = arith.constant 0 : i32
        %dma_start3A_711 = arith.constant 1 : i32
        %dma_start3A_712 = arith.constant 0 : i32
        %dma_start3A_713 = arith.constant 0 : i32
        %dma_start3A_714 = tpu.memref_slice %arg12[%dma_start3A_709, %dma_start3A_712, %dma_start3A_710, %dma_start3A_713] : memref<2x2x64x128xf32, #tpu.memory_space<vmem>> -> memref<1x2x1x128xf32, #tpu.memory_space<vmem>>
        %dma_start3A_715 = tpu.memref_squeeze %dma_start3A_714 : memref<1x2x1x128xf32, #tpu.memory_space<vmem>> -> memref<2x128xf32, #tpu.memory_space<vmem>>
        %dma_start3A_716 = arith.constant 0 : i32
        %dma_start3A_717 = tpu.memref_slice %arg4[%add3A_708, %dma_start3A_716] : memref<4096x128xf32, #tpu.memory_space<hbm>> -> memref<2x128xf32, #tpu.memory_space<hbm>>
        %dma_start3A_718 = tpu.memref_slice %arg14[%dma_start3A_711] : memref<2x!tpu.dma_semaphore, #tpu.memory_space<semaphore_mem>> -> memref<1x!tpu.dma_semaphore, #tpu.memory_space<semaphore_mem>>
        %dma_start3A_719 = tpu.memref_squeeze %dma_start3A_718 : memref<1x!tpu.dma_semaphore, #tpu.memory_space<semaphore_mem>> -> memref<!tpu.dma_semaphore, #tpu.memory_space<semaphore_mem>>
        %dma_start3A_720 = arith.constant 0 : i32
        %dma_start3A_721 = arith.constant 0 : i32
        %dma_start3A_722 = tpu.memref_slice %arg12[%dma_start3A_709, %dma_start3A_720, %dma_start3A_710, %dma_start3A_721] : memref<2x2x64x128xf32, #tpu.memory_space<vmem>> -> memref<1x2x1x128xf32, #tpu.memory_space<vmem>>
        %dma_start3A_723 = tpu.memref_squeeze %dma_start3A_722 : memref<1x2x1x128xf32, #tpu.memory_space<vmem>> -> memref<2x128xf32, #tpu.memory_space<vmem>>
        %dma_start3A_724 = arith.constant 0 : i32
        %dma_start3A_725 = tpu.memref_slice %arg4[%add3A_708, %dma_start3A_724] : memref<4096x128xf32, #tpu.memory_space<hbm>> -> memref<2x128xf32, #tpu.memory_space<hbm>>
        tpu.enqueue_dma source(%dma_start3A_725 : memref<2x128xf32, #tpu.memory_space<hbm>>) target(%dma_start3A_723 : memref<2x128xf32, #tpu.memory_space<vmem>>) target_semaphore(%dma_start3A_719 : memref<!tpu.dma_semaphore, #tpu.memory_space<semaphore_mem>>)
        %dma_start3A_726 = arith.constant 1 : i32
        %dma_start3A_727 = arith.constant 1 : i32
        %dma_start3A_728 = arith.constant 0 : i32
        %dma_start3A_729 = arith.constant 1 : i32
        %dma_start3A_730 = arith.constant 0 : i32
        %dma_start3A_731 = tpu.memref_slice %arg12[%dma_start3A_726, %dma_start3A_728, %dma_start3A_729, %dma_start3A_730] : memref<2x2x64x128xf32, #tpu.memory_space<vmem>> -> memref<1x2x62x128xf32, #tpu.memory_space<vmem>>
        %dma_start3A_732 = tpu.memref_squeeze %dma_start3A_731 : memref<1x2x62x128xf32, #tpu.memory_space<vmem>> -> memref<2x62x128xf32, #tpu.memory_space<vmem>>
        %dma_start3A_733 = arith.constant 0 : i32
        %dma_start3A_734 = arith.constant 0 : i32
        %dma_start3A_735 = tpu.memref_slice %arg3[%add3A_708, %dma_start3A_733, %dma_start3A_734] : memref<4096x62x128xf32, #tpu.memory_space<hbm>> -> memref<2x62x128xf32, #tpu.memory_space<hbm>>
        %dma_start3A_736 = tpu.memref_slice %arg14[%dma_start3A_727] : memref<2x!tpu.dma_semaphore, #tpu.memory_space<semaphore_mem>> -> memref<1x!tpu.dma_semaphore, #tpu.memory_space<semaphore_mem>>
        %dma_start3A_737 = tpu.memref_squeeze %dma_start3A_736 : memref<1x!tpu.dma_semaphore, #tpu.memory_space<semaphore_mem>> -> memref<!tpu.dma_semaphore, #tpu.memory_space<semaphore_mem>>
        %dma_start3A_738 = arith.constant 0 : i32
        %dma_start3A_739 = arith.constant 1 : i32
        %dma_start3A_740 = arith.constant 0 : i32
        %dma_start3A_741 = tpu.memref_slice %arg12[%dma_start3A_726, %dma_start3A_738, %dma_start3A_739, %dma_start3A_740] : memref<2x2x64x128xf32, #tpu.memory_space<vmem>> -> memref<1x2x62x128xf32, #tpu.memory_space<vmem>>
        %dma_start3A_742 = tpu.memref_squeeze %dma_start3A_741 : memref<1x2x62x128xf32, #tpu.memory_space<vmem>> -> memref<2x62x128xf32, #tpu.memory_space<vmem>>
        %dma_start3A_743 = arith.constant 0 : i32
        %dma_start3A_744 = arith.constant 0 : i32
        %dma_start3A_745 = tpu.memref_slice %arg3[%add3A_708, %dma_start3A_743, %dma_start3A_744] : memref<4096x62x128xf32, #tpu.memory_space<hbm>> -> memref<2x62x128xf32, #tpu.memory_space<hbm>>
        tpu.enqueue_dma source(%dma_start3A_745 : memref<2x62x128xf32, #tpu.memory_space<hbm>>) target(%dma_start3A_742 : memref<2x62x128xf32, #tpu.memory_space<vmem>>) target_semaphore(%dma_start3A_737 : memref<!tpu.dma_semaphore, #tpu.memory_space<semaphore_mem>>)
        %dma_start3A_746 = arith.constant 1 : i32
        %dma_start3A_747 = arith.constant 63 : i32
        %dma_start3A_748 = arith.constant 1 : i32
        %dma_start3A_749 = arith.constant 0 : i32
        %dma_start3A_750 = arith.constant 0 : i32
        %dma_start3A_751 = tpu.memref_slice %arg12[%dma_start3A_746, %dma_start3A_749, %dma_start3A_747, %dma_start3A_750] : memref<2x2x64x128xf32, #tpu.memory_space<vmem>> -> memref<1x2x1x128xf32, #tpu.memory_space<vmem>>
        %dma_start3A_752 = tpu.memref_squeeze %dma_start3A_751 : memref<1x2x1x128xf32, #tpu.memory_space<vmem>> -> memref<2x128xf32, #tpu.memory_space<vmem>>
        %dma_start3A_753 = arith.constant 0 : i32
        %dma_start3A_754 = tpu.memref_slice %arg5[%add3A_708, %dma_start3A_753] : memref<4096x128xf32, #tpu.memory_space<hbm>> -> memref<2x128xf32, #tpu.memory_space<hbm>>
        %dma_start3A_755 = tpu.memref_slice %arg14[%dma_start3A_748] : memref<2x!tpu.dma_semaphore, #tpu.memory_space<semaphore_mem>> -> memref<1x!tpu.dma_semaphore, #tpu.memory_space<semaphore_mem>>
        %dma_start3A_756 = tpu.memref_squeeze %dma_start3A_755 : memref<1x!tpu.dma_semaphore, #tpu.memory_space<semaphore_mem>> -> memref<!tpu.dma_semaphore, #tpu.memory_space<semaphore_mem>>
        %dma_start3A_757 = arith.constant 0 : i32
        %dma_start3A_758 = arith.constant 0 : i32
        %dma_start3A_759 = tpu.memref_slice %arg12[%dma_start3A_746, %dma_start3A_757, %dma_start3A_747, %dma_start3A_758] : memref<2x2x64x128xf32, #tpu.memory_space<vmem>> -> memref<1x2x1x128xf32, #tpu.memory_space<vmem>>
        %dma_start3A_760 = tpu.memref_squeeze %dma_start3A_759 : memref<1x2x1x128xf32, #tpu.memory_space<vmem>> -> memref<2x128xf32, #tpu.memory_space<vmem>>
        %dma_start3A_761 = arith.constant 0 : i32
        %dma_start3A_762 = tpu.memref_slice %arg5[%add3A_708, %dma_start3A_761] : memref<4096x128xf32, #tpu.memory_space<hbm>> -> memref<2x128xf32, #tpu.memory_space<hbm>>
        tpu.enqueue_dma source(%dma_start3A_762 : memref<2x128xf32, #tpu.memory_space<hbm>>) target(%dma_start3A_760 : memref<2x128xf32, #tpu.memory_space<vmem>>) target_semaphore(%dma_start3A_756 : memref<!tpu.dma_semaphore, #tpu.memory_space<semaphore_mem>>)
      } else {
      }
      %scan3A_703 = arith.constant 0 : i32
      scf.yield %scan3A_703 : i32
    }
    %scan3A_382 = arith.constant 32 : i32
    %add3A_383 = arith.constant 124 : i32
    %add3A_384 = arith.addi %mul3A_2, %add3A_383 : i32
    %dma_wait3A = arith.constant 0 : i32
    %dma_wait3A_385 = arith.constant 0 : i32
    %dma_wait3A_386 = arith.constant 0 : i32
    %dma_wait3A_387 = arith.constant 0 : i32
    %dma_wait3A_388 = arith.constant 0 : i32
    %dma_wait3A_389 = tpu.memref_slice %arg13[%dma_wait3A, %dma_wait3A_386, %dma_wait3A_387, %dma_wait3A_388] : memref<2x2x128x128xf32, #tpu.memory_space<vmem>> -> memref<1x2x128x128xf32, #tpu.memory_space<vmem>>
    %dma_wait3A_390 = tpu.memref_squeeze %dma_wait3A_389 : memref<1x2x128x128xf32, #tpu.memory_space<vmem>> -> memref<2x128x128xf32, #tpu.memory_space<vmem>>
    %dma_wait3A_391 = arith.constant 0 : i32
    %dma_wait3A_392 = arith.constant 0 : i32
    %dma_wait3A_393 = tpu.memref_slice %arg7[%add3A_384, %dma_wait3A_391, %dma_wait3A_392] : memref<4096x128x128xf32, #tpu.memory_space<hbm>> -> memref<2x128x128xf32, #tpu.memory_space<hbm>>
    %dma_wait3A_394 = tpu.memref_slice %arg15[%dma_wait3A_385] : memref<2x!tpu.dma_semaphore, #tpu.memory_space<semaphore_mem>> -> memref<1x!tpu.dma_semaphore, #tpu.memory_space<semaphore_mem>>
    %dma_wait3A_395 = tpu.memref_squeeze %dma_wait3A_394 : memref<1x!tpu.dma_semaphore, #tpu.memory_space<semaphore_mem>> -> memref<!tpu.dma_semaphore, #tpu.memory_space<semaphore_mem>>
    %dma_wait3A_396 = arith.constant 0 : i32
    %dma_wait3A_397 = arith.constant 0 : i32
    %dma_wait3A_398 = tpu.memref_slice %arg7[%add3A_384, %dma_wait3A_396, %dma_wait3A_397] : memref<4096x128x128xf32, #tpu.memory_space<hbm>> -> memref<2x128x128xf32, #tpu.memory_space<hbm>>
    %dma_wait3A_399 = arith.constant 0 : i32
    %dma_wait3A_400 = arith.constant 0 : i32
    %dma_wait3A_401 = arith.constant 0 : i32
    %dma_wait3A_402 = tpu.memref_slice %arg13[%dma_wait3A, %dma_wait3A_399, %dma_wait3A_400, %dma_wait3A_401] : memref<2x2x128x128xf32, #tpu.memory_space<vmem>> -> memref<1x2x128x128xf32, #tpu.memory_space<vmem>>
    %dma_wait3A_403 = tpu.memref_squeeze %dma_wait3A_402 : memref<1x2x128x128xf32, #tpu.memory_space<vmem>> -> memref<2x128x128xf32, #tpu.memory_space<vmem>>
    tpu.wait_dma2 semaphore(%dma_wait3A_395 : memref<!tpu.dma_semaphore, #tpu.memory_space<semaphore_mem>>) src(%dma_wait3A_403 : memref<2x128x128xf32, #tpu.memory_space<vmem>>) dst(%dma_wait3A_398 : memref<2x128x128xf32, #tpu.memory_space<hbm>>)
    %add3A_404 = arith.constant 126 : i32
    %add3A_405 = arith.addi %mul3A_2, %add3A_404 : i32
    %dma_wait3A_406 = arith.constant 1 : i32
    %dma_wait3A_407 = arith.constant 1 : i32
    %dma_wait3A_408 = arith.constant 0 : i32
    %dma_wait3A_409 = arith.constant 0 : i32
    %dma_wait3A_410 = arith.constant 0 : i32
    %dma_wait3A_411 = tpu.memref_slice %arg13[%dma_wait3A_406, %dma_wait3A_408, %dma_wait3A_409, %dma_wait3A_410] : memref<2x2x128x128xf32, #tpu.memory_space<vmem>> -> memref<1x2x128x128xf32, #tpu.memory_space<vmem>>
    %dma_wait3A_412 = tpu.memref_squeeze %dma_wait3A_411 : memref<1x2x128x128xf32, #tpu.memory_space<vmem>> -> memref<2x128x128xf32, #tpu.memory_space<vmem>>
    %dma_wait3A_413 = arith.constant 0 : i32
    %dma_wait3A_414 = arith.constant 0 : i32
    %dma_wait3A_415 = tpu.memref_slice %arg7[%add3A_405, %dma_wait3A_413, %dma_wait3A_414] : memref<4096x128x128xf32, #tpu.memory_space<hbm>> -> memref<2x128x128xf32, #tpu.memory_space<hbm>>
    %dma_wait3A_416 = tpu.memref_slice %arg15[%dma_wait3A_407] : memref<2x!tpu.dma_semaphore, #tpu.memory_space<semaphore_mem>> -> memref<1x!tpu.dma_semaphore, #tpu.memory_space<semaphore_mem>>
    %dma_wait3A_417 = tpu.memref_squeeze %dma_wait3A_416 : memref<1x!tpu.dma_semaphore, #tpu.memory_space<semaphore_mem>> -> memref<!tpu.dma_semaphore, #tpu.memory_space<semaphore_mem>>
    %dma_wait3A_418 = arith.constant 0 : i32
    %dma_wait3A_419 = arith.constant 0 : i32
    %dma_wait3A_420 = tpu.memref_slice %arg7[%add3A_405, %dma_wait3A_418, %dma_wait3A_419] : memref<4096x128x128xf32, #tpu.memory_space<hbm>> -> memref<2x128x128xf32, #tpu.memory_space<hbm>>
    %dma_wait3A_421 = arith.constant 0 : i32
    %dma_wait3A_422 = arith.constant 0 : i32
    %dma_wait3A_423 = arith.constant 0 : i32
    %dma_wait3A_424 = tpu.memref_slice %arg13[%dma_wait3A_406, %dma_wait3A_421, %dma_wait3A_422, %dma_wait3A_423] : memref<2x2x128x128xf32, #tpu.memory_space<vmem>> -> memref<1x2x128x128xf32, #tpu.memory_space<vmem>>
    %dma_wait3A_425 = tpu.memref_squeeze %dma_wait3A_424 : memref<1x2x128x128xf32, #tpu.memory_space<vmem>> -> memref<2x128x128xf32, #tpu.memory_space<vmem>>
    tpu.wait_dma2 semaphore(%dma_wait3A_417 : memref<!tpu.dma_semaphore, #tpu.memory_space<semaphore_mem>>) src(%dma_wait3A_425 : memref<2x128x128xf32, #tpu.memory_space<vmem>>) dst(%dma_wait3A_420 : memref<2x128x128xf32, #tpu.memory_space<hbm>>)
    return
  }
}

</mosaic_0001>

<sc_bundles>
// kernel: kernel.3.cloned.1.call-start
scs
__scs_entry_jumppad:
0x0: {  	(pc) =	sbr.rel $0x88, $3  }
0x1: {  	(tag) =	ssettag $0x0;
	lr =	simm.s32 $0x1  }
0x2: {  	[smem:$0x3F9C] =	sst lr;
	_ =	strace $0xD0000000  }
0x3: {  	_ = 	snop  }
0x4: {  	_ = 	snop  }
0x5: {  	_ = 	snop  }
0x6: {  	_ = 	snop  }
0x7: {  	_ = 	snop  }
__scs_overlays_trampoline_lowered:
0x8: {  	[smem:$0x3FAB] =	sst s0  }
0x9: {  	[smem:$0x3FAC] =	sst s1  }
0xa: {  	[smem:$0x3FAD] =	sst s2  }
0xb: {  	[smem:$0x3FAE] =	sst s3  }
0xc: {  	[smem:$0x3FAF] =	sst s4  }
0xd: {  	[smem:$0x3FB0] =	sst s5  }
0xe: {  	[smem:$0x3FB1] =	sst s6  }
0xf: {  	[smem:$0x3FB2] =	sst s7  }
0x10: {  	[smem:$0x3FB3] =	sst s8  }
0x11: {  	[smem:$0x3FB4] =	sst s9;
	s0 =	simm.s32 @!p0 $0x0  }
0x12: {  	s1 =	sld [smem:$0x3F9A];
	s0 =	simm.s32 @p0 $0x1  }
0x13: {  	[smem:$0x3FB5] =	sst s0;
	s0 =	simm.s32 @!p1 $0x0  }
0x14: {  	s2 =	sld [smem:$0x3F99];
	s0 =	simm.s32 @p1 $0x1  }
0x15: {  	[smem:$0x3FB6] =	sst s0;
	s0 =	simm.s32 @!p2 $0x0  }
0x16: {  	s3 =	sld [smem:$0x3FDB];
	s0 =	simm.s32 @p2 $0x1  }
0x17: {  	s4 =	simm.s32 $0x1BF5;
	[smem:$0x3FB8] =	sst s0  }
0x18: {  	s0 =	sld [smem:$0x3F9B];
	_ =	swait.ge [sflag:s4], $0x0  }
0x19: {  	s7 =	sld [smem:$0x3F9C]  }
0x1a: {  	s8 =	sadd.s32 $0xFFFFE003, lr  }
0x1b: {  	s9 =	sadd.s32 $0xFFFFFEF7, lr;
	s5 =	simm.s32 $0xFFFFFFFF;
	p2 =	slt.u32 s8, $0xFFFFF086  }
0x1c: {  	p1 =	slt.u32 s9, $0xF7A;
	s5 =	simm.s32 @!p2 $0x0  }
0x1d: {  	s5 =	simm.s32 @p1 $0x1;
	p0 =	seq.s32 s7, s2  }
0x1e: {  	s7 =	smul.u32 @!p0 $0xF7A, s2;
	p2 =	seq.s32 @!p0 s5, $0x0  }
0x1f: {  	s9 =	smul.u32 $0xF7A, s1;
	s8 =	simm.s32 @!p0 $0x1BF5;
	p2 =	por !p2, p0  }
0x20: {  	[sflag:s8] =	ssyncset.s32 @!p0 $0xFFFFF086;
	s6 =	sadd.s32 @!p0 s3, s7;
	s7 =	simm.s32 @!p0 $0x108  }
0x21: {  	s3 =	sadd.s32 s3, s9;
	s6 =	sadd.s32 @!p0 $0x88, s6;
	s7 =	simm.s32 @p2 $0x1082  }
0x22: {  	[simem:s7], [sflag:s8] =	dma.local @!p0 [hbm:s6], $0xF7A  }
0x23: {  	s9 =	sor.u32 $0xD0000000, s2;
	s6 =	simm.s32 $0x108;
	_ =	swait.ge @!p0 [sflag:s8], $0x0  }
0x24: {  	s3 =	sadd.s32 $0x88, s3;
	s6 =	simm.s32 @!p1 $0x1082;
	[sflag:s4] =	ssyncset.s32 $0xFFFFF086  }
0x25: {  	[simem:s6], [sflag:s4] =	dma.local [hbm:s3], $0xF7A  }
0x26: {  	[smem:$0x3F9C] =	sst s1;
	(tag) =	ssettag s2;
	_ =	strace s9  }
0x27: {  	s1 =	sld [smem:$0x3FAC]  }
0x28: {  	s2 =	sld [smem:$0x3FAD]  }
0x29: {  	s4 =	sld [smem:$0x3FAF]  }
0x2a: {  	p0 =	seq.s32 s5, $0x0;
	s5 =	sld [smem:$0x3FB0]  }
0x2b: {  	s6 =	sld [smem:$0x3FB1]  }
0x2c: {  	s7 =	sld [smem:$0x3FB2]  }
0x2d: {  	s3 =	simm.s32 $0x108;
	s8 =	sld [smem:$0x3FB3]  }
0x2e: {  	s3 =	simm.s32 @!p0 $0x1082;
	s9 =	sld [smem:$0x3FB4]  }
0x2f: {  	lr =	sadd.s32 s0, s3;
	s0 =	sld [smem:$0x3FAB]  }
0x30: {  	s3 =	sld [smem:$0x3FAE]  }
0x31: {  	[smem:$0x3FB7] =	sst s10  }
0x32: {  	s10 =	sld [smem:$0x3FB5];
	_ =	sdelay $0x3  }
0x33: {  	p0 =	seq.s32 s10, $0x1;
	s10 =	sld [smem:$0x3FB7];
	_ =	sdelay $0x3  }
0x34: {  	[smem:$0x3FB7] =	sst s10  }
0x35: {  	s10 =	sld [smem:$0x3FB6];
	_ =	sdelay $0x3  }
0x36: {  	p1 =	seq.s32 s10, $0x1;
	s10 =	sld [smem:$0x3FB7];
	_ =	sdelay $0x3  }
0x37: {  	[smem:$0x3FB7] =	sst s10  }
0x38: {  	s10 =	sld [smem:$0x3FB8]  }
0x39: {  	_ = 	snop;
	(pc) =	sbr.ind lr, $3  }
0x3a: {  	_ = 	snop  }
0x3b: {  	_ = 	snop  }
0x3c: {  	p2 =	seq.s32 s10, $0x1;
	s10 =	sld [smem:$0x3FB7]  }
0x3d: {  	_ =	shalt  }
0x3e: {  	_ =	shalt  }
0x3f: {  	_ =	shalt  }
0x40: {  	_ =	shalt  }
0x41: {  	_ =	shalt  }
0x42: {  	_ =	shalt  }
0x43: {  	_ =	shalt  }
0x44: {  	_ =	shalt  }
0x45: {  	_ =	shalt  }
0x46: {  	_ =	shalt  }
0x47: {  	_ =	shalt  }
0x48: {  	_ =	shalt  }
0x49: {  	_ =	shalt  }
0x4a: {  	_ =	shalt  }
0x4b: {  	_ =	shalt  }
0x4c: {  	_ =	shalt  }
0x4d: {  	_ =	shalt  }
0x4e: {  	_ =	shalt  }
0x4f: {  	_ =	shalt  }
0x50: {  	_ =	shalt  }
0x51: {  	_ =	shalt  }
0x52: {  	_ =	shalt  }
0x53: {  	_ =	shalt  }
0x54: {  	_ =	shalt  }
0x55: {  	_ =	shalt  }
0x56: {  	_ =	shalt  }
0x57: {  	_ =	shalt  }
0x58: {  	_ =	shalt  }
0x59: {  	_ =	shalt  }
0x5a: {  	_ =	shalt  }
0x5b: {  	_ =	shalt  }
0x5c: {  	_ =	shalt  }
0x5d: {  	_ =	shalt  }
0x5e: {  	_ =	shalt  }
0x5f: {  	_ =	shalt  }
0x60: {  	_ =	shalt  }
0x61: {  	_ =	shalt  }
0x62: {  	_ =	shalt  }
0x63: {  	_ =	shalt  }
0x64: {  	_ =	shalt  }
0x65: {  	_ =	shalt  }
0x66: {  	_ =	shalt  }
0x67: {  	_ =	shalt  }
0x68: {  	_ =	shalt  }
0x69: {  	_ =	shalt  }
0x6a: {  	_ =	shalt  }
0x6b: {  	_ =	shalt  }
0x6c: {  	_ =	shalt  }
0x6d: {  	_ =	shalt  }
0x6e: {  	_ =	shalt  }
0x6f: {  	_ =	shalt  }
0x70: {  	_ =	shalt  }
0x71: {  	_ =	shalt  }
0x72: {  	_ =	shalt  }
0x73: {  	_ =	shalt  }
0x74: {  	_ =	shalt  }
0x75: {  	_ =	shalt  }
0x76: {  	_ =	shalt  }
0x77: {  	_ =	shalt  }
0x78: {  	_ =	shalt  }
0x79: {  	_ =	shalt  }
0x7a: {  	_ =	shalt  }
0x7b: {  	_ =	shalt  }
0x7c: {  	_ =	shalt  }
0x7d: {  	_ =	shalt  }
0x7e: {  	_ =	shalt  }
0x7f: {  	_ =	shalt  }
0x80: {  	_ =	shalt  }
0x81: {  	_ =	shalt  }
0x82: {  	_ =	shalt  }
0x83: {  	_ =	shalt  }
0x84: {  	_ =	shalt  }
0x85: {  	_ =	shalt  }
0x86: {  	_ =	shalt  }
0x87: {  	_ =	shalt  }
.Lfunc_end0:
.L_simem_size_0:
called_computation_lowered:
.L_overlay_start_0:
0x88: {  	s2 =	sld [smem:$0x3FD9]  }
0x89: {  	s3 =	sld [smem:$0x3FFE];
	_ =	sdelay $0x1  }
0x8a: {  	s1 =	srdreg.scid  }
0x8b: {  	s0 =	sand.u32 $0x1, s1  }
0x8c: {  	s17 =	sshll.u32 s0, $0xA;
	s2 =	sadd.s32 s3, s2  }
0x8d: {  	s2 =	sadd.s32 s2, s17  }
0x8e: {  	[smem:$0x3FC3] =	sst s2  }
0x8f: {  	_ = 	snop  }
0x90: {  	s2 =	sld [smem:$0x3FC9]  }
0x91: {  	s18 =	sld [smem:$0x3FC7]  }
0x92: {  	s4 =	sld [smem:$0x3FC6]  }
0x93: {  	s5 =	sld [smem:$0x3FD0];
	(tm) =	ssettm $0x1  }
0x94: {  	s6 =	sld [smem:$0x3FFB];
	_ =	sdelay $0x3  }
0x95: {  	_ =	strace s6  }
0x96: {  	s6 =	sld [smem:$0x3FFC];
	_ =	sdelay $0x3  }
0x97: {  	_ =	strace s6  }
0x98: {  	s6 =	sld [smem:$0x3FFD];
	_ =	sdelay $0x3  }
0x99: {  	_ =	strace s6  }
0x9a: {  	_ =	strace $0x8FFFFFFF  }
0x9b: {  	s19 =	sld [smem:$0x3FDB];
	_ =	sdelay $0x1  }
0x9c: {  	s7 =	simm.s32 $_scs_section_size  }
0x9d: {  	s8 =	simm.s32 $_size__tile_overlayer_lowered;
	s9 =	simm.s32 $_tile_overlayer_lowered  }
0x9e: {  	s22 =	simm.s32 $0x1BFF;
	s21 =	sshll.u32 s9, $0x1;
	s6 =	sadd.s32 s7, s19  }
0x9f: {  	s10 =	simm.s32 $0x0;
	s20 =	sshll.u32 s8, $0x1;
	s8 =	sadd.s32 s21, s6  }
0xa0: {  	[timem:s10], [sflag:s22] =	dma.local [hbm:s8], s20  }
0xa1: {  	_ =	swait.ge [sflag:s22], s20  }
0xa2: {  	s7 =	ssub.s32 $0x0, s20;
	[sflag:s22] =	ssyncset.done $0x0  }
0xa3: {  	[sflag:s22] =	ssyncadd.s32 s7;
	_ =	sdelay $0x1  }
0xa4: {  	s23 =	simm.s32 $0x1B8B  }
0xa5: {  	_ =	swait.ge [sflag:s23], $0x1  }
0xa6: {  	[sflag:s23] =	ssyncset.done $0x0  }
0xa7: {  	s25 =	simm.s32 $0x1B8E;
	s24 =	sld [smem:$0x3FFE];
	[sflag:s23] =	ssyncadd.s32 $0xFFFFFFFF  }
0xa8: {  	s26 =	simm.s32 $execute0_lowered;
	[smem:$0x3FD2] =	sst s25  }
0xa9: {  	s8 =	sshll.u32 s26, $0x1;
	_ =	strace $0x80000046;
	[dreg:$0x1] =	wrdreg $0xFFFFFFFF  }
0xaa: {  	s28 =	simm.s32 $_size_execute0_lowered;
	s6 =	sadd.s32 s6, s8;
	[dreg:$0x0] =	wrdreg $0x0  }
0xab: {  	s8 =	sshll.u32 s28, $0x1;
	[dreg:$0x2] =	wrdreg s6  }
0xac: {  	[dreg:$0x3] =	wrdreg s8  }
0xad: {  	[dreg:$0x4] =	wrdreg $0xC0  }
0xae: {  	_ =	task [dreg:s10], $0x5FFFF  }
0xaf: {  	[dreg:$0x1] =	wrdreg $0xFFFFFFFF  }
0xb0: {  	[dreg:$0x0] =	wrdreg $0x60  }
0xb1: {  	[dreg:$0x2] =	wrdreg s2  }
0xb2: {  	[dreg:$0x3] =	wrdreg s24  }
0xb3: {  	[dreg:$0x4] =	wrdreg s18  }
0xb4: {  	[dreg:$0x5] =	wrdreg s4  }
0xb5: {  	[dreg:$0x6] =	wrdreg s5  }
0xb6: {  	[dreg:$0x7] =	wrdreg $0x9  }
0xb7: {  	_ =	task.clear_ibuf [dreg:s10], $0x8FFFF;
	_ =	strace $0x90000046  }
0xb8: {  	s29 =	simm.s32 $0x9;
	_ =	strace $0x80000048  }
0xb9: {  	_ =	swait.ge [sflag:s29], $0x1  }
0xba: {  	[sflag:s29] =	ssyncadd.s32 $0xFFFFFFFF  }
0xbb: {  	_ =	strace $0x90000048  }
0xbc: {  	_ =	sfence  }
0xbd: {  	s30 =	sld [smem:$0x0];
	_ =	sdelay $0x2  }
0xbe: {  	s31 =	sshll.u32 s1, $0xD;
	s1 =	sshrl.u32 s1, $0x2  }
0xbf: {  	s3 =	sand.u32 $0x4000, s31;
	s1 =	sadd.s32 s1, s30  }
0xc0: {  	s0 =	sor.u32 s3, s0;
	s1 =	sshll.u32 s1, $0x11  }
0xc1: {  	s0 =	sor.u32 s1, s0  }
0xc2: {  	s0 =	sadd.s32 $0x8F2B, s0  }
0xc3: {  	[sflag:s0] =	ssyncadd.remote.s32 $0x1  }
0xc4: {  	_ =	sfence.sel $0xFFFF  }
0xc5: {  	[dreg:$0x0] =	wrdreg $0xFFFFFFFF;
	(pc) =	sbr.abs _section_cstart, $3  }
0xc6: {  	[dreg:$0x1] =	wrdreg $0xFFFFFFFF  }
0xc7: {  	_ =	task.clear_ibuf [dreg:s10], $0x2FFFF;
	_ =	strace $0x9FFFFFFF  }
0xc8: {  	(tm) =	ssettm $0x7FFFFFFF  }
0xc9: {  	_ =	shalt  }
tec
execute0_lowered:
.L_overlay_start_1:
0x0: {  	(tag) =	ssettag $0x1  }
0x1: {  	s3 =	rddreg [dreg:$0x1]  }
0x2: {  	s4 =	rddreg [dreg:$0x2]  }
0x3: {  	s5 =	rddreg [dreg:$0x3]  }
0x4: {  	s6 =	rddreg [dreg:$0x4];
	s0 =	srdreg.scid  }
0x5: {  	s16 =	simm.s32 $0x0;
	s1 =	stileid.u32;
	s28 =	simm.s32 $0x6200  }
0x6: {  	s29 =	simm.s32 $0x4280;
	s30 =	simm.s32 $0x6280;
	s19 =	simm.s32 $0x13200  }
0x7: {  	s17 =	simm.s32 $0x15A00;
	s10 =	simm.s32 $0x16200;
	s12 =	simm.s32 $0x16A00  }
0x8: {  	s13 =	simm.s32 $0x17200;
	s14 =	simm.s32 $0x17A00;
	s0 =	sand.u32 $0x1, s0  }
0x9: {  	[smem:$0x7FF] =	sst s16;
	s1 =	sshll.u32 s1, $0x8;
	s3 =	sadd.s32 $0x200, s3  }
0xa: {  	s2 =	sshll.u32 s0, $0x7;
	_ =	strace $0x80000047;
	s0 =	ssub.s32 $0x2, s0  }
0xb: {  	[dreg:$0x7] =	wrdreg s3;
	s7 =	sor.u32 s2, s1;
	s20 =	sshrl.u32 s0, $0x1  }
0xc: {  	s2 =	sshll.u32 s7, $0x4;
	s0 =	ssub.s32 s0, s20;
	s22 =	sshll.u32 s7, $0xA  }
0xd: {  	[dreg:$0x6] =	wrdreg s7;
	s26 =	sshll.u32 s7, $0xB;
	s20 =	simm.s32 $0x200  }
0xe: {  	s7 =	simm.s32 $0x11A00;
	s21 =	sadd.s32 s4, s2;
	s3 =	sadd.s32 s3, s22  }
0xf: {  	s23 =	sadd.s32 s5, s2;
	s24 =	sor.u32 $0x20, s2;
	[dreg:$0x8] =	wrdreg s21  }
0x10: {  	s31 =	sadd.s32 s6, s26;
	s0 =	smax.u32 s0, $0x1;
	[dreg:$0xa] =	wrdreg s23  }
0x11: {  	s22 =	simm.s32 $0x280;
	s26 =	simm.s32 $0x4200;
	[dreg:$0x9] =	wrdreg s3  }
0x12: {  	s2 =	sadd.s32 s4, s24;
	s25 =	sadd.s32 $0x800, s3;
	[dreg:$0xe] =	wrdreg s31  }
.Ltmp0:
0x13: {  	s1 =	sadd.s32 s5, s24;
	[dreg:$0xf] =	wrdreg s0;
	(pc) =	sbr.rel .LBB2_1-.Ltmp0, $4  }
0x14: {  	s21 =	simm.s32 $0x2200;
	s23 =	simm.s32 $0x2280;
	[dreg:$0xb] =	wrdreg s2  }
0x15: {  	s5 =	simm.s32 $0x12200;
	s4 =	simm.s32 $0x12A00;
	[dreg:$0xc] =	wrdreg s25  }
0x16: {  	s24 =	simm.s32 $0x14200;
	s3 =	simm.s32 $0x0;
	[dreg:$0xd] =	wrdreg s1  }
0x17: {  	v0 =	vimm.s32 $0x0;
	v1 =	vlaneseq.u32;
	s1 =	simm.s32 $0x13A00;
	s25 =	simm.s32 $0x14A00;
	s2 =	simm.s32 $0x15200  }
.LBB2_28:
0x18: {  	s0 =	simm.s32 $0x3  }
0x19: {  	_ =	swait.ge [sflag:s0], $0x8000  }
0x1a: {  	[sflag:s0] =	ssyncset.done $0x0  }
0x1b: {  	s31 =	simm.s32 $0x4;
	[sflag:s0] =	ssyncadd.s32 $0xFFFF8000  }
0x1c: {  	_ =	swait.ge [sflag:s31], $0x8000  }
0x1d: {  	s3 =	rddreg [dreg:$0x10]  }
0x1e: {  	s11 =	rddreg [dreg:$0xf];
	s3 =	sadd.s32 $0x1, s3  }
0x1f: {  	p0 =	sne.s32 s3, s11  }
.Ltmp1:
0x20: {  	_ = 	snop;
	(pc) =	sbr.rel @!p0 .LBB2_29-.Ltmp1, $3  }
0x21: {  	_ =	sdelay $0x1  }
0x22: {  	[sflag:s31] =	ssyncset.done $0x0  }
0x23: {  	[sflag:s31] =	ssyncadd.s32 $0xFFFF8000  }
.LBB2_1:
0x24: {  	[dreg:$0x10] =	wrdreg s3  }
0x25: {  	s11 =	rddreg [dreg:$0x0];
	s0 =	simm.s32 $0x5  }
0x26: {  	[tilespmem:s16], [sflag:$0x5] =	stream.linear.gather [hbm4b:s11+s16], $0x80, $0x38;
	[tilespmem:$0x18200] =	vst v63  }
0x27: {  	_ =	swait.ge [sflag:s0], $0x80  }
0x28: {  	[sflag:s0] =	ssyncset.done $0x0  }
0x29: {  	[sflag:s0] =	ssyncadd.s32 $0xFFFFFF80  }
0x2a: {  	s15 =	simm.s32 $0x80;
	s18 =	rddreg [dreg:$0x1]  }
0x2b: {  	v3 =	vmov s16;
	[tilespmem:s15], [sflag:$0x5] =	stream.linear.gather [hbm4b:s18+s16], $0x80, $0x38;
	[tilespmem:$0x18200] =	vst v63  }
0x2c: {  	_ =	swait.ge [sflag:s0], $0x80  }
0x2d: {  	[sflag:s0] =	ssyncset.done $0x0  }
0x2e: {  	[sflag:s0] =	ssyncadd.s32 $0xFFFFFF80  }
0x2f: {  	s31 =	simm.s32 $0x1;
	s15 =	simm.s32 $0x80;
	v2 =	vld [tilespmem:$0x0]  }
0x30: {  	v4 =	vmov s31;
	v3 =	vld.idx.msk [tilespmem:v3+s15+$0x0], $0xffff;
	_ =	sdelay $0x4  }
0x31: {  	s11 =	simm.s32 $0x2;
	v4 =	vld.idx.msk [tilespmem:v4+s15+$0x0], $0xffff;
	vm0 =	vlt.f32 v3, v2;
	v3 =	vimm.s32 $0x0  }
.LBB2_2:
0x32: {  	v5 =	vmov s11;
	p0 =	sne.s32 s11, $0x3F;
	s11 =	sadd.s32 $0x1, s11;
	v6 =	vsel vm0, $0x1, v0  }
.Ltmp2:
0x33: {  	v3 =	vadd.s32 v6, v3;
	(pc) =	sbr.rel @p0 .LBB2_2-.Ltmp2, $2  }
0x34: {  	_ =	sdelay $0x2  }
0x35: {  	vm0 =	vlt.f32 v4, v2;
	v4 =	vld.idx.msk [tilespmem:v5+s15+$0x0], $0xffff  }
0x36: {  	_ =	sdelay $0x3  }
0x37: {  	v5 =	vsel vm0, $0x1, v0;
	vm0 =	vlt.f32 v4, v2  }
0x38: {  	v3 =	vadd.s32 v5, v3;
	v4 =	vsel vm0, $0x1, v0  }
0x39: {  	v3 =	vadd.s32 v4, v3  }
0x3a: {  	v3 =	vadd.s32 $0xFFFFFFFF, v3  }
0x3b: {  	vm0 =	vgt.s32 v3, $0x0  }
0x3c: {  	v3 =	vnsel vm0, $0x0, v3  }
0x3d: {  	v3 =	vmin.u32 v3, $0x3E  }
0x3e: {  	v4 =	vadd.s32 $0x1, v3;
	_ =	sdelay $0x3  }
0x3f: {  	v5 =	vld.idx.msk [tilespmem:v3+s15+$0x0], $0xffff  }
0x40: {  	v4 =	vld.idx.msk [tilespmem:v4+s15+$0x0], $0xffff;
	_ =	sdelay $0x4  }
0x41: {  	v4 =	vsub.f32 v4, v5;
	_ =	sdelay $0x1  }
0x42: {  	v4 =	vadd.f32 $1.000000010e-10, v4;
	_ =	sdelay $0x1  }
0x43: {  	(erf) = vrcp.f32 v4;
	_ =	sdelay $0x6  }
0x44: {  	s11 =	simm.s32 $0x0  }
0x45: {  	v2 =	vsub.f32 v2, v5;
	v4 =	vmov s11  }
0x46: {  	v5 =	vpop (erf)  }
0x47: {  	v2 =	vmul.f32 v5, v2  }
0x48: {  	[tilespmem:$0x100] =	vst v3  }
0x49: {  	s31 =	simm.s32 $0x1;
	[tilespmem:$0x180] =	vst v2;
	v2 =	vld [tilespmem:$0x10]  }
0x4a: {  	v5 =	vld.idx.msk [tilespmem:v4+s15+$0x0], $0xffff;
	v4 =	vmov s31;
	_ =	sdelay $0x4  }
0x4b: {  	v3 =	vimm.s32 $0x0;
	s11 =	simm.s32 $0x2;
	v4 =	vld.idx.msk [tilespmem:v4+s15+$0x0], $0xffff;
	vm0 =	vlt.f32 v5, v2  }
.LBB2_4:
0x4c: {  	v5 =	vmov s11;
	p0 =	sne.s32 s11, $0x3F;
	s11 =	sadd.s32 $0x1, s11;
	v6 =	vsel vm0, $0x1, v0  }
.Ltmp3:
0x4d: {  	v3 =	vadd.s32 v6, v3;
	(pc) =	sbr.rel @p0 .LBB2_4-.Ltmp3, $2  }
0x4e: {  	_ =	sdelay $0x2  }
0x4f: {  	vm0 =	vlt.f32 v4, v2;
	v4 =	vld.idx.msk [tilespmem:v5+s15+$0x0], $0xffff  }
0x50: {  	_ =	sdelay $0x3  }
0x51: {  	v5 =	vsel vm0, $0x1, v0;
	vm0 =	vlt.f32 v4, v2  }
0x52: {  	v3 =	vadd.s32 v5, v3;
	v4 =	vsel vm0, $0x1, v0  }
0x53: {  	v3 =	vadd.s32 v4, v3  }
0x54: {  	v3 =	vadd.s32 $0xFFFFFFFF, v3  }
0x55: {  	vm0 =	vgt.s32 v3, $0x0  }
0x56: {  	v3 =	vnsel vm0, $0x0, v3  }
0x57: {  	v3 =	vmin.u32 v3, $0x3E  }
0x58: {  	v4 =	vadd.s32 $0x1, v3;
	_ =	sdelay $0x3  }
0x59: {  	v5 =	vld.idx.msk [tilespmem:v3+s15+$0x0], $0xffff  }
0x5a: {  	v4 =	vld.idx.msk [tilespmem:v4+s15+$0x0], $0xffff;
	_ =	sdelay $0x4  }
0x5b: {  	v4 =	vsub.f32 v4, v5;
	_ =	sdelay $0x1  }
0x5c: {  	v4 =	vadd.f32 $1.000000010e-10, v4;
	_ =	sdelay $0x1  }
0x5d: {  	(erf) = vrcp.f32 v4;
	_ =	sdelay $0x6  }
0x5e: {  	s11 =	simm.s32 $0x0  }
0x5f: {  	v2 =	vsub.f32 v2, v5;
	v4 =	vmov s11  }
0x60: {  	v5 =	vpop (erf)  }
0x61: {  	v2 =	vmul.f32 v5, v2  }
0x62: {  	[tilespmem:$0x110] =	vst v3  }
0x63: {  	s31 =	simm.s32 $0x1;
	[tilespmem:$0x190] =	vst v2;
	v2 =	vld [tilespmem:$0x20]  }
0x64: {  	v5 =	vld.idx.msk [tilespmem:v4+s15+$0x0], $0xffff;
	v4 =	vmov s31;
	_ =	sdelay $0x4  }
0x65: {  	v3 =	vimm.s32 $0x0;
	s11 =	simm.s32 $0x2;
	v4 =	vld.idx.msk [tilespmem:v4+s15+$0x0], $0xffff;
	vm0 =	vlt.f32 v5, v2  }
.LBB2_6:
0x66: {  	v5 =	vmov s11;
	p0 =	sne.s32 s11, $0x3F;
	s11 =	sadd.s32 $0x1, s11;
	v6 =	vsel vm0, $0x1, v0  }
.Ltmp4:
0x67: {  	v3 =	vadd.s32 v6, v3;
	(pc) =	sbr.rel @p0 .LBB2_6-.Ltmp4, $2  }
0x68: {  	_ =	sdelay $0x2  }
0x69: {  	vm0 =	vlt.f32 v4, v2;
	v4 =	vld.idx.msk [tilespmem:v5+s15+$0x0], $0xffff  }
0x6a: {  	_ =	sdelay $0x3  }
0x6b: {  	v5 =	vsel vm0, $0x1, v0;
	vm0 =	vlt.f32 v4, v2  }
0x6c: {  	v3 =	vadd.s32 v5, v3;
	v4 =	vsel vm0, $0x1, v0  }
0x6d: {  	v3 =	vadd.s32 v4, v3  }
0x6e: {  	v3 =	vadd.s32 $0xFFFFFFFF, v3  }
0x6f: {  	vm0 =	vgt.s32 v3, $0x0  }
0x70: {  	v3 =	vnsel vm0, $0x0, v3  }
0x71: {  	v3 =	vmin.u32 v3, $0x3E  }
0x72: {  	v4 =	vadd.s32 $0x1, v3;
	_ =	sdelay $0x3  }
0x73: {  	v5 =	vld.idx.msk [tilespmem:v3+s15+$0x0], $0xffff  }
0x74: {  	v4 =	vld.idx.msk [tilespmem:v4+s15+$0x0], $0xffff;
	_ =	sdelay $0x4  }
0x75: {  	v4 =	vsub.f32 v4, v5;
	_ =	sdelay $0x1  }
0x76: {  	v4 =	vadd.f32 $1.000000010e-10, v4;
	_ =	sdelay $0x1  }
0x77: {  	(erf) = vrcp.f32 v4;
	_ =	sdelay $0x6  }
0x78: {  	s11 =	simm.s32 $0x0  }
0x79: {  	v2 =	vsub.f32 v2, v5;
	v4 =	vmov s11  }
0x7a: {  	v5 =	vpop (erf)  }
0x7b: {  	v2 =	vmul.f32 v5, v2  }
0x7c: {  	[tilespmem:$0x120] =	vst v3  }
0x7d: {  	s31 =	simm.s32 $0x1;
	[tilespmem:$0x1A0] =	vst v2;
	v2 =	vld [tilespmem:$0x30]  }
0x7e: {  	v5 =	vld.idx.msk [tilespmem:v4+s15+$0x0], $0xffff;
	v4 =	vmov s31;
	_ =	sdelay $0x4  }
0x7f: {  	v3 =	vimm.s32 $0x0;
	s11 =	simm.s32 $0x2;
	v4 =	vld.idx.msk [tilespmem:v4+s15+$0x0], $0xffff;
	vm0 =	vlt.f32 v5, v2  }
.LBB2_8:
0x80: {  	v5 =	vmov s11;
	p0 =	sne.s32 s11, $0x3F;
	s11 =	sadd.s32 $0x1, s11;
	v6 =	vsel vm0, $0x1, v0  }
.Ltmp5:
0x81: {  	v3 =	vadd.s32 v6, v3;
	(pc) =	sbr.rel @p0 .LBB2_8-.Ltmp5, $2  }
0x82: {  	_ =	sdelay $0x2  }
0x83: {  	vm0 =	vlt.f32 v4, v2;
	v4 =	vld.idx.msk [tilespmem:v5+s15+$0x0], $0xffff  }
0x84: {  	_ =	sdelay $0x3  }
0x85: {  	v5 =	vsel vm0, $0x1, v0;
	vm0 =	vlt.f32 v4, v2  }
0x86: {  	v3 =	vadd.s32 v5, v3;
	v4 =	vsel vm0, $0x1, v0  }
0x87: {  	v3 =	vadd.s32 v4, v3  }
0x88: {  	v3 =	vadd.s32 $0xFFFFFFFF, v3  }
0x89: {  	vm0 =	vgt.s32 v3, $0x0  }
0x8a: {  	v3 =	vnsel vm0, $0x0, v3  }
0x8b: {  	v3 =	vmin.u32 v3, $0x3E  }
0x8c: {  	v4 =	vadd.s32 $0x1, v3;
	_ =	sdelay $0x3  }
0x8d: {  	v5 =	vld.idx.msk [tilespmem:v3+s15+$0x0], $0xffff  }
0x8e: {  	v4 =	vld.idx.msk [tilespmem:v4+s15+$0x0], $0xffff;
	_ =	sdelay $0x4  }
0x8f: {  	v4 =	vsub.f32 v4, v5;
	_ =	sdelay $0x1  }
0x90: {  	v4 =	vadd.f32 $1.000000010e-10, v4;
	_ =	sdelay $0x1  }
0x91: {  	(erf) = vrcp.f32 v4;
	_ =	sdelay $0x6  }
0x92: {  	s11 =	simm.s32 $0x0  }
0x93: {  	v2 =	vsub.f32 v2, v5;
	v4 =	vmov s11  }
0x94: {  	v5 =	vpop (erf)  }
0x95: {  	v2 =	vmul.f32 v5, v2  }
0x96: {  	[tilespmem:$0x130] =	vst v3  }
0x97: {  	s31 =	simm.s32 $0x1;
	[tilespmem:$0x1B0] =	vst v2;
	v2 =	vld [tilespmem:$0x40]  }
0x98: {  	v5 =	vld.idx.msk [tilespmem:v4+s15+$0x0], $0xffff;
	v4 =	vmov s31;
	_ =	sdelay $0x4  }
0x99: {  	v3 =	vimm.s32 $0x0;
	s11 =	simm.s32 $0x2;
	v4 =	vld.idx.msk [tilespmem:v4+s15+$0x0], $0xffff;
	vm0 =	vlt.f32 v5, v2  }
.LBB2_10:
0x9a: {  	v5 =	vmov s11;
	p0 =	sne.s32 s11, $0x3F;
	s11 =	sadd.s32 $0x1, s11;
	v6 =	vsel vm0, $0x1, v0  }
.Ltmp6:
0x9b: {  	v3 =	vadd.s32 v6, v3;
	(pc) =	sbr.rel @p0 .LBB2_10-.Ltmp6, $2  }
0x9c: {  	_ =	sdelay $0x2  }
0x9d: {  	vm0 =	vlt.f32 v4, v2;
	v4 =	vld.idx.msk [tilespmem:v5+s15+$0x0], $0xffff  }
0x9e: {  	_ =	sdelay $0x3  }
0x9f: {  	v5 =	vsel vm0, $0x1, v0;
	vm0 =	vlt.f32 v4, v2  }
0xa0: {  	v3 =	vadd.s32 v5, v3;
	v4 =	vsel vm0, $0x1, v0  }
0xa1: {  	v3 =	vadd.s32 v4, v3  }
0xa2: {  	v3 =	vadd.s32 $0xFFFFFFFF, v3  }
0xa3: {  	vm0 =	vgt.s32 v3, $0x0  }
0xa4: {  	v3 =	vnsel vm0, $0x0, v3  }
0xa5: {  	v3 =	vmin.u32 v3, $0x3E  }
0xa6: {  	v4 =	vadd.s32 $0x1, v3;
	_ =	sdelay $0x3  }
0xa7: {  	v5 =	vld.idx.msk [tilespmem:v3+s15+$0x0], $0xffff  }
0xa8: {  	v4 =	vld.idx.msk [tilespmem:v4+s15+$0x0], $0xffff;
	_ =	sdelay $0x4  }
0xa9: {  	v4 =	vsub.f32 v4, v5;
	_ =	sdelay $0x1  }
0xaa: {  	v4 =	vadd.f32 $1.000000010e-10, v4;
	_ =	sdelay $0x1  }
0xab: {  	(erf) = vrcp.f32 v4;
	_ =	sdelay $0x6  }
0xac: {  	s11 =	simm.s32 $0x0  }
0xad: {  	v2 =	vsub.f32 v2, v5;
	v4 =	vmov s11  }
0xae: {  	v5 =	vpop (erf)  }
0xaf: {  	v2 =	vmul.f32 v5, v2  }
0xb0: {  	[tilespmem:$0x140] =	vst v3  }
0xb1: {  	s31 =	simm.s32 $0x1;
	[tilespmem:$0x1C0] =	vst v2;
	v2 =	vld [tilespmem:$0x50]  }
0xb2: {  	v5 =	vld.idx.msk [tilespmem:v4+s15+$0x0], $0xffff;
	v4 =	vmov s31;
	_ =	sdelay $0x4  }
0xb3: {  	v3 =	vimm.s32 $0x0;
	s11 =	simm.s32 $0x2;
	v4 =	vld.idx.msk [tilespmem:v4+s15+$0x0], $0xffff;
	vm0 =	vlt.f32 v5, v2  }
.LBB2_12:
0xb4: {  	v5 =	vmov s11;
	p0 =	sne.s32 s11, $0x3F;
	s11 =	sadd.s32 $0x1, s11;
	v6 =	vsel vm0, $0x1, v0  }
.Ltmp7:
0xb5: {  	v3 =	vadd.s32 v6, v3;
	(pc) =	sbr.rel @p0 .LBB2_12-.Ltmp7, $2  }
0xb6: {  	_ =	sdelay $0x2  }
0xb7: {  	vm0 =	vlt.f32 v4, v2;
	v4 =	vld.idx.msk [tilespmem:v5+s15+$0x0], $0xffff  }
0xb8: {  	_ =	sdelay $0x3  }
0xb9: {  	v5 =	vsel vm0, $0x1, v0;
	vm0 =	vlt.f32 v4, v2  }
0xba: {  	v3 =	vadd.s32 v5, v3;
	v4 =	vsel vm0, $0x1, v0  }
0xbb: {  	v3 =	vadd.s32 v4, v3  }
0xbc: {  	v3 =	vadd.s32 $0xFFFFFFFF, v3  }
0xbd: {  	vm0 =	vgt.s32 v3, $0x0  }
0xbe: {  	v3 =	vnsel vm0, $0x0, v3  }
0xbf: {  	v3 =	vmin.u32 v3, $0x3E  }
0xc0: {  	v4 =	vadd.s32 $0x1, v3;
	_ =	sdelay $0x3  }
0xc1: {  	v5 =	vld.idx.msk [tilespmem:v3+s15+$0x0], $0xffff  }
0xc2: {  	v4 =	vld.idx.msk [tilespmem:v4+s15+$0x0], $0xffff;
	_ =	sdelay $0x4  }
0xc3: {  	v4 =	vsub.f32 v4, v5;
	_ =	sdelay $0x1  }
0xc4: {  	v4 =	vadd.f32 $1.000000010e-10, v4;
	_ =	sdelay $0x1  }
0xc5: {  	(erf) = vrcp.f32 v4;
	_ =	sdelay $0x6  }
0xc6: {  	s11 =	simm.s32 $0x0  }
0xc7: {  	v2 =	vsub.f32 v2, v5;
	v4 =	vmov s11  }
0xc8: {  	v5 =	vpop (erf)  }
0xc9: {  	v2 =	vmul.f32 v5, v2  }
0xca: {  	[tilespmem:$0x150] =	vst v3  }
0xcb: {  	s31 =	simm.s32 $0x1;
	[tilespmem:$0x1D0] =	vst v2;
	v2 =	vld [tilespmem:$0x60]  }
0xcc: {  	v5 =	vld.idx.msk [tilespmem:v4+s15+$0x0], $0xffff;
	v4 =	vmov s31;
	_ =	sdelay $0x4  }
0xcd: {  	v3 =	vimm.s32 $0x0;
	s11 =	simm.s32 $0x2;
	v4 =	vld.idx.msk [tilespmem:v4+s15+$0x0], $0xffff;
	vm0 =	vlt.f32 v5, v2  }
.LBB2_14:
0xce: {  	v5 =	vmov s11;
	p0 =	sne.s32 s11, $0x3F;
	s11 =	sadd.s32 $0x1, s11;
	v6 =	vsel vm0, $0x1, v0  }
.Ltmp8:
0xcf: {  	v3 =	vadd.s32 v6, v3;
	(pc) =	sbr.rel @p0 .LBB2_14-.Ltmp8, $2  }
0xd0: {  	_ =	sdelay $0x2  }
0xd1: {  	vm0 =	vlt.f32 v4, v2;
	v4 =	vld.idx.msk [tilespmem:v5+s15+$0x0], $0xffff  }
0xd2: {  	_ =	sdelay $0x3  }
0xd3: {  	v5 =	vsel vm0, $0x1, v0;
	vm0 =	vlt.f32 v4, v2  }
0xd4: {  	v3 =	vadd.s32 v5, v3;
	v4 =	vsel vm0, $0x1, v0  }
0xd5: {  	v3 =	vadd.s32 v4, v3  }
0xd6: {  	v3 =	vadd.s32 $0xFFFFFFFF, v3  }
0xd7: {  	vm0 =	vgt.s32 v3, $0x0  }
0xd8: {  	v3 =	vnsel vm0, $0x0, v3  }
0xd9: {  	v3 =	vmin.u32 v3, $0x3E  }
0xda: {  	v4 =	vadd.s32 $0x1, v3;
	_ =	sdelay $0x3  }
0xdb: {  	v5 =	vld.idx.msk [tilespmem:v3+s15+$0x0], $0xffff  }
0xdc: {  	v4 =	vld.idx.msk [tilespmem:v4+s15+$0x0], $0xffff;
	_ =	sdelay $0x4  }
0xdd: {  	v4 =	vsub.f32 v4, v5;
	_ =	sdelay $0x1  }
0xde: {  	v4 =	vadd.f32 $1.000000010e-10, v4;
	_ =	sdelay $0x1  }
0xdf: {  	(erf) = vrcp.f32 v4;
	_ =	sdelay $0x6  }
0xe0: {  	s11 =	simm.s32 $0x0  }
0xe1: {  	v2 =	vsub.f32 v2, v5;
	v4 =	vmov s11  }
0xe2: {  	v5 =	vpop (erf)  }
0xe3: {  	v2 =	vmul.f32 v5, v2  }
0xe4: {  	[tilespmem:$0x160] =	vst v3  }
0xe5: {  	s31 =	simm.s32 $0x1;
	[tilespmem:$0x1E0] =	vst v2;
	v2 =	vld [tilespmem:$0x70]  }
0xe6: {  	v5 =	vld.idx.msk [tilespmem:v4+s15+$0x0], $0xffff;
	v4 =	vmov s31;
	_ =	sdelay $0x4  }
0xe7: {  	v3 =	vimm.s32 $0x0;
	s11 =	simm.s32 $0x2;
	v4 =	vld.idx.msk [tilespmem:v4+s15+$0x0], $0xffff;
	vm0 =	vlt.f32 v5, v2  }
.LBB2_16:
0xe8: {  	v5 =	vmov s11;
	p0 =	sne.s32 s11, $0x3F;
	s11 =	sadd.s32 $0x1, s11;
	v6 =	vsel vm0, $0x1, v0  }
.Ltmp9:
0xe9: {  	v3 =	vadd.s32 v6, v3;
	(pc) =	sbr.rel @p0 .LBB2_16-.Ltmp9, $2  }
0xea: {  	_ =	sdelay $0x2  }
0xeb: {  	vm0 =	vlt.f32 v4, v2;
	v4 =	vld.idx.msk [tilespmem:v5+s15+$0x0], $0xffff  }
0xec: {  	_ =	sdelay $0x3  }
0xed: {  	v5 =	vsel vm0, $0x1, v0;
	vm14 =	vlt.f32 v4, v2  }
0xee: {  	v3 =	vadd.s32 v5, v3;
	v4 =	vsel vm14, $0x1, v0  }
0xef: {  	v3 =	vadd.s32 v4, v3  }
0xf0: {  	v3 =	vadd.s32 $0xFFFFFFFF, v3  }
0xf1: {  	vm15 =	vgt.s32 v3, $0x0  }
0xf2: {  	v3 =	vnsel vm15, $0x0, v3  }
0xf3: {  	v3 =	vmin.u32 v3, $0x3E  }
0xf4: {  	v62 =	vadd.s32 $0x1, v3;
	_ =	sdelay $0x3  }
0xf5: {  	v63 =	vld.idx.msk [tilespmem:v3+s15+$0x0], $0xffff  }
0xf6: {  	v4 =	vld.idx.msk [tilespmem:v62+s15+$0x0], $0xffff;
	_ =	sdelay $0x4  }
0xf7: {  	v4 =	vsub.f32 v4, v63;
	_ =	sdelay $0x1  }
0xf8: {  	v4 =	vadd.f32 $1.000000010e-10, v4;
	_ =	sdelay $0x1  }
0xf9: {  	(erf) = vrcp.f32 v4;
	_ =	sdelay $0x7  }
0xfa: {  	v2 =	vsub.f32 v2, v63  }
0xfb: {  	v4 =	vpop (erf)  }
0xfc: {  	v2 =	vmul.f32 v4, v2  }
0xfd: {  	[tilespmem:$0x170] =	vst v3  }
0xfe: {  	s0 =	simm.s32 $0x0;
	s11 =	rddreg [dreg:$0x8];
	[tilespmem:$0x1F0] =	vst v2  }
0xff: {  	[tilespmem:s20], [sflag:$0x1] =	stream.linear.gather [hbm4b:s11+s0], $0x80, $0x38;
	[tilespmem:$0x18200] =	vst v63  }
0x100: {  	s11 =	sadd.s32 $0x10, s11  }
0x101: {  	[tilespmem:s21], [sflag:$0x1] =	stream.linear.gather [hbm4b:s11+s0], $0x80, $0x38;
	[tilespmem:$0x18200] =	vst v63  }
0x102: {  	s31 =	rddreg [dreg:$0x9]  }
0x103: {  	[tilespmem:s22], [sflag:$0x1] =	stream.linear.gather [hbm4b:s31+s0], $0x1F00, $0x38;
	[tilespmem:$0x18200] =	vst v63  }
0x104: {  	s11 =	sadd.s32 $0x400, s31  }
0x105: {  	[tilespmem:s23], [sflag:$0x1] =	stream.linear.gather [hbm4b:s11+s0], $0x1F00, $0x38;
	[tilespmem:$0x18200] =	vst v63  }
0x106: {  	s3 =	rddreg [dreg:$0xa];
	s6 =	simm.s32 $0x2180  }
0x107: {  	[tilespmem:s6], [sflag:$0x1] =	stream.linear.gather [hbm4b:s3+s0], $0x80, $0x38;
	[tilespmem:$0x18200] =	vst v63  }
0x108: {  	s8 =	simm.s32 $0x4180;
	s11 =	sadd.s32 $0x10, s3  }
0x109: {  	[tilespmem:s8], [sflag:$0x1] =	stream.linear.gather [hbm4b:s11+s0], $0x80, $0x38;
	[tilespmem:$0x18200] =	vst v63  }
0x10a: {  	s9 =	rddreg [dreg:$0xb]  }
0x10b: {  	[tilespmem:s26], [sflag:$0x2] =	stream.linear.gather [hbm4b:s9+s0], $0x80, $0x38;
	[tilespmem:$0x18200] =	vst v63  }
0x10c: {  	s11 =	sadd.s32 $0x10, s9  }
0x10d: {  	[tilespmem:s28], [sflag:$0x2] =	stream.linear.gather [hbm4b:s11+s0], $0x80, $0x38;
	[tilespmem:$0x18200] =	vst v63  }
0x10e: {  	s15 =	rddreg [dreg:$0xc]  }
0x10f: {  	[tilespmem:s29], [sflag:$0x2] =	stream.linear.gather [hbm4b:s15+s0], $0x1F00, $0x38;
	[tilespmem:$0x18200] =	vst v63  }
0x110: {  	s11 =	sadd.s32 $0x400, s15  }
0x111: {  	[tilespmem:s30], [sflag:$0x2] =	stream.linear.gather [hbm4b:s11+s0], $0x1F00, $0x38;
	[tilespmem:$0x18200] =	vst v63  }
0x112: {  	s16 =	rddreg [dreg:$0xd];
	s18 =	simm.s32 $0x6180  }
0x113: {  	[tilespmem:s18], [sflag:$0x2] =	stream.linear.gather [hbm4b:s16+s0], $0x80, $0x38;
	[tilespmem:$0x18200] =	vst v63  }
0x114: {  	s31 =	simm.s32 $0x8180;
	s8 =	simm.s32 $0x0;
	s11 =	sadd.s32 $0x10, s16  }
0x115: {  	[tilespmem:s31], [sflag:$0x2] =	stream.linear.gather [hbm4b:s11+s0], $0x80, $0x38;
	[tilespmem:$0x18200] =	vst v63  }
.LBB2_18:
0x116: {  	s11 =	simm.s32 $0x1  }
0x117: {  	_ =	swait.ge [sflag:s11], $0x100  }
0x118: {  	[sflag:s11] =	ssyncset.done $0x0  }
0x119: {  	[sflag:s11] =	ssyncadd.s32 $0xFFFFFF00  }
0x11a: {  	_ =	swait.ge [sflag:s11], $0x3E00  }
0x11b: {  	[sflag:s11] =	ssyncset.done $0x0  }
0x11c: {  	[sflag:s11] =	ssyncadd.s32 $0xFFFFC200  }
0x11d: {  	_ =	swait.ge [sflag:s11], $0x100  }
0x11e: {  	p0 =	seq.s32 s8, $0x0;
	[sflag:s11] =	ssyncset.done $0x0  }
0x11f: {  	[sflag:s11] =	ssyncadd.s32 $0xFFFFFF00;
	s11 =	simm.s32 @!p0 $0x3  }
0x120: {  	_ =	swait.ge @!p0 [sflag:s11], $0x8000  }
0x121: {  	[sflag:s11] =	ssyncset.done @!p0 $0x0  }
0x122: {  	[sflag:s11] =	ssyncadd.s32 @!p0 $0xFFFF8000  }
0x123: {  	v2 =	vld [tilespmem:$0x100]  }
0x124: {  	v16 =	vld [tilespmem:$0x110]  }
0x125: {  	v15 =	vld [tilespmem:$0x120]  }
0x126: {  	v5 =	vld [tilespmem:$0x160]  }
0x127: {  	v3 =	vld [tilespmem:$0x130]  }
0x128: {  	v4 =	vld [tilespmem:$0x140]  }
0x129: {  	s0 =	simm.s32 $0x0;
	v13 =	vld [tilespmem:$0x150]  }
0x12a: {  	v6 =	vadd.s32 s0, v1;
	v18 =	vld [tilespmem:$0x170]  }
0x12b: {  	v19 =	vand.u32 $0x7F, v6;
	v9 =	vld [tilespmem:$0x180];
	v11 =	vshll.u32 v5, $0x7  }
0x12c: {  	v10 =	vld [tilespmem:$0x190];
	v17 =	vor.u32 v11, v19  }
0x12d: {  	v8 =	vld [tilespmem:$0x1A0];
	v14 =	vshll.u32 v4, $0x7  }
0x12e: {  	v7 =	vld [tilespmem:$0x1C0];
	v22 =	vor.u32 v14, v19  }
0x12f: {  	v6 =	vld [tilespmem:$0x1D0];
	v15 =	vshll.u32 v15, $0x7  }
0x130: {  	v5 =	vld [tilespmem:$0x1B0];
	v27 =	vor.u32 v15, v19  }
0x131: {  	s16 =	simm.s32 $0x1;
	v16 =	vshll.u32 v16, $0x7;
	v24 =	vld.idx.msk [tilespmem:v17+s22+$0x0], $0xffff  }
0x132: {  	v12 =	vshll.u32 v3, $0x7;
	v3 =	vadd.s32 s16, v1;
	v28 =	vor.u32 v16, v19;
	v26 =	vld.idx.msk [tilespmem:v17+s20+$0x0], $0xffff  }
0x133: {  	v13 =	vshll.u32 v13, $0x7;
	v25 =	vand.u32 $0x7F, v3;
	v30 =	vld.idx.msk [tilespmem:v22+s22+$0x0], $0xffff  }
0x134: {  	v21 =	vor.u32 v13, v25;
	v31 =	vld.idx.msk [tilespmem:v22+s20+$0x0], $0xffff  }
0x135: {  	v32 =	vld.idx.msk [tilespmem:v27+s22+$0x0], $0xffff  }
0x136: {  	v33 =	vld.idx.msk [tilespmem:v27+s20+$0x0], $0xffff  }
0x137: {  	v40 =	vor.u32 v12, v19;
	v35 =	vld.idx.msk [tilespmem:v28+s22+$0x0], $0xffff  }
0x138: {  	v27 =	vor.u32 v12, v25;
	v39 =	vld.idx.msk [tilespmem:v28+s20+$0x0], $0xffff  }
0x139: {  	v42 =	vor.u32 v11, v25;
	v17 =	vshll.u32 v2, $0x7;
	v20 =	vld.idx.msk [tilespmem:v21+s20+$0x0], $0xffff  }
0x13a: {  	v2 =	vld.idx.msk [tilespmem:v21+s22+$0x0], $0xffff;
	v21 =	vor.u32 v17, v19  }
0x13b: {  	v3 =	vld [tilespmem:$0x1E0];
	v22 =	vor.u32 v17, v25  }
0x13c: {  	v23 =	vld.idx.msk [tilespmem:v40+s20+$0x0], $0xffff  }
0x13d: {  	v28 =	vsub.f32 v30, v31;
	v30 =	vld.idx.msk [tilespmem:v27+s22+$0x0], $0xffff  }
0x13e: {  	v18 =	vshll.u32 v18, $0x7;
	v44 =	vsub.f32 v35, v39;
	v35 =	vld.idx.msk [tilespmem:v42+s22+$0x0], $0xffff  }
0x13f: {  	v29 =	vor.u32 v18, v25;
	v36 =	vld.idx.msk [tilespmem:v21+s20+$0x0], $0xffff  }
0x140: {  	v43 =	vor.u32 v14, v25;
	v24 =	vsub.f32 v24, v26;
	v45 =	vld.idx.msk [tilespmem:v22+s22+$0x0], $0xffff  }
0x141: {  	v37 =	vld.idx.msk [tilespmem:v21+s22+$0x0], $0xffff  }
0x142: {  	v38 =	vsub.f32 v32, v33;
	v21 =	vld.idx.msk [tilespmem:v27+s20+$0x0], $0xffff;
	v27 =	vmul.f32 v24, v3  }
0x143: {  	v34 =	vld.idx.msk [tilespmem:v22+s20+$0x0], $0xffff;
	v41 =	vmul.f32 v28, v7  }
0x144: {  	v46 =	vmul.f32 v38, v8;
	v28 =	vld.idx.msk [tilespmem:v29+s22+$0x0], $0xffff;
	v22 =	vadd.f32 v27, v26  }
0x145: {  	v38 =	vld.idx.msk [tilespmem:v43+s22+$0x0], $0xffff;
	v27 =	vadd.f32 v41, v31;
	v31 =	vmul.f32 v44, v10;
	v41 =	vor.u32 v13, v19  }
0x146: {  	s18 =	sshll.u32 s8, $0x2;
	s15 =	simm.s32 $0x2;
	s6 =	simm.s32 $0x8A00;
	v63 =	vsub.f32 v37, v36;
	v37 =	vadd.f32 v46, v33;
	v33 =	vld.idx.msk [tilespmem:v43+s20+$0x0], $0xffff  }
0x147: {  	s31 =	simm.s32 $0x9200;
	s3 =	simm.s32 $0xA200;
	v32 =	vor.u32 v15, v25;
	v26 =	vor.u32 v18, v19;
	v39 =	vadd.f32 v31, v39;
	v31 =	vld.idx.msk [tilespmem:v42+s20+$0x0], $0xffff;
	[dreg:$0x11] =	wrdreg s8  }
0x148: {  	s9 =	simm.s32 $0xB200;
	s0 =	simm.s32 $0x9A00;
	v4 =	vld [tilespmem:$0x1F0];
	v24 =	vor.u32 v16, v25;
	v44 =	vsub.f32 v2, v20;
	[dreg:$0x12] =	wrdreg s18;
	v43 =	vmul.f32 v63, v9  }
0x149: {  	s16 =	simm.s32 $0xAA00;
	v2 =	vmul.u32 $0x80, v1;
	v30 =	vsub.f32 v30, v21;
	v42 =	vsub.f32 v45, v34;
	s18 =	simm.s32 $0x8200;
	s8 =	simm.s32 $0xBA00;
	v40 =	vld.idx.msk [tilespmem:v40+s22+$0x0], $0xffff  }
.LBB2_19:
0x14a: {  	v45 =	vadd.s32 s15, v1;
	s11 =	sadd.s32 $0x1, s15;
	p1 =	slt.u32 s15, $0x7E;
	s15 =	sadd.s32 $0x2, s15;
	v46 =	vld.idx.msk [tilespmem:v41+s22+$0x0], $0xffff;
	v36 =	vadd.f32 v43, v36;
	v43 =	vmul.f32 v44, v6  }
0x14b: {  	v47 =	vor.u32 v2, v19;
	v44 =	vadd.s32 s11, v1;
	v41 =	vld.idx.msk [tilespmem:v41+s20+$0x0], $0xffff;
	v19 =	vand.u32 $0x7F, v45  }
0x14c: {  	v45 =	vor.u32 v17, v19;
	v48 =	vor.u32 v11, v19;
	v44 =	vand.u32 $0x7F, v44;
	v49 =	vld.idx.msk [tilespmem:v26+s22+$0x0], $0xffff  }
0x14d: {  	v42 =	vmul.f32 v42, v9;
	v50 =	vor.u32 v15, v19;
	v51 =	vor.u32 v15, v44;
	v52 =	vld.idx.msk [tilespmem:v24+s22+$0x0], $0xffff  }
0x14e: {  	v53 =	vor.u32 v17, v44;
	v54 =	vor.u32 v18, v44;
	v55 =	vld.idx.msk [tilespmem:v24+s20+$0x0], $0xffff;
	v24 =	vor.u32 v16, v44  }
0x14f: {  	v56 =	vor.u32 v14, v19;
	v57 =	vor.u32 v13, v44;
	v58 =	vld.idx.msk [tilespmem:v26+s20+$0x0], $0xffff;
	v26 =	vor.u32 v18, v19  }
0x150: {  	v59 =	vor.u32 v12, v19;
	[tilespmem:v47+s18+$0x0] =	vst.idx.msk $0xffff, v36;
	v36 =	vld.idx.msk [tilespmem:v32+s20+$0x0], $0xffff  }
0x151: {  	v38 =	vsub.f32 v38, v33;
	v40 =	vsub.f32 v40, v23;
	[tilespmem:v47+s6+$0x0] =	vst.idx.msk $0xffff, v39;
	v32 =	vld.idx.msk [tilespmem:v32+s22+$0x0], $0xffff  }
0x152: {  	v39 =	vor.u32 v2, v25;
	[tilespmem:v47+s31+$0x0] =	vst.idx.msk $0xffff, v37;
	v37 =	vld.idx.msk [tilespmem:v29+s20+$0x0], $0xffff;
	v29 =	vsub.f32 v35, v31  }
0x153: {  	v34 =	vadd.f32 v42, v34;
	v38 =	vmul.f32 v38, v7;
	v35 =	vsub.f32 v46, v41;
	v25 =	vld.idx.msk [tilespmem:v48+s22+$0x0], $0xffff  }
0x154: {  	v42 =	vor.u32 v16, v19;
	v46 =	vld.idx.msk [tilespmem:v48+s20+$0x0], $0xffff;
	v48 =	vsub.f32 v52, v55;
	v29 =	vmul.f32 v29, v3  }
0x155: {  	v40 =	vmul.f32 v40, v5;
	v33 =	vadd.f32 v38, v33;
	v35 =	vmul.f32 v35, v6;
	v52 =	vld.idx.msk [tilespmem:v59+s20+$0x0], $0xffff  }
0x156: {  	v49 =	vsub.f32 v49, v58;
	v38 =	vld.idx.msk [tilespmem:v57+s20+$0x0], $0xffff;
	v48 =	vmul.f32 v48, v10;
	v31 =	vadd.f32 v29, v31  }
0x157: {  	v35 =	vadd.f32 v35, v41;
	v29 =	vsub.f32 v32, v36;
	v60 =	vld.idx.msk [tilespmem:v56+s22+$0x0], $0xffff;
	[tilespmem:v39+s18+$0x0] =	vst.idx.msk $0xffff, v34  }
0x158: {  	v23 =	vadd.f32 v40, v23;
	v32 =	vmul.f32 v49, v4;
	v57 =	vld.idx.msk [tilespmem:v57+s22+$0x0], $0xffff;
	v34 =	vadd.f32 v48, v55  }
0x159: {  	v43 =	vadd.f32 v43, v20;
	v41 =	vor.u32 v12, v44;
	v29 =	vmul.f32 v29, v8;
	v40 =	vld.idx.msk [tilespmem:v56+s20+$0x0], $0xffff  }
0x15a: {  	v49 =	vadd.f32 v32, v58;
	v20 =	vsub.f32 v25, v46;
	v48 =	vld.idx.msk [tilespmem:v50+s22+$0x0], $0xffff;
	[tilespmem:v39+s6+$0x0] =	vst.idx.msk $0xffff, v34  }
0x15b: {  	v28 =	vsub.f32 v28, v37;
	v36 =	vadd.f32 v29, v36;
	v50 =	vld.idx.msk [tilespmem:v50+s20+$0x0], $0xffff;
	[tilespmem:v47+s0+$0x0] =	vst.idx.msk $0xffff, v23  }
0x15c: {  	v20 =	vmul.f32 v20, v3;
	v34 =	vld.idx.msk [tilespmem:v42+s22+$0x0], $0xffff;
	[tilespmem:v47+s3+$0x0] =	vst.idx.msk $0xffff, v27;
	v27 =	vmul.f32 v30, v5  }
0x15d: {  	v25 =	vmovc v44;
	v32 =	vmov v51;
	v23 =	vmov v52;
	v29 =	vmov v54;
	v30 =	vld.idx.msk [tilespmem:v42+s20+$0x0], $0xffff;
	[tilespmem:v39+s31+$0x0] =	vst.idx.msk $0xffff, v36  }
0x15e: {  	v42 =	vadd.f32 v20, v46;
	v36 =	vld.idx.msk [tilespmem:v45+s20+$0x0], $0xffff;
	[tilespmem:v47+s16+$0x0] =	vst.idx.msk $0xffff, v35;
	v27 =	vadd.f32 v27, v21  }
0x15f: {  	v44 =	vor.u32 v11, v25;
	v21 =	vsub.f32 v60, v40;
	v46 =	vld.idx.msk [tilespmem:v53+s22+$0x0], $0xffff;
	[tilespmem:v47+s9+$0x0] =	vst.idx.msk $0xffff, v22  }
0x160: {  	v28 =	vmul.f32 v28, v4;
	v20 =	vmov v38;
	v22 =	vmov v42;
	v45 =	vld.idx.msk [tilespmem:v45+s22+$0x0], $0xffff;
	[tilespmem:v47+s8+$0x0] =	vst.idx.msk $0xffff, v49  }
0x161: {  	v42 =	vor.u32 v14, v25;
	v35 =	vmul.f32 v21, v7;
	v21 =	vld.idx.msk [tilespmem:v41+s20+$0x0], $0xffff;
	[tilespmem:v39+s0+$0x0] =	vst.idx.msk $0xffff, v27  }
0x162: {  	v37 =	vadd.f32 v28, v37;
	v38 =	vsub.f32 v48, v50;
	v47 =	vld.idx.msk [tilespmem:v41+s22+$0x0], $0xffff;
	[tilespmem:v39+s3+$0x0] =	vst.idx.msk $0xffff, v33  }
0x163: {  	v28 =	vsub.f32 v34, v30;
	v27 =	vadd.f32 v35, v40;
	v34 =	vld.idx.msk [tilespmem:v53+s20+$0x0], $0xffff;
	[tilespmem:v39+s16+$0x0] =	vst.idx.msk $0xffff, v43  }
0x164: {  	v33 =	vmul.f32 v38, v8;
	v35 =	vld.idx.msk [tilespmem:v44+s22+$0x0], $0xffff;
	[tilespmem:v39+s9+$0x0] =	vst.idx.msk $0xffff, v31  }
.Ltmp10:
0x165: {  	v41 =	vor.u32 v13, v19;
	v31 =	vmul.f32 v28, v10;
	v28 =	vld.idx.msk [tilespmem:v54+s22+$0x0], $0xffff;
	[tilespmem:v39+s8+$0x0] =	vst.idx.msk $0xffff, v37;
	(pc) =	sbr.rel @p1 .LBB2_19-.Ltmp10, $4  }
0x166: {  	v40 =	vsub.f32 v45, v36;
	v37 =	vadd.f32 v33, v50;
	v38 =	vld.idx.msk [tilespmem:v42+s22+$0x0], $0xffff  }
0x167: {  	v39 =	vadd.f32 v31, v30;
	v33 =	vld.idx.msk [tilespmem:v42+s20+$0x0], $0xffff  }
0x168: {  	v43 =	vmul.f32 v40, v9;
	v30 =	vsub.f32 v47, v21;
	v31 =	vld.idx.msk [tilespmem:v44+s20+$0x0], $0xffff;
	v44 =	vsub.f32 v57, v20  }
0x169: {  	s11 =	simm.s32 $0x0;
	v42 =	vsub.f32 v46, v34;
	v40 =	vld.idx.msk [tilespmem:v59+s22+$0x0], $0xffff  }
0x16a: {  	_ =	sdelay $0x3  }
0x16b: {  	v45 =	vld.idx.msk [tilespmem:v41+s22+$0x0], $0xffff  }
0x16c: {  	v46 =	vld.idx.msk [tilespmem:v24+s22+$0x0], $0xffff  }
0x16d: {  	v24 =	vld.idx.msk [tilespmem:v24+s20+$0x0], $0xffff  }
0x16e: {  	v19 =	vor.u32 v2, v19;
	v48 =	vld.idx.msk [tilespmem:v32+s20+$0x0], $0xffff  }
0x16f: {  	v53 =	vld.idx.msk [tilespmem:v32+s22+$0x0], $0xffff;
	v25 =	vor.u32 v2, v25  }
0x170: {  	v52 =	vld.idx.msk [tilespmem:v41+s20+$0x0], $0xffff;
	v42 =	vmul.f32 v42, v9  }
0x171: {  	v36 =	vadd.f32 v43, v36;
	v40 =	vsub.f32 v40, v23  }
0x172: {  	v47 =	vld.idx.msk [tilespmem:v26+s22+$0x0], $0xffff;
	v54 =	vmul.f32 v44, v6;
	v34 =	vadd.f32 v42, v34;
	v55 =	vsub.f32 v46, v24  }
0x173: {  	v26 =	vld.idx.msk [tilespmem:v26+s20+$0x0], $0xffff;
	v30 =	vmul.f32 v30, v5;
	[tilespmem:v19+s18+$0x0] =	vst.idx.msk $0xffff, v36;
	v56 =	vmul.f32 v40, v5  }
0x174: {  	v29 =	vld.idx.msk [tilespmem:v29+s20+$0x0], $0xffff;
	v32 =	vsub.f32 v53, v48;
	[tilespmem:v25+s18+$0x0] =	vst.idx.msk $0xffff, v34;
	v36 =	vmul.f32 v55, v10  }
0x175: {  	v57 =	vsub.f32 v45, v52;
	[tilespmem:v19+s6+$0x0] =	vst.idx.msk $0xffff, v39;
	v23 =	vadd.f32 v56, v23  }
0x176: {  	[tilespmem:v19+s31+$0x0] =	vst.idx.msk $0xffff, v37;
	v32 =	vmul.f32 v32, v8;
	v24 =	vadd.f32 v36, v24  }
0x177: {  	v38 =	vsub.f32 v38, v33;
	v58 =	vmul.f32 v57, v6;
	[tilespmem:v19+s0+$0x0] =	vst.idx.msk $0xffff, v23  }
0x178: {  	v59 =	vsub.f32 v47, v26;
	v23 =	vadd.f32 v32, v48;
	[tilespmem:v25+s6+$0x0] =	vst.idx.msk $0xffff, v24  }
0x179: {  	v60 =	vadd.f32 v58, v52;
	v24 =	vmul.f32 v38, v7;
	[tilespmem:v19+s3+$0x0] =	vst.idx.msk $0xffff, v27  }
0x17a: {  	v21 =	vadd.f32 v30, v21;
	v61 =	vmul.f32 v59, v4;
	[tilespmem:v25+s31+$0x0] =	vst.idx.msk $0xffff, v23  }
0x17b: {  	v35 =	vsub.f32 v35, v31;
	[tilespmem:v19+s16+$0x0] =	vst.idx.msk $0xffff, v60;
	v23 =	vadd.f32 v24, v33  }
0x17c: {  	v24 =	vadd.f32 v61, v26;
	v26 =	vsub.f32 v28, v29;
	[tilespmem:v19+s9+$0x0] =	vst.idx.msk $0xffff, v22;
	v22 =	vadd.s32 s11, v1  }
0x17d: {  	v20 =	vadd.f32 v54, v20;
	s18 =	simm.s32 $0x1;
	v27 =	vmul.f32 v35, v3;
	[tilespmem:v25+s0+$0x0] =	vst.idx.msk $0xffff, v21;
	v28 =	vand.u32 $0x7F, v22  }
0x17e: {  	[tilespmem:v19+s8+$0x0] =	vst.idx.msk $0xffff, v24;
	v19 =	vadd.s32 s18, v1;
	v22 =	vmul.f32 v26, v4;
	v26 =	vor.u32 v17, v28  }
0x17f: {  	[tilespmem:v25+s3+$0x0] =	vst.idx.msk $0xffff, v23;
	v62 =	vor.u32 v15, v28;
	v30 =	vand.u32 $0x7F, v19;
	v19 =	vadd.f32 v27, v31  }
0x180: {  	[tilespmem:v25+s16+$0x0] =	vst.idx.msk $0xffff, v20;
	v21 =	vadd.f32 v22, v29  }
0x181: {  	[tilespmem:v25+s9+$0x0] =	vst.idx.msk $0xffff, v19  }
0x182: {  	v51 =	vor.u32 v13, v28;
	[tilespmem:v25+s8+$0x0] =	vst.idx.msk $0xffff, v21  }
0x183: {  	v27 =	vor.u32 v16, v28;
	v29 =	vld.idx.msk [tilespmem:v26+s23+$0x0], $0xffff  }
0x184: {  	v50 =	vld.idx.msk [tilespmem:v62+s23+$0x0], $0xffff  }
0x185: {  	v53 =	vld.idx.msk [tilespmem:v62+s21+$0x0], $0xffff  }
0x186: {  	v34 =	vor.u32 v15, v30;
	v56 =	vld.idx.msk [tilespmem:v26+s21+$0x0], $0xffff  }
0x187: {  	v31 =	vor.u32 v16, v30;
	v58 =	vld.idx.msk [tilespmem:v51+s23+$0x0], $0xffff  }
0x188: {  	v25 =	vor.u32 v11, v28;
	v63 =	vld.idx.msk [tilespmem:v27+s23+$0x0], $0xffff  }
0x189: {  	v54 =	vld.idx.msk [tilespmem:v27+s21+$0x0], $0xffff  }
0x18a: {  	v19 =	vor.u32 v14, v28;
	v27 =	vld.idx.msk [tilespmem:v51+s21+$0x0], $0xffff  }
0x18b: {  	v23 =	vld.idx.msk [tilespmem:v34+s23+$0x0], $0xffff  }
0x18c: {  	v52 =	vld.idx.msk [tilespmem:v31+s21+$0x0], $0xffff  }
0x18d: {  	v22 =	vor.u32 v17, v30;
	v32 =	vld.idx.msk [tilespmem:v25+s23+$0x0], $0xffff  }
0x18e: {  	v25 =	vld.idx.msk [tilespmem:v25+s21+$0x0], $0xffff  }
0x18f: {  	v57 =	vor.u32 v14, v30;
	v24 =	vld.idx.msk [tilespmem:v19+s21+$0x0], $0xffff  }
0x190: {  	v35 =	vld.idx.msk [tilespmem:v19+s23+$0x0], $0xffff  }
0x191: {  	v59 =	vor.u32 v12, v30;
	v19 =	vld.idx.msk [tilespmem:v31+s23+$0x0], $0xffff  }
0x192: {  	v55 =	vor.u32 v18, v28;
	v37 =	vld.idx.msk [tilespmem:v22+s23+$0x0], $0xffff  }
0x193: {  	v21 =	vor.u32 v12, v28;
	v33 =	vld.idx.msk [tilespmem:v22+s21+$0x0], $0xffff;
	v26 =	vsub.f32 v32, v25  }
0x194: {  	v38 =	vor.u32 v18, v30;
	v39 =	vld.idx.msk [tilespmem:v57+s23+$0x0], $0xffff;
	v61 =	vsub.f32 v50, v53;
	v49 =	vsub.f32 v29, v56  }
0x195: {  	v42 =	vor.u32 v13, v30;
	v36 =	vld.idx.msk [tilespmem:v34+s21+$0x0], $0xffff;
	v43 =	vsub.f32 v58, v27;
	v22 =	vmul.f32 v26, v3  }
0x196: {  	v40 =	vld.idx.msk [tilespmem:v59+s23+$0x0], $0xffff;
	v48 =	vmul.f32 v61, v8;
	v49 =	vmul.f32 v49, v9;
	v60 =	vsub.f32 v19, v52  }
0x197: {  	v31 =	vld.idx.msk [tilespmem:v55+s23+$0x0], $0xffff;
	v19 =	vor.u32 v2, v30;
	v22 =	vadd.f32 v22, v25;
	v25 =	vsub.f32 v63, v54  }
0x198: {  	v20 =	vld.idx.msk [tilespmem:v21+s21+$0x0], $0xffff;
	v50 =	vsub.f32 v35, v24;
	v32 =	vor.u32 v11, v30;
	v62 =	vmul.f32 v60, v10  }
0x199: {  	s15 =	simm.s32 $0x2;
	s6 =	simm.s32 $0xD200;
	s31 =	simm.s32 $0xFA00;
	v30 =	vadd.f32 v48, v53;
	v26 =	vld.idx.msk [tilespmem:v55+s21+$0x0], $0xffff;
	v63 =	vsub.f32 v37, v33;
	v25 =	vmul.f32 v25, v10  }
0x19a: {  	s0 =	simm.s32 $0xC200;
	s3 =	simm.s32 $0xCA00;
	s18 =	simm.s32 $0xF200;
	v29 =	vld.idx.msk [tilespmem:v57+s21+$0x0], $0xffff;
	v41 =	vadd.f32 v49, v56;
	v44 =	vmul.f32 v50, v7;
	v35 =	vadd.f32 v62, v52  }
0x19b: {  	s16 =	simm.s32 $0xEA00;
	s9 =	simm.s32 $0xE200;
	s8 =	simm.s32 $0xDA00;
	v37 =	vld.idx.msk [tilespmem:v59+s21+$0x0], $0xffff;
	v45 =	vmul.f32 v63, v9;
	v34 =	vadd.f32 v25, v54;
	v25 =	vor.u32 v2, v28  }
.LBB2_21:
0x19c: {  	v28 =	vadd.s32 s15, v1;
	s11 =	sadd.s32 $0x1, s15;
	p1 =	slt.u32 s15, $0x7E;
	s15 =	sadd.s32 $0x2, s15;
	v44 =	vadd.f32 v44, v24;
	v24 =	vmul.f32 v43, v6;
	v43 =	vld.idx.msk [tilespmem:v42+s23+$0x0], $0xffff  }
0x19d: {  	v28 =	vand.u32 $0x7F, v28;
	v46 =	vadd.s32 s11, v1;
	v42 =	vld.idx.msk [tilespmem:v42+s21+$0x0], $0xffff;
	v33 =	vadd.f32 v45, v33  }
0x19e: {  	v31 =	vsub.f32 v31, v26;
	v45 =	vor.u32 v17, v28;
	v46 =	vand.u32 $0x7F, v46;
	v47 =	vld.idx.msk [tilespmem:v38+s23+$0x0], $0xffff  }
0x19f: {  	v23 =	vsub.f32 v23, v36;
	v48 =	vor.u32 v17, v46;
	v49 =	vor.u32 v15, v46;
	v50 =	vld.idx.msk [tilespmem:v32+s23+$0x0], $0xffff  }
0x1a0: {  	v39 =	vsub.f32 v39, v29;
	v51 =	vor.u32 v16, v46;
	v52 =	vor.u32 v12, v46;
	v38 =	vld.idx.msk [tilespmem:v38+s21+$0x0], $0xffff  }
0x1a1: {  	v53 =	vor.u32 v16, v28;
	v54 =	vor.u32 v14, v28;
	v55 =	vld.idx.msk [tilespmem:v21+s23+$0x0], $0xffff;
	v21 =	vor.u32 v12, v28  }
0x1a2: {  	v56 =	vor.u32 v11, v28;
	v27 =	vadd.f32 v24, v27;
	[tilespmem:v25+s0+$0x0] =	vst.idx.msk $0xffff, v41;
	v32 =	vld.idx.msk [tilespmem:v32+s21+$0x0], $0xffff  }
0x1a3: {  	v24 =	vmul.f32 v31, v4;
	v31 =	vmul.f32 v23, v8;
	v41 =	vor.u32 v15, v28;
	v57 =	vld.idx.msk [tilespmem:v45+s23+$0x0], $0xffff  }
0x1a4: {  	v40 =	vsub.f32 v40, v37;
	v43 =	vsub.f32 v43, v42;
	v23 =	vld.idx.msk [tilespmem:v49+s23+$0x0], $0xffff;
	[tilespmem:v19+s0+$0x0] =	vst.idx.msk $0xffff, v33  }
0x1a5: {  	v26 =	vadd.f32 v24, v26;
	v33 =	vmul.f32 v39, v7;
	v58 =	vld.idx.msk [tilespmem:v48+s23+$0x0], $0xffff;
	[tilespmem:v19+s3+$0x0] =	vst.idx.msk $0xffff, v35  }
0x1a6: {  	v31 =	vadd.f32 v31, v36;
	v36 =	vmul.f32 v43, v6;
	v35 =	vmul.f32 v40, v5;
	v24 =	vld.idx.msk [tilespmem:v54+s21+$0x0], $0xffff  }
0x1a7: {  	v40 =	vsub.f32 v55, v20;
	v29 =	vadd.f32 v33, v29;
	v39 =	vld.idx.msk [tilespmem:v56+s23+$0x0], $0xffff;
	[tilespmem:v25+s3+$0x0] =	vst.idx.msk $0xffff, v34  }
0x1a8: {  	v34 =	vadd.f32 v35, v37;
	v35 =	vadd.f32 v36, v42;
	v33 =	vld.idx.msk [tilespmem:v21+s21+$0x0], $0xffff;
	[tilespmem:v19+s6+$0x0] =	vst.idx.msk $0xffff, v31  }
0x1a9: {  	v31 =	vmul.f32 v40, v5;
	v36 =	vld.idx.msk [tilespmem:v54+s23+$0x0], $0xffff;
	[tilespmem:v25+s6+$0x0] =	vst.idx.msk $0xffff, v30;
	v30 =	vsub.f32 v47, v38  }
0x1aa: {  	v40 =	vsub.f32 v50, v32;
	v37 =	vld.idx.msk [tilespmem:v56+s21+$0x0], $0xffff;
	[tilespmem:v19+s8+$0x0] =	vst.idx.msk $0xffff, v34  }
0x1ab: {  	v20 =	vadd.f32 v31, v20;
	v34 =	vld.idx.msk [tilespmem:v53+s23+$0x0], $0xffff;
	v30 =	vmul.f32 v30, v4;
	[tilespmem:v19+s9+$0x0] =	vst.idx.msk $0xffff, v29  }
0x1ac: {  	v29 =	vld.idx.msk [tilespmem:v51+s23+$0x0], $0xffff;
	[tilespmem:v19+s16+$0x0] =	vst.idx.msk $0xffff, v35  }
0x1ad: {  	v35 =	vld.idx.msk [tilespmem:v41+s23+$0x0], $0xffff;
	[tilespmem:v25+s8+$0x0] =	vst.idx.msk $0xffff, v20;
	v30 =	vadd.f32 v30, v38  }
0x1ae: {  	v31 =	vor.u32 v13, v28;
	v38 =	vmul.f32 v40, v3;
	v43 =	vld.idx.msk [tilespmem:v51+s21+$0x0], $0xffff;
	[tilespmem:v25+s9+$0x0] =	vst.idx.msk $0xffff, v44  }
0x1af: {  	v20 =	vmov v33;
	v40 =	vld.idx.msk [tilespmem:v41+s21+$0x0], $0xffff;
	[tilespmem:v25+s16+$0x0] =	vst.idx.msk $0xffff, v27  }
0x1b0: {  	v42 =	vor.u32 v18, v28;
	v41 =	vld.idx.msk [tilespmem:v53+s21+$0x0], $0xffff;
	[tilespmem:v25+s18+$0x0] =	vst.idx.msk $0xffff, v22;
	v22 =	vadd.f32 v38, v32  }
0x1b1: {  	v27 =	vsub.f32 v39, v37;
	v45 =	vld.idx.msk [tilespmem:v45+s21+$0x0], $0xffff;
	[tilespmem:v25+s31+$0x0] =	vst.idx.msk $0xffff, v26  }
0x1b2: {  	v25 =	vor.u32 v14, v46;
	v33 =	vld.idx.msk [tilespmem:v48+s21+$0x0], $0xffff;
	[tilespmem:v19+s18+$0x0] =	vst.idx.msk $0xffff, v22  }
0x1b3: {  	v22 =	vmul.f32 v27, v3;
	v47 =	vld.idx.msk [tilespmem:v31+s23+$0x0], $0xffff;
	[tilespmem:v19+s31+$0x0] =	vst.idx.msk $0xffff, v30  }
0x1b4: {  	v29 =	vsub.f32 v29, v43;
	v19 =	vor.u32 v2, v46;
	v27 =	vld.idx.msk [tilespmem:v31+s21+$0x0], $0xffff  }
0x1b5: {  	v32 =	vor.u32 v11, v46;
	v30 =	vsub.f32 v35, v40;
	v22 =	vadd.f32 v22, v37;
	v31 =	vld.idx.msk [tilespmem:v42+s23+$0x0], $0xffff  }
0x1b6: {  	v38 =	vor.u32 v18, v46;
	v34 =	vsub.f32 v34, v41;
	v35 =	vmul.f32 v29, v10;
	v26 =	vld.idx.msk [tilespmem:v42+s21+$0x0], $0xffff  }
.Ltmp11:
0x1b7: {  	v37 =	vsub.f32 v57, v45;
	v30 =	vmul.f32 v30, v8;
	v42 =	vor.u32 v13, v46;
	v29 =	vld.idx.msk [tilespmem:v25+s21+$0x0], $0xffff;
	(pc) =	sbr.rel @p1 .LBB2_21-.Ltmp11, $4  }
0x1b8: {  	v44 =	vsub.f32 v36, v24;
	v34 =	vmul.f32 v34, v10;
	v35 =	vadd.f32 v35, v43;
	v39 =	vld.idx.msk [tilespmem:v25+s23+$0x0], $0xffff  }
0x1b9: {  	v46 =	vsub.f32 v58, v33;
	v25 =	vmul.f32 v37, v9;
	v30 =	vadd.f32 v30, v40;
	v36 =	vld.idx.msk [tilespmem:v49+s21+$0x0], $0xffff  }
0x1ba: {  	v44 =	vmul.f32 v44, v7;
	v34 =	vadd.f32 v34, v41;
	v43 =	vsub.f32 v47, v27;
	v40 =	vld.idx.msk [tilespmem:v52+s23+$0x0], $0xffff  }
0x1bb: {  	v41 =	vadd.f32 v25, v45;
	v25 =	vor.u32 v2, v28;
	v45 =	vmul.f32 v46, v9;
	v37 =	vld.idx.msk [tilespmem:v52+s21+$0x0], $0xffff  }
0x1bc: {  	_ =	sdelay $0x3  }
0x1bd: {  	v9 =	vld.idx.msk [tilespmem:v42+s23+$0x0], $0xffff  }
0x1be: {  	v10 =	vld.idx.msk [tilespmem:v42+s21+$0x0], $0xffff  }
0x1bf: {  	v14 =	vld.idx.msk [tilespmem:v21+s23+$0x0], $0xffff  }
0x1c0: {  	v11 =	vld.idx.msk [tilespmem:v38+s23+$0x0], $0xffff;
	v13 =	vsub.f32 v23, v36  }
0x1c1: {  	v12 =	vld.idx.msk [tilespmem:v32+s23+$0x0], $0xffff;
	v16 =	vadd.f32 v45, v33;
	[tilespmem:v25+s0+$0x0] =	vst.idx.msk $0xffff, v41;
	v21 =	vsub.f32 v39, v29  }
0x1c2: {  	v17 =	vld.idx.msk [tilespmem:v38+s21+$0x0], $0xffff;
	[tilespmem:v25+s3+$0x0] =	vst.idx.msk $0xffff, v34;
	v8 =	vmul.f32 v13, v8;
	v13 =	vsub.f32 v40, v37  }
0x1c3: {  	v15 =	vadd.f32 v44, v24;
	v18 =	vld.idx.msk [tilespmem:v32+s21+$0x0], $0xffff;
	[tilespmem:v19+s0+$0x0] =	vst.idx.msk $0xffff, v16  }
0x1c4: {  	v7 =	vmul.f32 v21, v7;
	v14 =	vsub.f32 v14, v20;
	v13 =	vmul.f32 v13, v5  }
0x1c5: {  	[tilespmem:v25+s6+$0x0] =	vst.idx.msk $0xffff, v30;
	v9 =	vsub.f32 v9, v10;
	v8 =	vadd.f32 v8, v36  }
0x1c6: {  	[tilespmem:v19+s3+$0x0] =	vst.idx.msk $0xffff, v35;
	v5 =	vmul.f32 v14, v5;
	v13 =	vadd.f32 v13, v37  }
0x1c7: {  	v7 =	vadd.f32 v7, v29;
	v9 =	vmul.f32 v9, v6;
	[tilespmem:v19+s6+$0x0] =	vst.idx.msk $0xffff, v8  }
0x1c8: {  	v6 =	vmul.f32 v43, v6;
	v5 =	vadd.f32 v5, v20;
	[tilespmem:v19+s8+$0x0] =	vst.idx.msk $0xffff, v13  }
0x1c9: {  	v8 =	vadd.f32 v9, v10;
	v9 =	vsub.f32 v31, v26;
	[tilespmem:v19+s9+$0x0] =	vst.idx.msk $0xffff, v7  }
0x1ca: {  	v6 =	vadd.f32 v6, v27;
	v7 =	vsub.f32 v12, v18;
	[tilespmem:v25+s8+$0x0] =	vst.idx.msk $0xffff, v5  }
0x1cb: {  	[tilespmem:v19+s16+$0x0] =	vst.idx.msk $0xffff, v8;
	v8 =	vmul.f32 v9, v4;
	v9 =	vsub.f32 v11, v17  }
0x1cc: {  	[tilespmem:v25+s9+$0x0] =	vst.idx.msk $0xffff, v15;
	v3 =	vmul.f32 v7, v3  }
0x1cd: {  	[tilespmem:v25+s16+$0x0] =	vst.idx.msk $0xffff, v6;
	v5 =	vadd.f32 v8, v26;
	v4 =	vmul.f32 v9, v4  }
0x1ce: {  	[tilespmem:v25+s18+$0x0] =	vst.idx.msk $0xffff, v22;
	v3 =	vadd.f32 v3, v18  }
0x1cf: {  	v4 =	vadd.f32 v4, v17;
	[tilespmem:v25+s31+$0x0] =	vst.idx.msk $0xffff, v5  }
0x1d0: {  	[tilespmem:v19+s18+$0x0] =	vst.idx.msk $0xffff, v3  }
0x1d1: {  	s8 =	rddreg [dreg:$0x11];
	[tilespmem:v19+s31+$0x0] =	vst.idx.msk $0xffff, v4  }
0x1d2: {  	s11 =	sshll.u32 s8, $0xD;
	s15 =	rddreg [dreg:$0xe]  }
0x1d3: {  	s6 =	simm.s32 $0x0;
	s9 =	simm.s32 $0x8200;
	s11 =	sadd.s32 s11, s15  }
0x1d4: {  	[hbm4b:s11+s6] =	stream.linear.scatter [tilespmem:s9], [sflag:$0x3], $0x8000, $0x38;
	[tilespmem:$0x18200] =	vst v63  }
0x1d5: {  	p1 =	seq.s32 s8, $0x1F;
	s9 =	rddreg [dreg:$0x12]  }
0x1d6: {  	s3 =	rddreg [dreg:$0x6];
	s11 =	sadd.s32 @!p1 $0x4, s9  }
0x1d7: {  	s16 =	sadd.s32 @!p1 s3, s11  }
0x1d8: {  	s11 =	sshll.u32 @!p1 s11, $0x4;
	s0 =	sshll.u32 @!p1 s16, $0x4  }
0x1d9: {  	s11 =	sand.u32 @!p1 $0x40, s11;
	s0 =	sand.u32 @!p1 $0x1FF80, s0  }
0x1da: {  	s6 =	sor.u32 @!p1 s11, s0;
	s11 =	rddreg [dreg:$0x2]  }
0x1db: {  	s15 =	simm.s32 @!p1 $0x200;
	s0 =	simm.s32 @!p1 $0x0;
	s11 =	sadd.s32 @!p1 s11, s6  }
0x1dc: {  	[tilespmem:s15], [sflag:$0x1] =	stream.linear.gather @!p1 [hbm4b:s11+s0], $0x80, $0x38;
	[tilespmem:$0x18200] =	vst v63  }
0x1dd: {  	s11 =	sadd.s32 @!p1 $0x10, s11;
	s15 =	simm.s32 @!p1 $0x2200  }
0x1de: {  	[tilespmem:s15], [sflag:$0x1] =	stream.linear.gather @!p1 [hbm4b:s11+s0], $0x80, $0x38;
	[tilespmem:$0x18200] =	vst v63  }
0x1df: {  	s11 =	sshll.u32 @!p1 s16, $0xA;
	s15 =	rddreg [dreg:$0x7]  }
0x1e0: {  	s11 =	sadd.s32 @!p1 s15, s11;
	s15 =	simm.s32 @!p1 $0x280  }
0x1e1: {  	[tilespmem:s15], [sflag:$0x1] =	stream.linear.gather @!p1 [hbm4b:s11+s0], $0x1F00, $0x38;
	[tilespmem:$0x18200] =	vst v63  }
0x1e2: {  	s11 =	sadd.s32 @!p1 $0x400, s11;
	s15 =	simm.s32 @!p1 $0x2280  }
0x1e3: {  	[tilespmem:s15], [sflag:$0x1] =	stream.linear.gather @!p1 [hbm4b:s11+s0], $0x1F00, $0x38;
	[tilespmem:$0x18200] =	vst v63  }
0x1e4: {  	s11 =	rddreg [dreg:$0x3]  }
0x1e5: {  	s15 =	simm.s32 @!p1 $0x2180;
	s11 =	sadd.s32 @!p1 s11, s6  }
0x1e6: {  	[tilespmem:s15], [sflag:$0x1] =	stream.linear.gather @!p1 [hbm4b:s11+s0], $0x80, $0x38;
	[tilespmem:$0x18200] =	vst v63  }
0x1e7: {  	s11 =	sadd.s32 @!p1 $0x10, s11;
	s15 =	simm.s32 @!p1 $0x4180  }
0x1e8: {  	[tilespmem:s15], [sflag:$0x1] =	stream.linear.gather @!p1 [hbm4b:s11+s0], $0x80, $0x38;
	[tilespmem:$0x18200] =	vst v63  }
0x1e9: {  	s15 =	simm.s32 $0x2  }
0x1ea: {  	_ =	swait.ge [sflag:s15], $0x100  }
0x1eb: {  	[sflag:s15] =	ssyncset.done $0x0  }
0x1ec: {  	[sflag:s15] =	ssyncadd.s32 $0xFFFFFF00  }
0x1ed: {  	_ =	swait.ge [sflag:s15], $0x3E00  }
0x1ee: {  	[sflag:s15] =	ssyncset.done $0x0  }
0x1ef: {  	[sflag:s15] =	ssyncadd.s32 $0xFFFFC200  }
0x1f0: {  	_ =	swait.ge [sflag:s15], $0x100  }
0x1f1: {  	[sflag:s15] =	ssyncset.done $0x0  }
0x1f2: {  	s11 =	simm.s32 @!p0 $0x4;
	[sflag:s15] =	ssyncadd.s32 $0xFFFFFF00  }
0x1f3: {  	_ =	swait.ge @!p0 [sflag:s11], $0x8000  }
0x1f4: {  	[sflag:s11] =	ssyncset.done @!p0 $0x0  }
0x1f5: {  	[sflag:s11] =	ssyncadd.s32 @!p0 $0xFFFF8000  }
0x1f6: {  	v3 =	vld [tilespmem:$0x100]  }
0x1f7: {  	v16 =	vld [tilespmem:$0x110]  }
0x1f8: {  	v4 =	vld [tilespmem:$0x120]  }
0x1f9: {  	v15 =	vld [tilespmem:$0x130]  }
0x1fa: {  	v13 =	vld [tilespmem:$0x140]  }
0x1fb: {  	v17 =	vld [tilespmem:$0x150]  }
0x1fc: {  	v14 =	vld [tilespmem:$0x160]  }
0x1fd: {  	v18 =	vld [tilespmem:$0x170]  }
0x1fe: {  	s16 =	simm.s32 $0x0;
	v9 =	vld [tilespmem:$0x180]  }
0x1ff: {  	v5 =	vadd.s32 s16, v1;
	v10 =	vld [tilespmem:$0x190]  }
0x200: {  	v19 =	vand.u32 $0x7F, v5;
	v7 =	vld [tilespmem:$0x1A0];
	v11 =	vshll.u32 v3, $0x7  }
0x201: {  	v5 =	vld [tilespmem:$0x1B0];
	v13 =	vshll.u32 v13, $0x7;
	v22 =	vor.u32 v11, v19  }
0x202: {  	s18 =	simm.s32 $0x1;
	v8 =	vld [tilespmem:$0x1C0];
	v14 =	vshll.u32 v14, $0x7;
	v57 =	vor.u32 v13, v19  }
0x203: {  	v6 =	vld [tilespmem:$0x1D0];
	v3 =	vadd.s32 s18, v1;
	v15 =	vshll.u32 v15, $0x7;
	v58 =	vor.u32 v14, v19  }
0x204: {  	v12 =	vshll.u32 v4, $0x7;
	v4 =	vld [tilespmem:$0x1F0];
	v21 =	vand.u32 $0x7F, v3;
	v35 =	vor.u32 v15, v19  }
0x205: {  	v3 =	vld [tilespmem:$0x1E0];
	v20 =	vor.u32 v12, v21  }
0x206: {  	v23 =	vor.u32 v11, v21;
	v39 =	vld.idx.msk [tilespmem:v22+s29+$0x0], $0xffff  }
0x207: {  	v38 =	vld.idx.msk [tilespmem:v57+s26+$0x0], $0xffff  }
0x208: {  	v16 =	vshll.u32 v16, $0x7;
	v24 =	vld.idx.msk [tilespmem:v58+s29+$0x0], $0xffff  }
0x209: {  	v59 =	vor.u32 v16, v19;
	v34 =	vld.idx.msk [tilespmem:v35+s26+$0x0], $0xffff  }
0x20a: {  	v28 =	vor.u32 v16, v21;
	v37 =	vld.idx.msk [tilespmem:v20+s29+$0x0], $0xffff  }
0x20b: {  	v31 =	vor.u32 v12, v19;
	v42 =	vld.idx.msk [tilespmem:v23+s29+$0x0], $0xffff;
	[tilespmem:$0x1FF70] =	vst v57  }
0x20c: {  	v44 =	vld.idx.msk [tilespmem:v57+s29+$0x0], $0xffff;
	[tilespmem:$0x1FF80] =	vst v58  }
0x20d: {  	v60 =	vld.idx.msk [tilespmem:v58+s26+$0x0], $0xffff  }
0x20e: {  	v61 =	vld.idx.msk [tilespmem:v59+s29+$0x0], $0xffff  }
0x20f: {  	v62 =	vld.idx.msk [tilespmem:v28+s29+$0x0], $0xffff  }
0x210: {  	v17 =	vshll.u32 v17, $0x7;
	v63 =	vld.idx.msk [tilespmem:v31+s29+$0x0], $0xffff;
	[tilespmem:$0x1FF90] =	vst v28  }
0x211: {  	v32 =	vor.u32 v17, v19;
	v48 =	vld.idx.msk [tilespmem:v28+s26+$0x0], $0xffff  }
0x212: {  	v18 =	vshll.u32 v18, $0x7;
	v50 =	vld.idx.msk [tilespmem:v31+s26+$0x0], $0xffff;
	[tilespmem:$0x1FFA0] =	vst v59  }
0x213: {  	v30 =	vor.u32 v18, v19;
	v51 =	vld.idx.msk [tilespmem:v59+s26+$0x0], $0xffff;
	[tilespmem:$0x1FFB0] =	vst v22  }
0x214: {  	v56 =	vld.idx.msk [tilespmem:v22+s26+$0x0], $0xffff;
	[tilespmem:$0x1FFC0] =	vst v23  }
0x215: {  	v33 =	vor.u32 v2, v21;
	v47 =	vld.idx.msk [tilespmem:v23+s26+$0x0], $0xffff;
	v23 =	vor.u32 v13, v21;
	v24 =	vsub.f32 v24, v60  }
0x216: {  	v52 =	vor.u32 v18, v21;
	v55 =	vor.u32 v17, v21;
	v54 =	vld.idx.msk [tilespmem:v32+s29+$0x0], $0xffff;
	v49 =	vsub.f32 v62, v48  }
0x217: {  	v22 =	vor.u32 v15, v21;
	v41 =	vld.idx.msk [tilespmem:v32+s26+$0x0], $0xffff;
	v53 =	vsub.f32 v63, v50;
	v46 =	vmul.f32 v24, v3  }
0x218: {  	v45 =	vld.idx.msk [tilespmem:v30+s29+$0x0], $0xffff;
	v59 =	vsub.f32 v44, v38;
	v57 =	vsub.f32 v61, v51;
	v49 =	vmul.f32 v49, v10  }
0x219: {  	v40 =	vld.idx.msk [tilespmem:v30+s26+$0x0], $0xffff;
	v39 =	vsub.f32 v39, v56;
	v58 =	vmul.f32 v53, v7;
	v36 =	vadd.f32 v46, v60  }
0x21a: {  	v46 =	vor.u32 v14, v21;
	v43 =	vld.idx.msk [tilespmem:v23+s26+$0x0], $0xffff;
	v57 =	vmul.f32 v57, v10;
	[tilespmem:$0x1FFD0] =	vst v23  }
0x21b: {  	v42 =	vsub.f32 v42, v47;
	v53 =	vld.idx.msk [tilespmem:v23+s29+$0x0], $0xffff;
	v49 =	vadd.f32 v49, v48;
	[tilespmem:$0x1FFE0] =	vst v20  }
0x21c: {  	s31 =	sadd.s32 s9, s3;
	v39 =	vmul.f32 v39, v9;
	v44 =	vadd.f32 v58, v50;
	v58 =	vmul.f32 v59, v8;
	v50 =	vld.idx.msk [tilespmem:v20+s26+$0x0], $0xffff  }
0x21d: {  	s3 =	simm.s32 $0x10A00;
	s16 =	sadd.s32 $0x2, s31;
	v48 =	vadd.f32 v57, v51;
	v57 =	vsub.f32 v54, v41;
	v54 =	vld.idx.msk [tilespmem:v22+s29+$0x0], $0xffff;
	[tilespmem:$0x1FFF0] =	vst v22  }
0x21e: {  	s6 =	simm.s32 $0x11200;
	s0 =	simm.s32 $0x10200;
	s15 =	simm.s32 $0x2;
	v59 =	vmul.f32 v42, v9;
	v56 =	vadd.f32 v39, v56;
	v39 =	vor.u32 v2, v19;
	v51 =	vld.idx.msk [tilespmem:v22+s26+$0x0], $0xffff  }
.LBB2_23:
0x21f: {  	v42 =	vadd.s32 s15, v1;
	s11 =	sadd.s32 $0x1, s15;
	p0 =	slt.u32 s15, $0x7E;
	s15 =	sadd.s32 $0x2, s15;
	v58 =	vadd.f32 v58, v38;
	v38 =	vmul.f32 v57, v6;
	v57 =	vld.idx.msk [tilespmem:v55+s29+$0x0], $0xffff  }
0x220: {  	v42 =	vand.u32 $0x7F, v42;
	v60 =	vadd.s32 s11, v1;
	v55 =	vld.idx.msk [tilespmem:v55+s26+$0x0], $0xffff;
	v47 =	vadd.f32 v59, v47  }
0x221: {  	v45 =	vsub.f32 v45, v40;
	v59 =	vor.u32 v11, v42;
	v60 =	vand.u32 $0x7F, v60;
	v61 =	vld.idx.msk [tilespmem:v52+s29+$0x0], $0xffff  }
0x222: {  	v37 =	vsub.f32 v37, v50;
	v62 =	vor.u32 v11, v60;
	v63 =	vor.u32 v12, v60;
	v20 =	vld.idx.msk [tilespmem:v46+s29+$0x0], $0xffff  }
0x223: {  	v53 =	vsub.f32 v53, v43;
	v22 =	vor.u32 v16, v60;
	v23 =	vor.u32 v15, v60;
	v52 =	vld.idx.msk [tilespmem:v52+s26+$0x0], $0xffff  }
0x224: {  	v24 =	vor.u32 v16, v42;
	v25 =	vor.u32 v13, v42;
	v26 =	vld.idx.msk [tilespmem:v35+s29+$0x0], $0xffff;
	v35 =	vor.u32 v15, v42  }
0x225: {  	v27 =	vor.u32 v14, v42;
	v41 =	vadd.f32 v38, v41;
	[tilespmem:v39+s0+$0x0] =	vst.idx.msk $0xffff, v56;
	v46 =	vld.idx.msk [tilespmem:v46+s26+$0x0], $0xffff  }
0x226: {  	v38 =	vmul.f32 v45, v4;
	v45 =	vmul.f32 v37, v7;
	v56 =	vor.u32 v12, v42;
	v28 =	vld.idx.msk [tilespmem:v59+s29+$0x0], $0xffff  }
0x227: {  	v54 =	vsub.f32 v54, v51;
	v57 =	vsub.f32 v57, v55;
	v37 =	vld.idx.msk [tilespmem:v63+s29+$0x0], $0xffff;
	[tilespmem:v33+s0+$0x0] =	vst.idx.msk $0xffff, v47  }
0x228: {  	v40 =	vadd.f32 v38, v40;
	v47 =	vmul.f32 v53, v8;
	v29 =	vld.idx.msk [tilespmem:v62+s29+$0x0], $0xffff;
	[tilespmem:v33+s3+$0x0] =	vst.idx.msk $0xffff, v49  }
0x229: {  	v45 =	vadd.f32 v45, v50;
	v50 =	vmul.f32 v57, v6;
	v49 =	vmul.f32 v54, v5;
	v38 =	vld.idx.msk [tilespmem:v25+s26+$0x0], $0xffff  }
0x22a: {  	v26 =	vsub.f32 v26, v34;
	v43 =	vadd.f32 v47, v43;
	v53 =	vld.idx.msk [tilespmem:v27+s29+$0x0], $0xffff;
	[tilespmem:v39+s3+$0x0] =	vst.idx.msk $0xffff, v48  }
0x22b: {  	v48 =	vadd.f32 v49, v51;
	v49 =	vadd.f32 v50, v55;
	v47 =	vld.idx.msk [tilespmem:v35+s26+$0x0], $0xffff;
	[tilespmem:v33+s6+$0x0] =	vst.idx.msk $0xffff, v45  }
0x22c: {  	v26 =	vmul.f32 v26, v5;
	v25 =	vld.idx.msk [tilespmem:v25+s29+$0x0], $0xffff;
	[tilespmem:v39+s6+$0x0] =	vst.idx.msk $0xffff, v44;
	v44 =	vsub.f32 v61, v52  }
0x22d: {  	v20 =	vsub.f32 v20, v46;
	v27 =	vld.idx.msk [tilespmem:v27+s26+$0x0], $0xffff;
	[tilespmem:v33+s7+$0x0] =	vst.idx.msk $0xffff, v48  }
0x22e: {  	v26 =	vadd.f32 v26, v34;
	v48 =	vld.idx.msk [tilespmem:v24+s29+$0x0], $0xffff;
	v34 =	vmul.f32 v44, v4;
	[tilespmem:v33+s5+$0x0] =	vst.idx.msk $0xffff, v43  }
0x22f: {  	v43 =	vld.idx.msk [tilespmem:v22+s29+$0x0], $0xffff;
	[tilespmem:v33+s4+$0x0] =	vst.idx.msk $0xffff, v49  }
0x230: {  	v44 =	vld.idx.msk [tilespmem:v56+s29+$0x0], $0xffff;
	[tilespmem:v39+s7+$0x0] =	vst.idx.msk $0xffff, v26;
	v26 =	vadd.f32 v34, v52  }
0x231: {  	v45 =	vor.u32 v17, v42;
	v20 =	vmul.f32 v20, v3;
	v22 =	vld.idx.msk [tilespmem:v22+s26+$0x0], $0xffff;
	[tilespmem:v39+s5+$0x0] =	vst.idx.msk $0xffff, v58  }
0x232: {  	v50 =	vld.idx.msk [tilespmem:v56+s26+$0x0], $0xffff;
	[tilespmem:v39+s4+$0x0] =	vst.idx.msk $0xffff, v41;
	v34 =	vmov v47  }
0x233: {  	v20 =	vadd.f32 v20, v46;
	v49 =	vor.u32 v18, v42;
	v24 =	vld.idx.msk [tilespmem:v24+s26+$0x0], $0xffff;
	[tilespmem:v39+s19+$0x0] =	vst.idx.msk $0xffff, v36  }
0x234: {  	v36 =	vsub.f32 v53, v27;
	v51 =	vld.idx.msk [tilespmem:v59+s26+$0x0], $0xffff;
	[tilespmem:v39+s1+$0x0] =	vst.idx.msk $0xffff, v40  }
0x235: {  	v39 =	vor.u32 v13, v60;
	v47 =	vld.idx.msk [tilespmem:v62+s26+$0x0], $0xffff;
	[tilespmem:v33+s19+$0x0] =	vst.idx.msk $0xffff, v20  }
0x236: {  	v36 =	vmul.f32 v36, v3;
	v20 =	vld.idx.msk [tilespmem:v45+s29+$0x0], $0xffff;
	[tilespmem:v33+s1+$0x0] =	vst.idx.msk $0xffff, v26  }
0x237: {  	v26 =	vsub.f32 v43, v22;
	v33 =	vor.u32 v2, v60;
	v41 =	vld.idx.msk [tilespmem:v45+s26+$0x0], $0xffff  }
0x238: {  	v46 =	vor.u32 v14, v60;
	v43 =	vsub.f32 v44, v50;
	v36 =	vadd.f32 v36, v27;
	v45 =	vld.idx.msk [tilespmem:v49+s29+$0x0], $0xffff  }
0x239: {  	v52 =	vor.u32 v18, v60;
	v27 =	vsub.f32 v48, v24;
	v26 =	vmul.f32 v26, v10;
	v40 =	vld.idx.msk [tilespmem:v49+s26+$0x0], $0xffff  }
.Ltmp12:
0x23a: {  	v55 =	vor.u32 v17, v60;
	v28 =	vsub.f32 v28, v51;
	v44 =	vmul.f32 v43, v7;
	v43 =	vld.idx.msk [tilespmem:v39+s26+$0x0], $0xffff;
	(pc) =	sbr.rel @p0 .LBB2_23-.Ltmp12, $4  }
0x23b: {  	v25 =	vsub.f32 v25, v38;
	v27 =	vmul.f32 v27, v10;
	v49 =	vadd.f32 v26, v22;
	v53 =	vld.idx.msk [tilespmem:v39+s29+$0x0], $0xffff  }
0x23c: {  	v26 =	vsub.f32 v29, v47;
	v22 =	vmul.f32 v28, v9;
	v44 =	vadd.f32 v44, v50;
	v50 =	vld.idx.msk [tilespmem:v63+s26+$0x0], $0xffff  }
0x23d: {  	v58 =	vmul.f32 v25, v8;
	v48 =	vadd.f32 v27, v24;
	v57 =	vsub.f32 v20, v41;
	v54 =	vld.idx.msk [tilespmem:v23+s29+$0x0], $0xffff  }
0x23e: {  	v39 =	vor.u32 v2, v42;
	v59 =	vmul.f32 v26, v9;
	v56 =	vadd.f32 v22, v51;
	v51 =	vld.idx.msk [tilespmem:v23+s26+$0x0], $0xffff  }
0x23f: {  	_ =	sdelay $0x3  }
0x240: {  	v20 =	vld.idx.msk [tilespmem:v55+s29+$0x0], $0xffff  }
0x241: {  	v22 =	vld.idx.msk [tilespmem:v55+s26+$0x0], $0xffff  }
0x242: {  	v26 =	vld.idx.msk [tilespmem:v35+s29+$0x0], $0xffff  }
0x243: {  	v23 =	vld.idx.msk [tilespmem:v52+s29+$0x0], $0xffff  }
0x244: {  	v24 =	vld.idx.msk [tilespmem:v46+s29+$0x0], $0xffff;
	v28 =	vadd.f32 v59, v47;
	[tilespmem:v39+s0+$0x0] =	vst.idx.msk $0xffff, v56;
	v25 =	vsub.f32 v37, v50  }
0x245: {  	v63 =	vld.idx.msk [tilespmem:v46+s26+$0x0], $0xffff;
	v46 =	vsub.f32 v53, v43;
	[tilespmem:v39+s3+$0x0] =	vst.idx.msk $0xffff, v48;
	v42 =	vsub.f32 v54, v51  }
0x246: {  	v27 =	vadd.f32 v58, v38;
	v29 =	vld.idx.msk [tilespmem:v52+s26+$0x0], $0xffff;
	[tilespmem:v33+s0+$0x0] =	vst.idx.msk $0xffff, v28;
	v25 =	vmul.f32 v25, v7  }
0x247: {  	v47 =	vmul.f32 v46, v8;
	v26 =	vsub.f32 v26, v34;
	v28 =	vmul.f32 v42, v5  }
0x248: {  	[tilespmem:v39+s6+$0x0] =	vst.idx.msk $0xffff, v44;
	v20 =	vsub.f32 v20, v22;
	v25 =	vadd.f32 v25, v50  }
0x249: {  	[tilespmem:v33+s3+$0x0] =	vst.idx.msk $0xffff, v49;
	v26 =	vmul.f32 v26, v5;
	v28 =	vadd.f32 v28, v51  }
0x24a: {  	v20 =	vmul.f32 v20, v6;
	[tilespmem:v33+s6+$0x0] =	vst.idx.msk $0xffff, v25;
	v25 =	vadd.f32 v47, v43  }
0x24b: {  	v49 =	vmul.f32 v57, v6;
	v26 =	vadd.f32 v26, v34;
	[tilespmem:v33+s7+$0x0] =	vst.idx.msk $0xffff, v28  }
0x24c: {  	v20 =	vadd.f32 v20, v22;
	v22 =	vsub.f32 v45, v40;
	[tilespmem:v33+s5+$0x0] =	vst.idx.msk $0xffff, v25  }
0x24d: {  	v24 =	vsub.f32 v24, v63;
	v25 =	vadd.f32 v49, v41;
	[tilespmem:v39+s7+$0x0] =	vst.idx.msk $0xffff, v26  }
0x24e: {  	[tilespmem:v33+s4+$0x0] =	vst.idx.msk $0xffff, v20;
	v20 =	vmul.f32 v22, v4;
	v22 =	vsub.f32 v23, v29  }
0x24f: {  	[tilespmem:v39+s5+$0x0] =	vst.idx.msk $0xffff, v27;
	v23 =	vmul.f32 v24, v3  }
0x250: {  	[tilespmem:v39+s4+$0x0] =	vst.idx.msk $0xffff, v25;
	v20 =	vadd.f32 v20, v40;
	v22 =	vmul.f32 v22, v4  }
0x251: {  	[tilespmem:v39+s19+$0x0] =	vst.idx.msk $0xffff, v36;
	v23 =	vadd.f32 v23, v63  }
0x252: {  	v22 =	vadd.f32 v22, v29;
	[tilespmem:v39+s1+$0x0] =	vst.idx.msk $0xffff, v20  }
0x253: {  	[tilespmem:v33+s19+$0x0] =	vst.idx.msk $0xffff, v23  }
0x254: {  	[tilespmem:v33+s1+$0x0] =	vst.idx.msk $0xffff, v22  }
0x255: {  	v27 =	vld [tilespmem:$0x1FFB0]  }
0x256: {  	v49 =	vld [tilespmem:$0x1FFE0]  }
0x257: {  	v29 =	vld [tilespmem:$0x1FFC0]  }
0x258: {  	v23 =	vld [tilespmem:$0x1FF70]  }
0x259: {  	v25 =	vld [tilespmem:$0x1FF80]  }
0x25a: {  	v50 =	vld [tilespmem:$0x1FFA0]  }
0x25b: {  	v39 =	vld [tilespmem:$0x1FF90]  }
0x25c: {  	v51 =	vld.idx.msk [tilespmem:v31+s30+$0x0], $0xffff  }
0x25d: {  	v53 =	vld.idx.msk [tilespmem:v31+s28+$0x0], $0xffff  }
0x25e: {  	v56 =	vld.idx.msk [tilespmem:v32+s30+$0x0], $0xffff  }
0x25f: {  	v60 =	vld [tilespmem:$0x1FFD0]  }
0x260: {  	v20 =	vld.idx.msk [tilespmem:v27+s30+$0x0], $0xffff  }
0x261: {  	v24 =	vld.idx.msk [tilespmem:v29+s30+$0x0], $0xffff  }
0x262: {  	v36 =	vld.idx.msk [tilespmem:v23+s28+$0x0], $0xffff  }
0x263: {  	v22 =	vld.idx.msk [tilespmem:v25+s30+$0x0], $0xffff  }
0x264: {  	v26 =	vld.idx.msk [tilespmem:v23+s30+$0x0], $0xffff  }
0x265: {  	v23 =	vld.idx.msk [tilespmem:v25+s28+$0x0], $0xffff  }
0x266: {  	v28 =	vld.idx.msk [tilespmem:v50+s30+$0x0], $0xffff  }
0x267: {  	v25 =	vld.idx.msk [tilespmem:v39+s30+$0x0], $0xffff  }
0x268: {  	v37 =	vld.idx.msk [tilespmem:v29+s28+$0x0], $0xffff  }
0x269: {  	v34 =	vor.u32 v15, v19;
	v52 =	vld.idx.msk [tilespmem:v39+s28+$0x0], $0xffff  }
0x26a: {  	v54 =	vld.idx.msk [tilespmem:v50+s28+$0x0], $0xffff  }
0x26b: {  	v55 =	vld.idx.msk [tilespmem:v27+s28+$0x0], $0xffff  }
0x26c: {  	v27 =	vld.idx.msk [tilespmem:v32+s28+$0x0], $0xffff  }
0x26d: {  	v63 =	vsub.f32 v24, v37;
	v24 =	vld [tilespmem:$0x1FFF0]  }
0x26e: {  	v33 =	vld.idx.msk [tilespmem:v34+s28+$0x0], $0xffff  }
0x26f: {  	v38 =	vor.u32 v18, v21;
	v42 =	vor.u32 v17, v21;
	v58 =	vsub.f32 v51, v53;
	v35 =	vld.idx.msk [tilespmem:v49+s30+$0x0], $0xffff  }
0x270: {  	v19 =	vor.u32 v2, v19;
	v29 =	vld.idx.msk [tilespmem:v30+s30+$0x0], $0xffff;
	v22 =	vsub.f32 v22, v23;
	v57 =	vsub.f32 v25, v52  }
0x271: {  	v59 =	vmul.f32 v58, v7;
	v25 =	vld.idx.msk [tilespmem:v30+s28+$0x0], $0xffff;
	v30 =	vsub.f32 v28, v54;
	v20 =	vsub.f32 v20, v55  }
0x272: {  	v39 =	vld.idx.msk [tilespmem:v60+s30+$0x0], $0xffff;
	v62 =	vsub.f32 v26, v36;
	v43 =	vsub.f32 v56, v27;
	v32 =	vmul.f32 v57, v10  }
0x273: {  	v28 =	vld.idx.msk [tilespmem:v60+s28+$0x0], $0xffff;
	v31 =	vmul.f32 v22, v3;
	v22 =	vor.u32 v2, v21;
	v61 =	vmul.f32 v30, v10  }
0x274: {  	v20 =	vmul.f32 v20, v9;
	v44 =	vmul.f32 v62, v8;
	v30 =	vadd.f32 v32, v52;
	v32 =	vld.idx.msk [tilespmem:v49+s28+$0x0], $0xffff  }
0x275: {  	v23 =	vadd.f32 v31, v23;
	v31 =	vor.u32 v14, v21;
	v21 =	vadd.f32 v59, v53;
	v40 =	vld.idx.msk [tilespmem:v24+s30+$0x0], $0xffff  }
0x276: {  	s15 =	simm.s32 $0x2;
	v45 =	vmul.f32 v63, v9;
	v26 =	vadd.f32 v61, v54;
	v41 =	vadd.f32 v20, v55;
	v24 =	vld.idx.msk [tilespmem:v24+s28+$0x0], $0xffff  }
.LBB2_25:
0x277: {  	v20 =	vadd.s32 s15, v1;
	s11 =	sadd.s32 $0x1, s15;
	p0 =	slt.u32 s15, $0x7E;
	s15 =	sadd.s32 $0x2, s15;
	v44 =	vadd.f32 v44, v36;
	v36 =	vmul.f32 v43, v6;
	v43 =	vld.idx.msk [tilespmem:v42+s30+$0x0], $0xffff  }
0x278: {  	v20 =	vand.u32 $0x7F, v20;
	v46 =	vadd.s32 s11, v1;
	v42 =	vld.idx.msk [tilespmem:v42+s28+$0x0], $0xffff;
	v37 =	vadd.f32 v45, v37  }
0x279: {  	v29 =	vsub.f32 v29, v25;
	v45 =	vor.u32 v11, v20;
	v46 =	vand.u32 $0x7F, v46;
	v47 =	vld.idx.msk [tilespmem:v38+s30+$0x0], $0xffff  }
0x27a: {  	v35 =	vsub.f32 v35, v32;
	v48 =	vor.u32 v11, v46;
	v49 =	vor.u32 v12, v46;
	v50 =	vld.idx.msk [tilespmem:v31+s30+$0x0], $0xffff  }
0x27b: {  	v39 =	vsub.f32 v39, v28;
	v51 =	vor.u32 v16, v46;
	v52 =	vor.u32 v15, v46;
	v38 =	vld.idx.msk [tilespmem:v38+s28+$0x0], $0xffff  }
0x27c: {  	v53 =	vor.u32 v16, v20;
	v54 =	vor.u32 v13, v20;
	v55 =	vld.idx.msk [tilespmem:v34+s30+$0x0], $0xffff;
	v34 =	vor.u32 v15, v20  }
0x27d: {  	v56 =	vor.u32 v14, v20;
	v27 =	vadd.f32 v36, v27;
	[tilespmem:v19+s24+$0x0] =	vst.idx.msk $0xffff, v41;
	v31 =	vld.idx.msk [tilespmem:v31+s28+$0x0], $0xffff  }
0x27e: {  	v29 =	vmul.f32 v29, v4;
	v58 =	vmul.f32 v35, v7;
	v41 =	vor.u32 v12, v20;
	v57 =	vld.idx.msk [tilespmem:v45+s30+$0x0], $0xffff  }
0x27f: {  	v40 =	vsub.f32 v40, v24;
	v43 =	vsub.f32 v43, v42;
	v35 =	vld.idx.msk [tilespmem:v49+s30+$0x0], $0xffff;
	[tilespmem:v22+s24+$0x0] =	vst.idx.msk $0xffff, v37  }
0x280: {  	v25 =	vadd.f32 v29, v25;
	v29 =	vmul.f32 v39, v8;
	v59 =	vld.idx.msk [tilespmem:v48+s30+$0x0], $0xffff;
	[tilespmem:v22+s25+$0x0] =	vst.idx.msk $0xffff, v30  }
0x281: {  	v37 =	vmul.f32 v43, v6;
	v30 =	vadd.f32 v58, v32;
	v32 =	vmul.f32 v40, v5;
	v36 =	vld.idx.msk [tilespmem:v54+s28+$0x0], $0xffff  }
0x282: {  	v40 =	vsub.f32 v55, v33;
	v39 =	vld.idx.msk [tilespmem:v56+s30+$0x0], $0xffff;
	[tilespmem:v19+s25+$0x0] =	vst.idx.msk $0xffff, v26;
	v26 =	vadd.f32 v29, v28  }
0x283: {  	v24 =	vadd.f32 v32, v24;
	v29 =	vadd.f32 v37, v42;
	v28 =	vld.idx.msk [tilespmem:v34+s28+$0x0], $0xffff;
	[tilespmem:v22+s2+$0x0] =	vst.idx.msk $0xffff, v30  }
0x284: {  	v32 =	vmul.f32 v40, v5;
	v30 =	vld.idx.msk [tilespmem:v54+s30+$0x0], $0xffff;
	[tilespmem:v19+s2+$0x0] =	vst.idx.msk $0xffff, v21;
	v21 =	vsub.f32 v47, v38  }
0x285: {  	v37 =	vsub.f32 v50, v31;
	v40 =	vld.idx.msk [tilespmem:v56+s28+$0x0], $0xffff;
	[tilespmem:v22+s17+$0x0] =	vst.idx.msk $0xffff, v24  }
0x286: {  	v32 =	vadd.f32 v32, v33;
	v24 =	vld.idx.msk [tilespmem:v53+s30+$0x0], $0xffff;
	v21 =	vmul.f32 v21, v4;
	[tilespmem:v22+s10+$0x0] =	vst.idx.msk $0xffff, v26  }
0x287: {  	v26 =	vld.idx.msk [tilespmem:v51+s30+$0x0], $0xffff;
	[tilespmem:v22+s12+$0x0] =	vst.idx.msk $0xffff, v29  }
0x288: {  	v42 =	vld.idx.msk [tilespmem:v41+s30+$0x0], $0xffff;
	[tilespmem:v19+s17+$0x0] =	vst.idx.msk $0xffff, v32;
	v21 =	vadd.f32 v21, v38  }
0x289: {  	v37 =	vmul.f32 v37, v3;
	v29 =	vor.u32 v17, v20;
	v32 =	vld.idx.msk [tilespmem:v51+s28+$0x0], $0xffff;
	[tilespmem:v19+s10+$0x0] =	vst.idx.msk $0xffff, v44  }
0x28a: {  	v33 =	vmov v28;
	v41 =	vld.idx.msk [tilespmem:v41+s28+$0x0], $0xffff;
	[tilespmem:v19+s12+$0x0] =	vst.idx.msk $0xffff, v27  }
0x28b: {  	v28 =	vor.u32 v18, v20;
	v43 =	vld.idx.msk [tilespmem:v53+s28+$0x0], $0xffff;
	[tilespmem:v19+s13+$0x0] =	vst.idx.msk $0xffff, v23;
	v23 =	vadd.f32 v37, v31  }
0x28c: {  	v27 =	vsub.f32 v39, v40;
	v45 =	vld.idx.msk [tilespmem:v45+s28+$0x0], $0xffff;
	[tilespmem:v19+s14+$0x0] =	vst.idx.msk $0xffff, v25  }
0x28d: {  	v19 =	vor.u32 v13, v46;
	v37 =	vld.idx.msk [tilespmem:v48+s28+$0x0], $0xffff;
	[tilespmem:v22+s13+$0x0] =	vst.idx.msk $0xffff, v23  }
0x28e: {  	v23 =	vmul.f32 v27, v3;
	v47 =	vld.idx.msk [tilespmem:v29+s30+$0x0], $0xffff;
	[tilespmem:v22+s14+$0x0] =	vst.idx.msk $0xffff, v21  }
0x28f: {  	v21 =	vsub.f32 v26, v32;
	v22 =	vor.u32 v2, v46;
	v27 =	vld.idx.msk [tilespmem:v29+s28+$0x0], $0xffff  }
0x290: {  	v31 =	vor.u32 v14, v46;
	v26 =	vsub.f32 v42, v41;
	v23 =	vadd.f32 v23, v40;
	v29 =	vld.idx.msk [tilespmem:v28+s30+$0x0], $0xffff  }
0x291: {  	v38 =	vor.u32 v18, v46;
	v24 =	vsub.f32 v24, v43;
	v21 =	vmul.f32 v21, v10;
	v25 =	vld.idx.msk [tilespmem:v28+s28+$0x0], $0xffff  }
.Ltmp13:
0x292: {  	v42 =	vor.u32 v17, v46;
	v40 =	vsub.f32 v57, v45;
	v26 =	vmul.f32 v26, v7;
	v28 =	vld.idx.msk [tilespmem:v19+s28+$0x0], $0xffff;
	(pc) =	sbr.rel @p0 .LBB2_25-.Ltmp13, $4  }
0x293: {  	v44 =	vsub.f32 v30, v36;
	v24 =	vmul.f32 v24, v10;
	v30 =	vadd.f32 v21, v32;
	v39 =	vld.idx.msk [tilespmem:v19+s30+$0x0], $0xffff  }
0x294: {  	v46 =	vsub.f32 v59, v37;
	v19 =	vmul.f32 v40, v9;
	v21 =	vadd.f32 v26, v41;
	v32 =	vld.idx.msk [tilespmem:v49+s28+$0x0], $0xffff  }
0x295: {  	v44 =	vmul.f32 v44, v8;
	v26 =	vadd.f32 v24, v43;
	v43 =	vsub.f32 v47, v27;
	v40 =	vld.idx.msk [tilespmem:v52+s30+$0x0], $0xffff  }
0x296: {  	v41 =	vadd.f32 v19, v45;
	v19 =	vor.u32 v2, v20;
	v45 =	vmul.f32 v46, v9;
	v24 =	vld.idx.msk [tilespmem:v52+s28+$0x0], $0xffff  }
0x297: {  	_ =	sdelay $0x3  }
0x298: {  	v2 =	vld.idx.msk [tilespmem:v42+s30+$0x0], $0xffff  }
0x299: {  	v9 =	vld.idx.msk [tilespmem:v42+s28+$0x0], $0xffff  }
0x29a: {  	v13 =	vld.idx.msk [tilespmem:v34+s30+$0x0], $0xffff  }
0x29b: {  	v10 =	vld.idx.msk [tilespmem:v38+s30+$0x0], $0xffff  }
0x29c: {  	v11 =	vld.idx.msk [tilespmem:v31+s30+$0x0], $0xffff;
	v15 =	vadd.f32 v45, v37;
	[tilespmem:v19+s24+$0x0] =	vst.idx.msk $0xffff, v41;
	v12 =	vsub.f32 v35, v32  }
0x29d: {  	v16 =	vld.idx.msk [tilespmem:v38+s28+$0x0], $0xffff;
	v18 =	vsub.f32 v39, v28;
	[tilespmem:v19+s25+$0x0] =	vst.idx.msk $0xffff, v26;
	v56 =	vsub.f32 v40, v24  }
0x29e: {  	v14 =	vadd.f32 v44, v36;
	v17 =	vld.idx.msk [tilespmem:v31+s28+$0x0], $0xffff;
	[tilespmem:v22+s24+$0x0] =	vst.idx.msk $0xffff, v15;
	v7 =	vmul.f32 v12, v7  }
0x29f: {  	v8 =	vmul.f32 v18, v8;
	v13 =	vsub.f32 v13, v33;
	v12 =	vmul.f32 v56, v5  }
0x2a0: {  	[tilespmem:v19+s2+$0x0] =	vst.idx.msk $0xffff, v21;
	v2 =	vsub.f32 v2, v9;
	v7 =	vadd.f32 v7, v32  }
0x2a1: {  	[tilespmem:v22+s25+$0x0] =	vst.idx.msk $0xffff, v30;
	v58 =	vmul.f32 v13, v5;
	v12 =	vadd.f32 v12, v24  }
0x2a2: {  	v57 =	vadd.f32 v8, v28;
	v2 =	vmul.f32 v2, v6;
	[tilespmem:v22+s2+$0x0] =	vst.idx.msk $0xffff, v7  }
0x2a3: {  	v61 =	vsub.f32 v11, v17;
	v5 =	vadd.f32 v58, v33;
	[tilespmem:v22+s17+$0x0] =	vst.idx.msk $0xffff, v12  }
0x2a4: {  	v59 =	vmul.f32 v43, v6;
	v2 =	vadd.f32 v2, v9;
	[tilespmem:v22+s10+$0x0] =	vst.idx.msk $0xffff, v57  }
0x2a5: {  	v62 =	vsub.f32 v10, v16;
	v3 =	vmul.f32 v61, v3;
	[tilespmem:v19+s17+$0x0] =	vst.idx.msk $0xffff, v5  }
0x2a6: {  	v60 =	vsub.f32 v29, v25;
	v6 =	vadd.f32 v59, v27;
	[tilespmem:v22+s12+$0x0] =	vst.idx.msk $0xffff, v2  }
0x2a7: {  	v63 =	vmul.f32 v62, v4;
	v3 =	vadd.f32 v3, v17;
	[tilespmem:v19+s10+$0x0] =	vst.idx.msk $0xffff, v14  }
0x2a8: {  	v2 =	vmul.f32 v60, v4;
	[tilespmem:v19+s12+$0x0] =	vst.idx.msk $0xffff, v6  }
.Ltmp14:
0x2a9: {  	v4 =	vadd.f32 v63, v16;
	[tilespmem:v22+s13+$0x0] =	vst.idx.msk $0xffff, v3;
	(pc) =	sbr.rel @p1 .LBB2_28-.Ltmp14, $4  }
0x2aa: {  	v2 =	vadd.f32 v2, v25;
	[tilespmem:v19+s13+$0x0] =	vst.idx.msk $0xffff, v23  }
0x2ab: {  	s11 =	sshll.u32 s16, $0xB;
	s15 =	rddreg [dreg:$0x4];
	[tilespmem:v22+s14+$0x0] =	vst.idx.msk $0xffff, v4  }
0x2ac: {  	s16 =	simm.s32 $0x0;
	s11 =	sadd.s32 s15, s11;
	[tilespmem:v19+s14+$0x0] =	vst.idx.msk $0xffff, v2  }
0x2ad: {  	[hbm4b:s11+s16] =	stream.linear.scatter [tilespmem:s0], [sflag:$0x4], $0x8000, $0x38;
	[tilespmem:$0x18200] =	vst v63  }
0x2ae: {  	s11 =	sadd.s32 $0x6, s9;
	s15 =	rddreg [dreg:$0x6]  }
0x2af: {  	s15 =	sadd.s32 s15, s11  }
0x2b0: {  	s11 =	sshll.u32 s11, $0x4;
	s3 =	sshll.u32 s15, $0x4  }
0x2b1: {  	s11 =	sand.u32 $0x60, s11;
	s3 =	sand.u32 $0x1FF80, s3  }
0x2b2: {  	s31 =	rddreg [dreg:$0x2];
	s3 =	sor.u32 s11, s3  }
0x2b3: {  	s0 =	simm.s32 $0x0;
	s11 =	sadd.s32 s31, s3  }
0x2b4: {  	[tilespmem:s26], [sflag:$0x2] =	stream.linear.gather [hbm4b:s11+s0], $0x80, $0x38;
	[tilespmem:$0x18200] =	vst v63  }
0x2b5: {  	s9 =	rddreg [dreg:$0x7];
	s6 =	sshll.u32 s15, $0xA;
	s11 =	sadd.s32 $0x10, s11  }
0x2b6: {  	[tilespmem:s28], [sflag:$0x2] =	stream.linear.gather [hbm4b:s11+s0], $0x80, $0x38;
	[tilespmem:$0x18200] =	vst v63  }
0x2b7: {  	s11 =	sadd.s32 s9, s6  }
0x2b8: {  	[tilespmem:s29], [sflag:$0x2] =	stream.linear.gather [hbm4b:s11+s0], $0x1F00, $0x38;
	[tilespmem:$0x18200] =	vst v63  }
0x2b9: {  	s11 =	sadd.s32 $0x400, s11  }
0x2ba: {  	[tilespmem:s30], [sflag:$0x2] =	stream.linear.gather [hbm4b:s11+s0], $0x1F00, $0x38;
	[tilespmem:$0x18200] =	vst v63  }
.Ltmp15:
0x2bb: {  	s16 =	rddreg [dreg:$0x3];
	(pc) =	sbr.rel .LBB2_18-.Ltmp15, $4  }
0x2bc: {  	s18 =	simm.s32 $0x6180;
	s11 =	sadd.s32 s16, s3  }
0x2bd: {  	[tilespmem:s18], [sflag:$0x2] =	stream.linear.gather [hbm4b:s11+s0], $0x80, $0x38;
	[tilespmem:$0x18200] =	vst v63  }
0x2be: {  	s8 =	sadd.s32 $0x1, s8;
	s31 =	simm.s32 $0x8180;
	s11 =	sadd.s32 $0x10, s11  }
0x2bf: {  	[tilespmem:s31], [sflag:$0x2] =	stream.linear.gather [hbm4b:s11+s0], $0x80, $0x38;
	[tilespmem:$0x18200] =	vst v63  }
.LBB2_29:
0x2c0: {  	_ =	sfence.sel $0x180000  }
0x2c1: {  	[bflag:$0x0] =	sbarrier.arrive $0xFFFF  }
0x2c2: {  	_ =	strace $0x90000047  }
0x2c3: {  	s0 =	stileid.u32;
	[bflag:$0x2] =	sbarrier.arrive $0xFFFF  }
0x2c4: {  	p0 =	sne.s32 s0, $0x0;
	s0 =	rddreg [dreg:$0x5]  }
0x2c5: {  	s0 =	sadd.s32 @!p0 $0x100000, s0  }
0x2c6: {  	[sflag:s0] =	ssyncadd.tile.s32 @!p0 $0x1;
	_ =	shalt  }
.Lfunc_end2:
_tile_overlayer_lowered:
.L_overlay_start_2:
0x2c7: {  	(tag) =	ssettag $0x2  }
0x2c8: {  	s0 =	rddreg [dreg:$0x0];
	s2 =	stileid.u32  }
0x2c9: {  	s1 =	rddreg [dreg:$0x1];
	p0 =	sne.s32 s2, $0x0  }
0x2ca: {  	s3 =	rddreg [dreg:$0x2];
	[bflag:$0x3] =	sbarrier.arrive $0xFFFF;
	s2 =	simm.s32 @!p0 $0x1C05  }
0x2cb: {  	[timem:s3], [sflag:s2] =	dma.local @!p0 [hbm:s0], s1  }
0x2cc: {  	s0 =	simm.s32 @!p0 $0x5  }
0x2cd: {  	_ =	swait.ge @!p0 [sflag:s0], s1  }
0x2ce: {  	s1 =	ssub.s32 @!p0 $0x0, s1;
	[sflag:s0] =	ssyncset.done @!p0 $0x0  }
0x2cf: {  	[sflag:s0] =	ssyncadd.s32 @!p0 s1  }
0x2d0: {  	[bflag:$0x3] =	sbarrier.arrive $0xFFFF  }
0x2d1: {  	_ =	shalt  }

</sc_bundles>
